<compile_context>
chip_gen: v7x
topology: tpu7x:2x2x1
jax: 0.10.2.dev20260603
libtpu: 0.0.44.dev20260713+nightly
codegen_flags: <defaults>
</compile_context>

<pallas_src>
import functools

import jax
import jax.numpy as jnp
from jax import lax
from jax.experimental import pallas as pl
from jax.experimental.pallas import tpu as pltpu
from jax.experimental.pallas import tpu_sc as plsc

N = 10000
D = 256
H = 128
E = 160000
NPAD = 10112
ZR = NPAD // 16
CH = 128
EPT = 10112
EPAD = EPT * 16
NCH = EPT // CH

_PREC = lax.Precision.DEFAULT
_DN = (((1,), (0,)), ((), ()))

RB = 2000


def _dot(a, b):
    return lax.dot_general(a, b, _DN, precision=_PREC,
                           preferred_element_type=jnp.float32)



def _mm1_body(x_ref, w_ref, o_ref):
    res = _dot(x_ref[...], w_ref[...])
    o_ref[0] = res[:, :H]
    o_ref[1] = res[:, H:]


def _mid_body(agg_ref, b_ref, w_ref, o_ref):
    h = jnp.concatenate([agg_ref[0], agg_ref[1]], axis=1)
    h = jnp.maximum(h + b_ref[...], 0.0)
    res = _dot(h, w_ref[...])
    o_ref[0] = res[:, :H]
    o_ref[1] = res[:, H:]


def _ff_body(agg_ref, bg_ref, w1_ref, b1_ref, w2_ref, b2_ref,
             w3_ref, b3_ref, ws_ref, bs_ref, o_ref):
    h = jnp.concatenate([agg_ref[0], agg_ref[1]], axis=1) + bg_ref[...]
    z = jnp.maximum(_dot(h, w1_ref[...]) + b1_ref[...], 0.0)
    z = jnp.maximum(_dot(z, w2_ref[...]) + b2_ref[...], 0.0)
    z = jnp.maximum(_dot(z, w3_ref[...]) + b3_ref[...], 0.0)
    o_ref[...] = z + _dot(h, ws_ref[...]) + bs_ref[...]


def _mm1(x, w):
    return pl.pallas_call(
        _mm1_body,
        grid=(N // RB,),
        in_specs=[
            pl.BlockSpec((RB, D), lambda i: (i, 0)),
            pl.BlockSpec((D, D), lambda i: (0, 0)),
        ],
        out_specs=pl.BlockSpec((2, RB, H), lambda i: (0, i, 0)),
        out_shape=jax.ShapeDtypeStruct((2, N, H), jnp.float32),
    )(x, w)


def _mid(agg, b, w):
    return pl.pallas_call(
        _mid_body,
        grid=(N // RB,),
        in_specs=[
            pl.BlockSpec((2, RB, H), lambda i: (0, i, 0)),
            pl.BlockSpec((1, D), lambda i: (0, 0)),
            pl.BlockSpec((D, D), lambda i: (0, 0)),
        ],
        out_specs=pl.BlockSpec((2, RB, H), lambda i: (0, i, 0)),
        out_shape=jax.ShapeDtypeStruct((2, N, H), jnp.float32),
    )(agg, b, w)


def _ff(agg, bg, w1, b1, w2, b2, w3, b3, ws, bs):
    wspec = pl.BlockSpec((D, D), lambda i: (0, 0))
    bspec = pl.BlockSpec((1, D), lambda i: (0, 0))
    return pl.pallas_call(
        _ff_body,
        grid=(N // RB,),
        in_specs=[
            pl.BlockSpec((2, RB, H), lambda i: (0, i, 0)),
            bspec, wspec, bspec, wspec, bspec, wspec, bspec, wspec, bspec,
        ],
        out_specs=pl.BlockSpec((RB, D), lambda i: (i, 0)),
        out_shape=jax.ShapeDtypeStruct((N, D), jnp.float32),
    )(agg, bg, w1, b1, w2, b2, w3, b3, ws, bs)



NB = 3
PD = NB - 1


@functools.lru_cache(maxsize=1)
def _make_seg_sum():
    mesh = plsc.VectorSubcoreMesh(core_axis_name="c", subcore_axis_name="s")

    @functools.partial(
        pl.kernel,
        mesh=mesh,
        out_type=jax.ShapeDtypeStruct((2, NPAD, H), jnp.float32),
        scratch_types=[
            pltpu.VMEM((NB, 2, CH), jnp.int32),
            pltpu.VMEM((NB, CH, H), jnp.float32),
            pltpu.VMEM_SHARED((NPAD, H), jnp.float32),
            pltpu.SemaphoreType.DMA((NB,)),
            pltpu.SemaphoreType.DMA((NB,)),
            pltpu.SemaphoreType.DMA((NB,)),
            pltpu.SemaphoreType.DMA,
        ],
    )
    def _seg_sum(table_hbm, idx_hbm, zeros_hbm, out_hbm,
                 idx_v, rows_v, acc, sem_i, sem_g, sem_s, sem_z):
        c = lax.axis_index("c")
        s = lax.axis_index("s")
        pltpu.async_copy(zeros_hbm, acc.at[pl.ds(s * ZR, ZR)], sem_z)

        my_idx = idx_hbm.at[c].at[s]

        def idx_load(j, b):
            pltpu.async_copy(my_idx.at[j], idx_v.at[b], sem_i.at[b])

        def wait_i(b):
            pltpu.make_async_copy(my_idx.at[0], idx_v.at[b], sem_i.at[b]).wait()

        def gather(b):
            pltpu.async_copy(table_hbm.at[idx_v.at[b].at[0]], rows_v.at[b],
                             sem_g.at[b])

        def wait_g(b):
            pltpu.make_async_copy(table_hbm.at[pl.ds(0, CH)], rows_v.at[b],
                                  sem_g.at[b]).wait()

        def scatter(b):
            pltpu.async_copy(rows_v.at[b], acc.at[idx_v.at[b].at[1]],
                             sem_s.at[b], add=True)

        def wait_s(b):
            pltpu.make_async_copy(rows_v.at[b], acc.at[pl.ds(0, CH)],
                                  sem_s.at[b]).wait()

        def step(j, *, ws, di, dg, dsc):
            b = j % NB
            if ws:
                wait_s(b)
            if di:
                idx_load(j, b)
            if dg:
                bg = (j - 1) % NB
                wait_i(bg); gather(bg)
            if dsc:
                bs = (j - PD) % NB
                wait_g(bs); scatter(bs)

        for j in range(NB):
            if j == PD:
                pltpu.make_async_copy(zeros_hbm, acc.at[pl.ds(0, ZR)],
                                      sem_z).wait()
                plsc.subcore_barrier()
            step(j, ws=False, di=True, dg=(j >= 1), dsc=(j >= PD))

        def body(j, carry):
            step(j, ws=True, di=True, dg=True, dsc=True)
            return carry

        lax.fori_loop(NB, NCH, body, 0)

        for j in range(NCH, NCH + PD + 1):
            step(j, ws=True, di=False, dg=(j <= NCH), dsc=(j < NCH + PD))

        plsc.subcore_barrier()
        pltpu.sync_copy(acc.at[pl.ds(s * ZR, ZR)],
                        out_hbm.at[c].at[pl.ds(s * ZR, ZR)])

    return _seg_sum


def _seg_sum_call(table2, idx, zeros):
    return _make_seg_sum()(table2, idx, zeros)



def kernel(x, edge_index, W_g1, b_g1, W_g2, b_g2,
           W_f1, b_f1, W_f2, b_f2, W_f3, b_f3, W_fs, b_fs):
    src = edge_index[0].astype(jnp.int32)
    dst = edge_index[1].astype(jnp.int32)
    pad = EPAD - E
    src_p = jnp.concatenate([src, jnp.zeros((pad,), jnp.int32)])
    dst_p = jnp.concatenate([dst, jnp.full((pad,), N, jnp.int32)])
    idx = jnp.stack([
        jnp.stack([src_p, dst_p]),
        jnp.stack([src_p + N, dst_p]),
    ])
    idx = idx.transpose(0, 2, 1).reshape(2, 16, NCH, CH, 2)
    idx = idx.transpose(0, 1, 2, 4, 3)
    zeros = jnp.zeros((ZR, H), jnp.float32)

    b_g1r = b_g1.reshape(1, D)
    b_g2r = b_g2.reshape(1, D)

    support1 = _mm1(x, W_g1).reshape(2 * N, H)
    agg1 = _seg_sum_call(support1, idx, zeros)
    support2 = _mid(agg1, b_g1r, W_g2).reshape(2 * N, H)
    agg2 = _seg_sum_call(support2, idx, zeros)
    out = _ff(agg2, b_g2r,
              W_f1, b_f1.reshape(1, D), W_f2, b_f2.reshape(1, D),
              W_f3, b_f3.reshape(1, D), W_fs, b_fs.reshape(1, D))
    return out

# --- scband reference (transcript-rebuilt; emitter-appended) ---
"""Pipeline reference for scband-encoder-88871463289325 (READ-ONLY COPY).

The authoritative reference and input builder live on the scoring server;
editing this copy changes nothing except your own understanding.
"""

import jax, jax.numpy as jnp
import numpy as np

N = 10000
E = 160000
D = 256

def _xavier(key, shape):
    lim = float(np.sqrt(6.0 / (shape[0] + shape[1])))
    return jax.random.uniform(key, shape, jnp.float32, -lim, lim)

def setup_inputs(seed: int = 0) -> dict:
    key = jax.random.key(seed)
    ks = jax.random.split(key, 12)
    inp = {}
    inp['x'] = jax.random.normal(ks[0], (N, D), jnp.float32)
    inp['edge_index'] = jax.random.randint(ks[1], (2, E), 0, N)
    # GCN layer weights (2 layers from dimensions=[256,256,256])
    inp['W_g1'] = _xavier(ks[2], (D, D)); inp['b_g1'] = jnp.zeros((D,), jnp.float32)
    inp['W_g2'] = _xavier(ks[3], (D, D)); inp['b_g2'] = jnp.zeros((D,), jnp.float32)
    # local_d FF block: 3 linear+relu layers plus linear shortcut
    inp['W_f1'] = _xavier(ks[4], (D, D)); inp['b_f1'] = jnp.zeros((D,), jnp.float32)
    inp['W_f2'] = _xavier(ks[5], (D, D)); inp['b_f2'] = jnp.zeros((D,), jnp.float32)
    inp['W_f3'] = _xavier(ks[6], (D, D)); inp['b_f3'] = jnp.zeros((D,), jnp.float32)
    inp['W_fs'] = _xavier(ks[7], (D, D)); inp['b_fs'] = jnp.zeros((D,), jnp.float32)
    return inp

def reference(x, edge_index, W_g1, b_g1, W_g2, b_g2, W_f1, b_f1, W_f2, b_f2, W_f3, b_f3, W_fs, b_fs):
    src = edge_index[0]
    dst = edge_index[1]
    # GCN layer 1: support = x W; out = A @ support (scatter-add over edges); act=relu
    support = x @ W_g1
    agg = jax.ops.segment_sum(jnp.take(support, src, axis=0), dst, num_segments=N)
    h = jax.nn.relu(agg + b_g1)
    # GCN layer 2: act = identity (last layer)
    support = h @ W_g2
    agg = jax.ops.segment_sum(jnp.take(support, src, axis=0), dst, num_segments=N)
    h = agg + b_g2
    # node-level branch (x.typ != GRAPHS): hx = self.local_d(hx)  (FF module)
    z = jax.nn.relu(h @ W_f1 + b_f1)
    z = jax.nn.relu(z @ W_f2 + b_f2)
    z = jax.nn.relu(z @ W_f3 + b_f3)
    out = z + (h @ W_fs + b_fs)
    return out

if False:  # reference __main__ guard neutralized (emitter)
    o = reference(**setup_inputs())
    print(o.shape, o.dtype)

if __name__ == "__main__":
    import jax
    _d = setup_inputs()
    print(jax.jit(kernel)(*tuple(_d.values())))

</pallas_src>

<mosaic_0001>
#map = affine_map<(d0, d1) -> (0, 0)>
#map1 = affine_map<(d0, d1) -> (0, 0, 0, 0, 0)>
#map2 = affine_map<(d0, d1) -> (0, 0, 0)>
module attributes {stable_mosaic.version = 14 : i64} {
  func.func @_seg_sum(%arg0: i32, %arg1: i32, %arg2: memref<20000x128xf32, #tpu.memory_space<hbm>>, %arg3: memref<2x16x79x2x128xi32, #tpu.memory_space<hbm>>, %arg4: memref<632x128xf32, #tpu.memory_space<hbm>>, %arg5: memref<2x10112x128xf32, #tpu.memory_space<hbm>>, %arg6: memref<3x2x128xi32, #tpu.memory_space<vmem>>, %arg7: memref<3x128x128xf32, #tpu.memory_space<vmem>>, %arg8: memref<10112x128xf32, #tpu.memory_space<vmem_shared>>, %arg9: memref<3x!tpu.dma_semaphore, #tpu.memory_space<semaphore_mem>>, %arg10: memref<3x!tpu.dma_semaphore, #tpu.memory_space<semaphore_mem>>, %arg11: memref<3x!tpu.dma_semaphore, #tpu.memory_space<semaphore_mem>>, %arg12: memref<!tpu.dma_semaphore, #tpu.memory_space<semaphore_mem>>) attributes {dimension_semantics = [#tpu.dimension_semantics<core_parallel>, #tpu.dimension_semantics<subcore_parallel>], iteration_bounds = array<i64: 2, 16>, scalar_prefetch = 0 : i64, scratch_operands = 7 : i64, tpu.core_type = #tpu.core_type<sc_vector_subcore>, window_params = [{transform_indices = #map}, {transform_indices = #map1}, {transform_indices = #map}, {transform_indices = #map2}]} {
    %mul3A = arith.constant 632 : i32
    %mul3A_0 = arith.muli %arg1, %mul3A : i32
    %dma_start3A = arith.constant 0 : i32
    %dma_start3A_1 = tpu.memref_slice %arg8[%mul3A_0, %dma_start3A] : memref<10112x128xf32, #tpu.memory_space<vmem_shared>> -> memref<632x128xf32, #tpu.memory_space<vmem_shared>>
    tpu.enqueue_dma source(%arg4 : memref<632x128xf32, #tpu.memory_space<hbm>>) target(%dma_start3A_1 : memref<632x128xf32, #tpu.memory_space<vmem_shared>>) target_semaphore(%arg12 : memref<!tpu.dma_semaphore, #tpu.memory_space<semaphore_mem>>)
    %dma_start3A_2 = arith.constant 0 : i32
    %dma_start3A_3 = arith.constant 0 : i32
    %dma_start3A_4 = arith.constant 0 : i32
    %dma_start3A_5 = arith.constant 0 : i32
    %dma_start3A_6 = arith.constant 0 : i32
    %dma_start3A_7 = tpu.memref_slice %arg6[%dma_start3A_3, %dma_start3A_5, %dma_start3A_6] : memref<3x2x128xi32, #tpu.memory_space<vmem>> -> memref<1x2x128xi32, #tpu.memory_space<vmem>>
    %dma_start3A_8 = tpu.memref_squeeze %dma_start3A_7 : memref<1x2x128xi32, #tpu.memory_space<vmem>> -> memref<2x128xi32, #tpu.memory_space<vmem>>
    %dma_start3A_9 = arith.constant 0 : i32
    %dma_start3A_10 = arith.constant 0 : i32
    %dma_start3A_11 = arith.constant 0 : i32
    %dma_start3A_12 = arith.constant 0 : i32
    %dma_start3A_13 = tpu.memref_slice %arg3[%arg0, %dma_start3A_9, %dma_start3A_10, %dma_start3A_11, %dma_start3A_12] : memref<2x16x79x2x128xi32, #tpu.memory_space<hbm>> -> memref<1x16x79x2x128xi32, #tpu.memory_space<hbm>>
    %dma_start3A_14 = tpu.memref_squeeze %dma_start3A_13 : memref<1x16x79x2x128xi32, #tpu.memory_space<hbm>> -> memref<16x79x2x128xi32, #tpu.memory_space<hbm>>
    %dma_start3A_15 = arith.constant 0 : i32
    %dma_start3A_16 = arith.constant 0 : i32
    %dma_start3A_17 = arith.constant 0 : i32
    %dma_start3A_18 = tpu.memref_slice %dma_start3A_14[%arg1, %dma_start3A_15, %dma_start3A_16, %dma_start3A_17] : memref<16x79x2x128xi32, #tpu.memory_space<hbm>> -> memref<1x79x2x128xi32, #tpu.memory_space<hbm>>
    %dma_start3A_19 = tpu.memref_squeeze %dma_start3A_18 : memref<1x79x2x128xi32, #tpu.memory_space<hbm>> -> memref<79x2x128xi32, #tpu.memory_space<hbm>>
    %dma_start3A_20 = arith.constant 0 : i32
    %dma_start3A_21 = arith.constant 0 : i32
    %dma_start3A_22 = tpu.memref_slice %dma_start3A_19[%dma_start3A_2, %dma_start3A_20, %dma_start3A_21] : memref<79x2x128xi32, #tpu.memory_space<hbm>> -> memref<1x2x128xi32, #tpu.memory_space<hbm>>
    %dma_start3A_23 = tpu.memref_squeeze %dma_start3A_22 : memref<1x2x128xi32, #tpu.memory_space<hbm>> -> memref<2x128xi32, #tpu.memory_space<hbm>>
    %dma_start3A_24 = tpu.memref_slice %arg9[%dma_start3A_4] : memref<3x!tpu.dma_semaphore, #tpu.memory_space<semaphore_mem>> -> memref<1x!tpu.dma_semaphore, #tpu.memory_space<semaphore_mem>>
    %dma_start3A_25 = tpu.memref_squeeze %dma_start3A_24 : memref<1x!tpu.dma_semaphore, #tpu.memory_space<semaphore_mem>> -> memref<!tpu.dma_semaphore, #tpu.memory_space<semaphore_mem>>
    %dma_start3A_26 = arith.constant 0 : i32
    %dma_start3A_27 = arith.constant 0 : i32
    %dma_start3A_28 = tpu.memref_slice %arg6[%dma_start3A_3, %dma_start3A_26, %dma_start3A_27] : memref<3x2x128xi32, #tpu.memory_space<vmem>> -> memref<1x2x128xi32, #tpu.memory_space<vmem>>
    %dma_start3A_29 = tpu.memref_squeeze %dma_start3A_28 : memref<1x2x128xi32, #tpu.memory_space<vmem>> -> memref<2x128xi32, #tpu.memory_space<vmem>>
    %dma_start3A_30 = arith.constant 0 : i32
    %dma_start3A_31 = arith.constant 0 : i32
    %dma_start3A_32 = arith.constant 0 : i32
    %dma_start3A_33 = arith.constant 0 : i32
    %dma_start3A_34 = tpu.memref_slice %arg3[%arg0, %dma_start3A_30, %dma_start3A_31, %dma_start3A_32, %dma_start3A_33] : memref<2x16x79x2x128xi32, #tpu.memory_space<hbm>> -> memref<1x16x79x2x128xi32, #tpu.memory_space<hbm>>
    %dma_start3A_35 = tpu.memref_squeeze %dma_start3A_34 : memref<1x16x79x2x128xi32, #tpu.memory_space<hbm>> -> memref<16x79x2x128xi32, #tpu.memory_space<hbm>>
    %dma_start3A_36 = arith.constant 0 : i32
    %dma_start3A_37 = arith.constant 0 : i32
    %dma_start3A_38 = arith.constant 0 : i32
    %dma_start3A_39 = tpu.memref_slice %dma_start3A_35[%arg1, %dma_start3A_36, %dma_start3A_37, %dma_start3A_38] : memref<16x79x2x128xi32, #tpu.memory_space<hbm>> -> memref<1x79x2x128xi32, #tpu.memory_space<hbm>>
    %dma_start3A_40 = tpu.memref_squeeze %dma_start3A_39 : memref<1x79x2x128xi32, #tpu.memory_space<hbm>> -> memref<79x2x128xi32, #tpu.memory_space<hbm>>
    %dma_start3A_41 = arith.constant 0 : i32
    %dma_start3A_42 = arith.constant 0 : i32
    %dma_start3A_43 = tpu.memref_slice %dma_start3A_40[%dma_start3A_2, %dma_start3A_41, %dma_start3A_42] : memref<79x2x128xi32, #tpu.memory_space<hbm>> -> memref<1x2x128xi32, #tpu.memory_space<hbm>>
    %dma_start3A_44 = tpu.memref_squeeze %dma_start3A_43 : memref<1x2x128xi32, #tpu.memory_space<hbm>> -> memref<2x128xi32, #tpu.memory_space<hbm>>
    tpu.enqueue_dma source(%dma_start3A_44 : memref<2x128xi32, #tpu.memory_space<hbm>>) target(%dma_start3A_29 : memref<2x128xi32, #tpu.memory_space<vmem>>) target_semaphore(%dma_start3A_25 : memref<!tpu.dma_semaphore, #tpu.memory_space<semaphore_mem>>)
    %dma_start3A_45 = arith.constant 1 : i32
    %dma_start3A_46 = arith.constant 1 : i32
    %dma_start3A_47 = arith.constant 1 : i32
    %dma_start3A_48 = arith.constant 0 : i32
    %dma_start3A_49 = arith.constant 0 : i32
    %dma_start3A_50 = tpu.memref_slice %arg6[%dma_start3A_46, %dma_start3A_48, %dma_start3A_49] : memref<3x2x128xi32, #tpu.memory_space<vmem>> -> memref<1x2x128xi32, #tpu.memory_space<vmem>>
    %dma_start3A_51 = tpu.memref_squeeze %dma_start3A_50 : memref<1x2x128xi32, #tpu.memory_space<vmem>> -> memref<2x128xi32, #tpu.memory_space<vmem>>
    %dma_start3A_52 = arith.constant 0 : i32
    %dma_start3A_53 = arith.constant 0 : i32
    %dma_start3A_54 = arith.constant 0 : i32
    %dma_start3A_55 = arith.constant 0 : i32
    %dma_start3A_56 = tpu.memref_slice %arg3[%arg0, %dma_start3A_52, %dma_start3A_53, %dma_start3A_54, %dma_start3A_55] : memref<2x16x79x2x128xi32, #tpu.memory_space<hbm>> -> memref<1x16x79x2x128xi32, #tpu.memory_space<hbm>>
    %dma_start3A_57 = tpu.memref_squeeze %dma_start3A_56 : memref<1x16x79x2x128xi32, #tpu.memory_space<hbm>> -> memref<16x79x2x128xi32, #tpu.memory_space<hbm>>
    %dma_start3A_58 = arith.constant 0 : i32
    %dma_start3A_59 = arith.constant 0 : i32
    %dma_start3A_60 = arith.constant 0 : i32
    %dma_start3A_61 = tpu.memref_slice %dma_start3A_57[%arg1, %dma_start3A_58, %dma_start3A_59, %dma_start3A_60] : memref<16x79x2x128xi32, #tpu.memory_space<hbm>> -> memref<1x79x2x128xi32, #tpu.memory_space<hbm>>
    %dma_start3A_62 = tpu.memref_squeeze %dma_start3A_61 : memref<1x79x2x128xi32, #tpu.memory_space<hbm>> -> memref<79x2x128xi32, #tpu.memory_space<hbm>>
    %dma_start3A_63 = arith.constant 0 : i32
    %dma_start3A_64 = arith.constant 0 : i32
    %dma_start3A_65 = tpu.memref_slice %dma_start3A_62[%dma_start3A_45, %dma_start3A_63, %dma_start3A_64] : memref<79x2x128xi32, #tpu.memory_space<hbm>> -> memref<1x2x128xi32, #tpu.memory_space<hbm>>
    %dma_start3A_66 = tpu.memref_squeeze %dma_start3A_65 : memref<1x2x128xi32, #tpu.memory_space<hbm>> -> memref<2x128xi32, #tpu.memory_space<hbm>>
    %dma_start3A_67 = tpu.memref_slice %arg9[%dma_start3A_47] : memref<3x!tpu.dma_semaphore, #tpu.memory_space<semaphore_mem>> -> memref<1x!tpu.dma_semaphore, #tpu.memory_space<semaphore_mem>>
    %dma_start3A_68 = tpu.memref_squeeze %dma_start3A_67 : memref<1x!tpu.dma_semaphore, #tpu.memory_space<semaphore_mem>> -> memref<!tpu.dma_semaphore, #tpu.memory_space<semaphore_mem>>
    %dma_start3A_69 = arith.constant 0 : i32
    %dma_start3A_70 = arith.constant 0 : i32
    %dma_start3A_71 = tpu.memref_slice %arg6[%dma_start3A_46, %dma_start3A_69, %dma_start3A_70] : memref<3x2x128xi32, #tpu.memory_space<vmem>> -> memref<1x2x128xi32, #tpu.memory_space<vmem>>
    %dma_start3A_72 = tpu.memref_squeeze %dma_start3A_71 : memref<1x2x128xi32, #tpu.memory_space<vmem>> -> memref<2x128xi32, #tpu.memory_space<vmem>>
    %dma_start3A_73 = arith.constant 0 : i32
    %dma_start3A_74 = arith.constant 0 : i32
    %dma_start3A_75 = arith.constant 0 : i32
    %dma_start3A_76 = arith.constant 0 : i32
    %dma_start3A_77 = tpu.memref_slice %arg3[%arg0, %dma_start3A_73, %dma_start3A_74, %dma_start3A_75, %dma_start3A_76] : memref<2x16x79x2x128xi32, #tpu.memory_space<hbm>> -> memref<1x16x79x2x128xi32, #tpu.memory_space<hbm>>
    %dma_start3A_78 = tpu.memref_squeeze %dma_start3A_77 : memref<1x16x79x2x128xi32, #tpu.memory_space<hbm>> -> memref<16x79x2x128xi32, #tpu.memory_space<hbm>>
    %dma_start3A_79 = arith.constant 0 : i32
    %dma_start3A_80 = arith.constant 0 : i32
    %dma_start3A_81 = arith.constant 0 : i32
    %dma_start3A_82 = tpu.memref_slice %dma_start3A_78[%arg1, %dma_start3A_79, %dma_start3A_80, %dma_start3A_81] : memref<16x79x2x128xi32, #tpu.memory_space<hbm>> -> memref<1x79x2x128xi32, #tpu.memory_space<hbm>>
    %dma_start3A_83 = tpu.memref_squeeze %dma_start3A_82 : memref<1x79x2x128xi32, #tpu.memory_space<hbm>> -> memref<79x2x128xi32, #tpu.memory_space<hbm>>
    %dma_start3A_84 = arith.constant 0 : i32
    %dma_start3A_85 = arith.constant 0 : i32
    %dma_start3A_86 = tpu.memref_slice %dma_start3A_83[%dma_start3A_45, %dma_start3A_84, %dma_start3A_85] : memref<79x2x128xi32, #tpu.memory_space<hbm>> -> memref<1x2x128xi32, #tpu.memory_space<hbm>>
    %dma_start3A_87 = tpu.memref_squeeze %dma_start3A_86 : memref<1x2x128xi32, #tpu.memory_space<hbm>> -> memref<2x128xi32, #tpu.memory_space<hbm>>
    tpu.enqueue_dma source(%dma_start3A_87 : memref<2x128xi32, #tpu.memory_space<hbm>>) target(%dma_start3A_72 : memref<2x128xi32, #tpu.memory_space<vmem>>) target_semaphore(%dma_start3A_68 : memref<!tpu.dma_semaphore, #tpu.memory_space<semaphore_mem>>)
    %dma_wait3A = arith.constant 0 : i32
    %dma_wait3A_88 = arith.constant 0 : i32
    %dma_wait3A_89 = arith.constant 0 : i32
    %dma_wait3A_90 = arith.constant 0 : i32
    %dma_wait3A_91 = arith.constant 0 : i32
    %dma_wait3A_92 = tpu.memref_slice %arg6[%dma_wait3A_88, %dma_wait3A_90, %dma_wait3A_91] : memref<3x2x128xi32, #tpu.memory_space<vmem>> -> memref<1x2x128xi32, #tpu.memory_space<vmem>>
    %dma_wait3A_93 = tpu.memref_squeeze %dma_wait3A_92 : memref<1x2x128xi32, #tpu.memory_space<vmem>> -> memref<2x128xi32, #tpu.memory_space<vmem>>
    %dma_wait3A_94 = arith.constant 0 : i32
    %dma_wait3A_95 = arith.constant 0 : i32
    %dma_wait3A_96 = arith.constant 0 : i32
    %dma_wait3A_97 = arith.constant 0 : i32
    %dma_wait3A_98 = tpu.memref_slice %arg3[%arg0, %dma_wait3A_94, %dma_wait3A_95, %dma_wait3A_96, %dma_wait3A_97] : memref<2x16x79x2x128xi32, #tpu.memory_space<hbm>> -> memref<1x16x79x2x128xi32, #tpu.memory_space<hbm>>
    %dma_wait3A_99 = tpu.memref_squeeze %dma_wait3A_98 : memref<1x16x79x2x128xi32, #tpu.memory_space<hbm>> -> memref<16x79x2x128xi32, #tpu.memory_space<hbm>>
    %dma_wait3A_100 = arith.constant 0 : i32
    %dma_wait3A_101 = arith.constant 0 : i32
    %dma_wait3A_102 = arith.constant 0 : i32
    %dma_wait3A_103 = tpu.memref_slice %dma_wait3A_99[%arg1, %dma_wait3A_100, %dma_wait3A_101, %dma_wait3A_102] : memref<16x79x2x128xi32, #tpu.memory_space<hbm>> -> memref<1x79x2x128xi32, #tpu.memory_space<hbm>>
    %dma_wait3A_104 = tpu.memref_squeeze %dma_wait3A_103 : memref<1x79x2x128xi32, #tpu.memory_space<hbm>> -> memref<79x2x128xi32, #tpu.memory_space<hbm>>
    %dma_wait3A_105 = arith.constant 0 : i32
    %dma_wait3A_106 = arith.constant 0 : i32
    %dma_wait3A_107 = tpu.memref_slice %dma_wait3A_104[%dma_wait3A, %dma_wait3A_105, %dma_wait3A_106] : memref<79x2x128xi32, #tpu.memory_space<hbm>> -> memref<1x2x128xi32, #tpu.memory_space<hbm>>
    %dma_wait3A_108 = tpu.memref_squeeze %dma_wait3A_107 : memref<1x2x128xi32, #tpu.memory_space<hbm>> -> memref<2x128xi32, #tpu.memory_space<hbm>>
    %dma_wait3A_109 = tpu.memref_slice %arg9[%dma_wait3A_89] : memref<3x!tpu.dma_semaphore, #tpu.memory_space<semaphore_mem>> -> memref<1x!tpu.dma_semaphore, #tpu.memory_space<semaphore_mem>>
    %dma_wait3A_110 = tpu.memref_squeeze %dma_wait3A_109 : memref<1x!tpu.dma_semaphore, #tpu.memory_space<semaphore_mem>> -> memref<!tpu.dma_semaphore, #tpu.memory_space<semaphore_mem>>
    %dma_wait3A_111 = arith.constant 0 : i32
    %dma_wait3A_112 = arith.constant 0 : i32
    %dma_wait3A_113 = tpu.memref_slice %arg6[%dma_wait3A_88, %dma_wait3A_111, %dma_wait3A_112] : memref<3x2x128xi32, #tpu.memory_space<vmem>> -> memref<1x2x128xi32, #tpu.memory_space<vmem>>
    %dma_wait3A_114 = tpu.memref_squeeze %dma_wait3A_113 : memref<1x2x128xi32, #tpu.memory_space<vmem>> -> memref<2x128xi32, #tpu.memory_space<vmem>>
    %dma_wait3A_115 = arith.constant 0 : i32
    %dma_wait3A_116 = arith.constant 0 : i32
    %dma_wait3A_117 = arith.constant 0 : i32
    %dma_wait3A_118 = arith.constant 0 : i32
    %dma_wait3A_119 = tpu.memref_slice %arg3[%arg0, %dma_wait3A_115, %dma_wait3A_116, %dma_wait3A_117, %dma_wait3A_118] : memref<2x16x79x2x128xi32, #tpu.memory_space<hbm>> -> memref<1x16x79x2x128xi32, #tpu.memory_space<hbm>>
    %dma_wait3A_120 = tpu.memref_squeeze %dma_wait3A_119 : memref<1x16x79x2x128xi32, #tpu.memory_space<hbm>> -> memref<16x79x2x128xi32, #tpu.memory_space<hbm>>
    %dma_wait3A_121 = arith.constant 0 : i32
    %dma_wait3A_122 = arith.constant 0 : i32
    %dma_wait3A_123 = arith.constant 0 : i32
    %dma_wait3A_124 = tpu.memref_slice %dma_wait3A_120[%arg1, %dma_wait3A_121, %dma_wait3A_122, %dma_wait3A_123] : memref<16x79x2x128xi32, #tpu.memory_space<hbm>> -> memref<1x79x2x128xi32, #tpu.memory_space<hbm>>
    %dma_wait3A_125 = tpu.memref_squeeze %dma_wait3A_124 : memref<1x79x2x128xi32, #tpu.memory_space<hbm>> -> memref<79x2x128xi32, #tpu.memory_space<hbm>>
    %dma_wait3A_126 = arith.constant 0 : i32
    %dma_wait3A_127 = arith.constant 0 : i32
    %dma_wait3A_128 = tpu.memref_slice %dma_wait3A_125[%dma_wait3A, %dma_wait3A_126, %dma_wait3A_127] : memref<79x2x128xi32, #tpu.memory_space<hbm>> -> memref<1x2x128xi32, #tpu.memory_space<hbm>>
    %dma_wait3A_129 = tpu.memref_squeeze %dma_wait3A_128 : memref<1x2x128xi32, #tpu.memory_space<hbm>> -> memref<2x128xi32, #tpu.memory_space<hbm>>
    tpu.wait_dma2 semaphore(%dma_wait3A_110 : memref<!tpu.dma_semaphore, #tpu.memory_space<semaphore_mem>>) src(%dma_wait3A_129 : memref<2x128xi32, #tpu.memory_space<hbm>>) dst(%dma_wait3A_114 : memref<2x128xi32, #tpu.memory_space<vmem>>)
    %dma_start3A_130 = arith.constant 0 : i32
    %dma_start3A_131 = arith.constant 0 : i32
    %dma_start3A_132 = arith.constant 0 : i32
    %dma_start3A_133 = arith.constant 0 : i32
    %dma_start3A_134 = arith.constant 0 : i32
    %dma_start3A_135 = arith.constant 0 : i32
    %dma_start3A_136 = tpu.memref_slice %arg7[%dma_start3A_132, %dma_start3A_134, %dma_start3A_135] : memref<3x128x128xf32, #tpu.memory_space<vmem>> -> memref<1x128x128xf32, #tpu.memory_space<vmem>>
    %dma_start3A_137 = tpu.memref_squeeze %dma_start3A_136 : memref<1x128x128xf32, #tpu.memory_space<vmem>> -> memref<128x128xf32, #tpu.memory_space<vmem>>
    %dma_start3A_138 = arith.constant 0 : i32
    %dma_start3A_139 = arith.constant 0 : i32
    %dma_start3A_140 = tpu.memref_slice %arg6[%dma_start3A_130, %dma_start3A_138, %dma_start3A_139] : memref<3x2x128xi32, #tpu.memory_space<vmem>> -> memref<1x2x128xi32, #tpu.memory_space<vmem>>
    %dma_start3A_141 = tpu.memref_squeeze %dma_start3A_140 : memref<1x2x128xi32, #tpu.memory_space<vmem>> -> memref<2x128xi32, #tpu.memory_space<vmem>>
    %dma_start3A_142 = arith.constant 0 : i32
    %dma_start3A_143 = tpu.memref_slice %dma_start3A_141[%dma_start3A_131, %dma_start3A_142] : memref<2x128xi32, #tpu.memory_space<vmem>> -> memref<1x128xi32, #tpu.memory_space<vmem>>
    %dma_start3A_144 = tpu.memref_squeeze %dma_start3A_143 : memref<1x128xi32, #tpu.memory_space<vmem>> -> memref<128xi32, #tpu.memory_space<vmem>>
    %dma_start3A_145 = arith.constant 0 : i32
    %dma_start3A_146 = arith.constant 0 : i32
    %dma_start3A_147 = tpu.memref_slice %arg2[%dma_start3A_145, %dma_start3A_146] : memref<20000x128xf32, #tpu.memory_space<hbm>> -> memref<20000x128xf32, #tpu.memory_space<hbm>>
    %dma_start3A_148 = tpu.memref_slice %arg10[%dma_start3A_133] : memref<3x!tpu.dma_semaphore, #tpu.memory_space<semaphore_mem>> -> memref<1x!tpu.dma_semaphore, #tpu.memory_space<semaphore_mem>>
    %dma_start3A_149 = tpu.memref_squeeze %dma_start3A_148 : memref<1x!tpu.dma_semaphore, #tpu.memory_space<semaphore_mem>> -> memref<!tpu.dma_semaphore, #tpu.memory_space<semaphore_mem>>
    tpu.enqueue_indirect_dma source(%dma_start3A_147 : memref<20000x128xf32, #tpu.memory_space<hbm>>) target(%dma_start3A_137 : memref<128x128xf32, #tpu.memory_space<vmem>>) offsets(%dma_start3A_144 : memref<128xi32, #tpu.memory_space<vmem>>) semaphore(%dma_start3A_149 : memref<!tpu.dma_semaphore, #tpu.memory_space<semaphore_mem>>)
    %dma_wait3A_150 = arith.constant 0 : i32
    %dma_wait3A_151 = arith.constant 0 : i32
    %dma_wait3A_152 = tpu.memref_slice %arg8[%dma_wait3A_150, %dma_wait3A_151] : memref<10112x128xf32, #tpu.memory_space<vmem_shared>> -> memref<632x128xf32, #tpu.memory_space<vmem_shared>>
    tpu.wait_dma2 semaphore(%arg12 : memref<!tpu.dma_semaphore, #tpu.memory_space<semaphore_mem>>) src(%arg4 : memref<632x128xf32, #tpu.memory_space<hbm>>) dst(%dma_wait3A_152 : memref<632x128xf32, #tpu.memory_space<vmem_shared>>)
    %barrier3A = arith.constant 0 : index
    tpu.barrier barrier_id(%barrier3A)
    %dma_start3A_153 = arith.constant 2 : i32
    %dma_start3A_154 = arith.constant 2 : i32
    %dma_start3A_155 = arith.constant 2 : i32
    %dma_start3A_156 = arith.constant 0 : i32
    %dma_start3A_157 = arith.constant 0 : i32
    %dma_start3A_158 = tpu.memref_slice %arg6[%dma_start3A_154, %dma_start3A_156, %dma_start3A_157] : memref<3x2x128xi32, #tpu.memory_space<vmem>> -> memref<1x2x128xi32, #tpu.memory_space<vmem>>
    %dma_start3A_159 = tpu.memref_squeeze %dma_start3A_158 : memref<1x2x128xi32, #tpu.memory_space<vmem>> -> memref<2x128xi32, #tpu.memory_space<vmem>>
    %dma_start3A_160 = arith.constant 0 : i32
    %dma_start3A_161 = arith.constant 0 : i32
    %dma_start3A_162 = arith.constant 0 : i32
    %dma_start3A_163 = arith.constant 0 : i32
    %dma_start3A_164 = tpu.memref_slice %arg3[%arg0, %dma_start3A_160, %dma_start3A_161, %dma_start3A_162, %dma_start3A_163] : memref<2x16x79x2x128xi32, #tpu.memory_space<hbm>> -> memref<1x16x79x2x128xi32, #tpu.memory_space<hbm>>
    %dma_start3A_165 = tpu.memref_squeeze %dma_start3A_164 : memref<1x16x79x2x128xi32, #tpu.memory_space<hbm>> -> memref<16x79x2x128xi32, #tpu.memory_space<hbm>>
    %dma_start3A_166 = arith.constant 0 : i32
    %dma_start3A_167 = arith.constant 0 : i32
    %dma_start3A_168 = arith.constant 0 : i32
    %dma_start3A_169 = tpu.memref_slice %dma_start3A_165[%arg1, %dma_start3A_166, %dma_start3A_167, %dma_start3A_168] : memref<16x79x2x128xi32, #tpu.memory_space<hbm>> -> memref<1x79x2x128xi32, #tpu.memory_space<hbm>>
    %dma_start3A_170 = tpu.memref_squeeze %dma_start3A_169 : memref<1x79x2x128xi32, #tpu.memory_space<hbm>> -> memref<79x2x128xi32, #tpu.memory_space<hbm>>
    %dma_start3A_171 = arith.constant 0 : i32
    %dma_start3A_172 = arith.constant 0 : i32
    %dma_start3A_173 = tpu.memref_slice %dma_start3A_170[%dma_start3A_153, %dma_start3A_171, %dma_start3A_172] : memref<79x2x128xi32, #tpu.memory_space<hbm>> -> memref<1x2x128xi32, #tpu.memory_space<hbm>>
    %dma_start3A_174 = tpu.memref_squeeze %dma_start3A_173 : memref<1x2x128xi32, #tpu.memory_space<hbm>> -> memref<2x128xi32, #tpu.memory_space<hbm>>
    %dma_start3A_175 = tpu.memref_slice %arg9[%dma_start3A_155] : memref<3x!tpu.dma_semaphore, #tpu.memory_space<semaphore_mem>> -> memref<1x!tpu.dma_semaphore, #tpu.memory_space<semaphore_mem>>
    %dma_start3A_176 = tpu.memref_squeeze %dma_start3A_175 : memref<1x!tpu.dma_semaphore, #tpu.memory_space<semaphore_mem>> -> memref<!tpu.dma_semaphore, #tpu.memory_space<semaphore_mem>>
    %dma_start3A_177 = arith.constant 0 : i32
    %dma_start3A_178 = arith.constant 0 : i32
    %dma_start3A_179 = tpu.memref_slice %arg6[%dma_start3A_154, %dma_start3A_177, %dma_start3A_178] : memref<3x2x128xi32, #tpu.memory_space<vmem>> -> memref<1x2x128xi32, #tpu.memory_space<vmem>>
    %dma_start3A_180 = tpu.memref_squeeze %dma_start3A_179 : memref<1x2x128xi32, #tpu.memory_space<vmem>> -> memref<2x128xi32, #tpu.memory_space<vmem>>
    %dma_start3A_181 = arith.constant 0 : i32
    %dma_start3A_182 = arith.constant 0 : i32
    %dma_start3A_183 = arith.constant 0 : i32
    %dma_start3A_184 = arith.constant 0 : i32
    %dma_start3A_185 = tpu.memref_slice %arg3[%arg0, %dma_start3A_181, %dma_start3A_182, %dma_start3A_183, %dma_start3A_184] : memref<2x16x79x2x128xi32, #tpu.memory_space<hbm>> -> memref<1x16x79x2x128xi32, #tpu.memory_space<hbm>>
    %dma_start3A_186 = tpu.memref_squeeze %dma_start3A_185 : memref<1x16x79x2x128xi32, #tpu.memory_space<hbm>> -> memref<16x79x2x128xi32, #tpu.memory_space<hbm>>
    %dma_start3A_187 = arith.constant 0 : i32
    %dma_start3A_188 = arith.constant 0 : i32
    %dma_start3A_189 = arith.constant 0 : i32
    %dma_start3A_190 = tpu.memref_slice %dma_start3A_186[%arg1, %dma_start3A_187, %dma_start3A_188, %dma_start3A_189] : memref<16x79x2x128xi32, #tpu.memory_space<hbm>> -> memref<1x79x2x128xi32, #tpu.memory_space<hbm>>
    %dma_start3A_191 = tpu.memref_squeeze %dma_start3A_190 : memref<1x79x2x128xi32, #tpu.memory_space<hbm>> -> memref<79x2x128xi32, #tpu.memory_space<hbm>>
    %dma_start3A_192 = arith.constant 0 : i32
    %dma_start3A_193 = arith.constant 0 : i32
    %dma_start3A_194 = tpu.memref_slice %dma_start3A_191[%dma_start3A_153, %dma_start3A_192, %dma_start3A_193] : memref<79x2x128xi32, #tpu.memory_space<hbm>> -> memref<1x2x128xi32, #tpu.memory_space<hbm>>
    %dma_start3A_195 = tpu.memref_squeeze %dma_start3A_194 : memref<1x2x128xi32, #tpu.memory_space<hbm>> -> memref<2x128xi32, #tpu.memory_space<hbm>>
    tpu.enqueue_dma source(%dma_start3A_195 : memref<2x128xi32, #tpu.memory_space<hbm>>) target(%dma_start3A_180 : memref<2x128xi32, #tpu.memory_space<vmem>>) target_semaphore(%dma_start3A_176 : memref<!tpu.dma_semaphore, #tpu.memory_space<semaphore_mem>>)
    %dma_wait3A_196 = arith.constant 0 : i32
    %dma_wait3A_197 = arith.constant 1 : i32
    %dma_wait3A_198 = arith.constant 1 : i32
    %dma_wait3A_199 = arith.constant 0 : i32
    %dma_wait3A_200 = arith.constant 0 : i32
    %dma_wait3A_201 = tpu.memref_slice %arg6[%dma_wait3A_197, %dma_wait3A_199, %dma_wait3A_200] : memref<3x2x128xi32, #tpu.memory_space<vmem>> -> memref<1x2x128xi32, #tpu.memory_space<vmem>>
    %dma_wait3A_202 = tpu.memref_squeeze %dma_wait3A_201 : memref<1x2x128xi32, #tpu.memory_space<vmem>> -> memref<2x128xi32, #tpu.memory_space<vmem>>
    %dma_wait3A_203 = arith.constant 0 : i32
    %dma_wait3A_204 = arith.constant 0 : i32
    %dma_wait3A_205 = arith.constant 0 : i32
    %dma_wait3A_206 = arith.constant 0 : i32
    %dma_wait3A_207 = tpu.memref_slice %arg3[%arg0, %dma_wait3A_203, %dma_wait3A_204, %dma_wait3A_205, %dma_wait3A_206] : memref<2x16x79x2x128xi32, #tpu.memory_space<hbm>> -> memref<1x16x79x2x128xi32, #tpu.memory_space<hbm>>
    %dma_wait3A_208 = tpu.memref_squeeze %dma_wait3A_207 : memref<1x16x79x2x128xi32, #tpu.memory_space<hbm>> -> memref<16x79x2x128xi32, #tpu.memory_space<hbm>>
    %dma_wait3A_209 = arith.constant 0 : i32
    %dma_wait3A_210 = arith.constant 0 : i32
    %dma_wait3A_211 = arith.constant 0 : i32
    %dma_wait3A_212 = tpu.memref_slice %dma_wait3A_208[%arg1, %dma_wait3A_209, %dma_wait3A_210, %dma_wait3A_211] : memref<16x79x2x128xi32, #tpu.memory_space<hbm>> -> memref<1x79x2x128xi32, #tpu.memory_space<hbm>>
    %dma_wait3A_213 = tpu.memref_squeeze %dma_wait3A_212 : memref<1x79x2x128xi32, #tpu.memory_space<hbm>> -> memref<79x2x128xi32, #tpu.memory_space<hbm>>
    %dma_wait3A_214 = arith.constant 0 : i32
    %dma_wait3A_215 = arith.constant 0 : i32
    %dma_wait3A_216 = tpu.memref_slice %dma_wait3A_213[%dma_wait3A_196, %dma_wait3A_214, %dma_wait3A_215] : memref<79x2x128xi32, #tpu.memory_space<hbm>> -> memref<1x2x128xi32, #tpu.memory_space<hbm>>
    %dma_wait3A_217 = tpu.memref_squeeze %dma_wait3A_216 : memref<1x2x128xi32, #tpu.memory_space<hbm>> -> memref<2x128xi32, #tpu.memory_space<hbm>>
    %dma_wait3A_218 = tpu.memref_slice %arg9[%dma_wait3A_198] : memref<3x!tpu.dma_semaphore, #tpu.memory_space<semaphore_mem>> -> memref<1x!tpu.dma_semaphore, #tpu.memory_space<semaphore_mem>>
    %dma_wait3A_219 = tpu.memref_squeeze %dma_wait3A_218 : memref<1x!tpu.dma_semaphore, #tpu.memory_space<semaphore_mem>> -> memref<!tpu.dma_semaphore, #tpu.memory_space<semaphore_mem>>
    %dma_wait3A_220 = arith.constant 0 : i32
    %dma_wait3A_221 = arith.constant 0 : i32
    %dma_wait3A_222 = tpu.memref_slice %arg6[%dma_wait3A_197, %dma_wait3A_220, %dma_wait3A_221] : memref<3x2x128xi32, #tpu.memory_space<vmem>> -> memref<1x2x128xi32, #tpu.memory_space<vmem>>
    %dma_wait3A_223 = tpu.memref_squeeze %dma_wait3A_222 : memref<1x2x128xi32, #tpu.memory_space<vmem>> -> memref<2x128xi32, #tpu.memory_space<vmem>>
    %dma_wait3A_224 = arith.constant 0 : i32
    %dma_wait3A_225 = arith.constant 0 : i32
    %dma_wait3A_226 = arith.constant 0 : i32
    %dma_wait3A_227 = arith.constant 0 : i32
    %dma_wait3A_228 = tpu.memref_slice %arg3[%arg0, %dma_wait3A_224, %dma_wait3A_225, %dma_wait3A_226, %dma_wait3A_227] : memref<2x16x79x2x128xi32, #tpu.memory_space<hbm>> -> memref<1x16x79x2x128xi32, #tpu.memory_space<hbm>>
    %dma_wait3A_229 = tpu.memref_squeeze %dma_wait3A_228 : memref<1x16x79x2x128xi32, #tpu.memory_space<hbm>> -> memref<16x79x2x128xi32, #tpu.memory_space<hbm>>
    %dma_wait3A_230 = arith.constant 0 : i32
    %dma_wait3A_231 = arith.constant 0 : i32
    %dma_wait3A_232 = arith.constant 0 : i32
    %dma_wait3A_233 = tpu.memref_slice %dma_wait3A_229[%arg1, %dma_wait3A_230, %dma_wait3A_231, %dma_wait3A_232] : memref<16x79x2x128xi32, #tpu.memory_space<hbm>> -> memref<1x79x2x128xi32, #tpu.memory_space<hbm>>
    %dma_wait3A_234 = tpu.memref_squeeze %dma_wait3A_233 : memref<1x79x2x128xi32, #tpu.memory_space<hbm>> -> memref<79x2x128xi32, #tpu.memory_space<hbm>>
    %dma_wait3A_235 = arith.constant 0 : i32
    %dma_wait3A_236 = arith.constant 0 : i32
    %dma_wait3A_237 = tpu.memref_slice %dma_wait3A_234[%dma_wait3A_196, %dma_wait3A_235, %dma_wait3A_236] : memref<79x2x128xi32, #tpu.memory_space<hbm>> -> memref<1x2x128xi32, #tpu.memory_space<hbm>>
    %dma_wait3A_238 = tpu.memref_squeeze %dma_wait3A_237 : memref<1x2x128xi32, #tpu.memory_space<hbm>> -> memref<2x128xi32, #tpu.memory_space<hbm>>
    tpu.wait_dma2 semaphore(%dma_wait3A_219 : memref<!tpu.dma_semaphore, #tpu.memory_space<semaphore_mem>>) src(%dma_wait3A_238 : memref<2x128xi32, #tpu.memory_space<hbm>>) dst(%dma_wait3A_223 : memref<2x128xi32, #tpu.memory_space<vmem>>)
    %dma_start3A_239 = arith.constant 1 : i32
    %dma_start3A_240 = arith.constant 0 : i32
    %dma_start3A_241 = arith.constant 1 : i32
    %dma_start3A_242 = arith.constant 1 : i32
    %dma_start3A_243 = arith.constant 0 : i32
    %dma_start3A_244 = arith.constant 0 : i32
    %dma_start3A_245 = tpu.memref_slice %arg7[%dma_start3A_241, %dma_start3A_243, %dma_start3A_244] : memref<3x128x128xf32, #tpu.memory_space<vmem>> -> memref<1x128x128xf32, #tpu.memory_space<vmem>>
    %dma_start3A_246 = tpu.memref_squeeze %dma_start3A_245 : memref<1x128x128xf32, #tpu.memory_space<vmem>> -> memref<128x128xf32, #tpu.memory_space<vmem>>
    %dma_start3A_247 = arith.constant 0 : i32
    %dma_start3A_248 = arith.constant 0 : i32
    %dma_start3A_249 = tpu.memref_slice %arg6[%dma_start3A_239, %dma_start3A_247, %dma_start3A_248] : memref<3x2x128xi32, #tpu.memory_space<vmem>> -> memref<1x2x128xi32, #tpu.memory_space<vmem>>
    %dma_start3A_250 = tpu.memref_squeeze %dma_start3A_249 : memref<1x2x128xi32, #tpu.memory_space<vmem>> -> memref<2x128xi32, #tpu.memory_space<vmem>>
    %dma_start3A_251 = arith.constant 0 : i32
    %dma_start3A_252 = tpu.memref_slice %dma_start3A_250[%dma_start3A_240, %dma_start3A_251] : memref<2x128xi32, #tpu.memory_space<vmem>> -> memref<1x128xi32, #tpu.memory_space<vmem>>
    %dma_start3A_253 = tpu.memref_squeeze %dma_start3A_252 : memref<1x128xi32, #tpu.memory_space<vmem>> -> memref<128xi32, #tpu.memory_space<vmem>>
    %dma_start3A_254 = arith.constant 0 : i32
    %dma_start3A_255 = arith.constant 0 : i32
    %dma_start3A_256 = tpu.memref_slice %arg2[%dma_start3A_254, %dma_start3A_255] : memref<20000x128xf32, #tpu.memory_space<hbm>> -> memref<20000x128xf32, #tpu.memory_space<hbm>>
    %dma_start3A_257 = tpu.memref_slice %arg10[%dma_start3A_242] : memref<3x!tpu.dma_semaphore, #tpu.memory_space<semaphore_mem>> -> memref<1x!tpu.dma_semaphore, #tpu.memory_space<semaphore_mem>>
    %dma_start3A_258 = tpu.memref_squeeze %dma_start3A_257 : memref<1x!tpu.dma_semaphore, #tpu.memory_space<semaphore_mem>> -> memref<!tpu.dma_semaphore, #tpu.memory_space<semaphore_mem>>
    tpu.enqueue_indirect_dma source(%dma_start3A_256 : memref<20000x128xf32, #tpu.memory_space<hbm>>) target(%dma_start3A_246 : memref<128x128xf32, #tpu.memory_space<vmem>>) offsets(%dma_start3A_253 : memref<128xi32, #tpu.memory_space<vmem>>) semaphore(%dma_start3A_258 : memref<!tpu.dma_semaphore, #tpu.memory_space<semaphore_mem>>)
    %dma_wait3A_259 = arith.constant 0 : i32
    %dma_wait3A_260 = arith.constant 0 : i32
    %dma_wait3A_261 = arith.constant 0 : i32
    %dma_wait3A_262 = arith.constant 0 : i32
    %dma_wait3A_263 = tpu.memref_slice %arg7[%dma_wait3A_259, %dma_wait3A_261, %dma_wait3A_262] : memref<3x128x128xf32, #tpu.memory_space<vmem>> -> memref<1x128x128xf32, #tpu.memory_space<vmem>>
    %dma_wait3A_264 = tpu.memref_squeeze %dma_wait3A_263 : memref<1x128x128xf32, #tpu.memory_space<vmem>> -> memref<128x128xf32, #tpu.memory_space<vmem>>
    %dma_wait3A_265 = arith.constant 0 : i32
    %dma_wait3A_266 = arith.constant 0 : i32
    %dma_wait3A_267 = tpu.memref_slice %arg2[%dma_wait3A_265, %dma_wait3A_266] : memref<20000x128xf32, #tpu.memory_space<hbm>> -> memref<128x128xf32, #tpu.memory_space<hbm>>
    %dma_wait3A_268 = tpu.memref_slice %arg10[%dma_wait3A_260] : memref<3x!tpu.dma_semaphore, #tpu.memory_space<semaphore_mem>> -> memref<1x!tpu.dma_semaphore, #tpu.memory_space<semaphore_mem>>
    %dma_wait3A_269 = tpu.memref_squeeze %dma_wait3A_268 : memref<1x!tpu.dma_semaphore, #tpu.memory_space<semaphore_mem>> -> memref<!tpu.dma_semaphore, #tpu.memory_space<semaphore_mem>>
    %dma_wait3A_270 = arith.constant 0 : i32
    %dma_wait3A_271 = arith.constant 0 : i32
    %dma_wait3A_272 = tpu.memref_slice %arg7[%dma_wait3A_259, %dma_wait3A_270, %dma_wait3A_271] : memref<3x128x128xf32, #tpu.memory_space<vmem>> -> memref<1x128x128xf32, #tpu.memory_space<vmem>>
    %dma_wait3A_273 = tpu.memref_squeeze %dma_wait3A_272 : memref<1x128x128xf32, #tpu.memory_space<vmem>> -> memref<128x128xf32, #tpu.memory_space<vmem>>
    %dma_wait3A_274 = arith.constant 0 : i32
    %dma_wait3A_275 = arith.constant 0 : i32
    %dma_wait3A_276 = tpu.memref_slice %arg2[%dma_wait3A_274, %dma_wait3A_275] : memref<20000x128xf32, #tpu.memory_space<hbm>> -> memref<128x128xf32, #tpu.memory_space<hbm>>
    tpu.wait_dma2 semaphore(%dma_wait3A_269 : memref<!tpu.dma_semaphore, #tpu.memory_space<semaphore_mem>>) src(%dma_wait3A_276 : memref<128x128xf32, #tpu.memory_space<hbm>>) dst(%dma_wait3A_273 : memref<128x128xf32, #tpu.memory_space<vmem>>)
    %dma_start3A_277 = arith.constant 0 : i32
    %dma_start3A_278 = arith.constant 0 : i32
    %dma_start3A_279 = arith.constant 1 : i32
    %dma_start3A_280 = arith.constant 0 : i32
    %dma_start3A_281 = arith.constant 0 : i32
    %dma_start3A_282 = arith.constant 0 : i32
    %dma_start3A_283 = tpu.memref_slice %arg7[%dma_start3A_277, %dma_start3A_281, %dma_start3A_282] : memref<3x128x128xf32, #tpu.memory_space<vmem>> -> memref<1x128x128xf32, #tpu.memory_space<vmem>>
    %dma_start3A_284 = tpu.memref_squeeze %dma_start3A_283 : memref<1x128x128xf32, #tpu.memory_space<vmem>> -> memref<128x128xf32, #tpu.memory_space<vmem>>
    %dma_start3A_285 = arith.constant 0 : i32
    %dma_start3A_286 = arith.constant 0 : i32
    %dma_start3A_287 = tpu.memref_slice %arg6[%dma_start3A_278, %dma_start3A_285, %dma_start3A_286] : memref<3x2x128xi32, #tpu.memory_space<vmem>> -> memref<1x2x128xi32, #tpu.memory_space<vmem>>
    %dma_start3A_288 = tpu.memref_squeeze %dma_start3A_287 : memref<1x2x128xi32, #tpu.memory_space<vmem>> -> memref<2x128xi32, #tpu.memory_space<vmem>>
    %dma_start3A_289 = arith.constant 0 : i32
    %dma_start3A_290 = tpu.memref_slice %dma_start3A_288[%dma_start3A_279, %dma_start3A_289] : memref<2x128xi32, #tpu.memory_space<vmem>> -> memref<1x128xi32, #tpu.memory_space<vmem>>
    %dma_start3A_291 = tpu.memref_squeeze %dma_start3A_290 : memref<1x128xi32, #tpu.memory_space<vmem>> -> memref<128xi32, #tpu.memory_space<vmem>>
    %dma_start3A_292 = arith.constant 0 : i32
    %dma_start3A_293 = arith.constant 0 : i32
    %dma_start3A_294 = tpu.memref_slice %arg8[%dma_start3A_292, %dma_start3A_293] : memref<10112x128xf32, #tpu.memory_space<vmem_shared>> -> memref<10112x128xf32, #tpu.memory_space<vmem_shared>>
    %dma_start3A_295 = tpu.memref_slice %arg11[%dma_start3A_280] : memref<3x!tpu.dma_semaphore, #tpu.memory_space<semaphore_mem>> -> memref<1x!tpu.dma_semaphore, #tpu.memory_space<semaphore_mem>>
    %dma_start3A_296 = tpu.memref_squeeze %dma_start3A_295 : memref<1x!tpu.dma_semaphore, #tpu.memory_space<semaphore_mem>> -> memref<!tpu.dma_semaphore, #tpu.memory_space<semaphore_mem>>
    tpu.enqueue_indirect_dma source(%dma_start3A_284 : memref<128x128xf32, #tpu.memory_space<vmem>>) target(%dma_start3A_294 : memref<10112x128xf32, #tpu.memory_space<vmem_shared>>) offsets(%dma_start3A_291 : memref<128xi32, #tpu.memory_space<vmem>>) semaphore(%dma_start3A_296 : memref<!tpu.dma_semaphore, #tpu.memory_space<semaphore_mem>>) {add = true}
    %scan3A = arith.constant 0 : i32
    %scan3A_297 = arith.constant 3 : i32
    %scan3A_298 = arith.constant 76 : i32
    %scan3A_299 = arith.addi %scan3A_297, %scan3A_298 : i32
    %scan3A_300 = arith.constant 1 : i32
    scf.for %scan3A_500 = %scan3A_297 to %scan3A_299 step %scan3A_300  : i32 {
      %jit3A = arith.constant 3 : i32
      %eq3A = arith.constant 0 : i32
      %eq3A_501 = arith.cmpi eq, %jit3A, %eq3A : i32
      %jit3A_502 = arith.constant 1 : i32
      %select_n3A = arith.select %eq3A_501, %jit3A_502, %jit3A : i32
      %rem3A = arith.remsi %scan3A_500, %select_n3A : i32
      %ne3A = arith.constant 0 : i32
      %ne3A_503 = arith.cmpi ne, %rem3A, %ne3A : i32
      %lt3A = arith.constant 0 : i32
      %lt3A_504 = arith.cmpi slt, %rem3A, %lt3A : i32
      %lt3A_505 = arith.constant 0 : i32
      %lt3A_506 = arith.cmpi slt, %select_n3A, %lt3A_505 : i32
      %ne3A_507 = arith.xori %lt3A_504, %lt3A_506 : i1
      %and3A = arith.andi %ne3A_507, %ne3A_503 : i1
      %add3A = arith.addi %rem3A, %select_n3A : i32
      %select_n3A_508 = arith.select %and3A, %add3A, %rem3A : i32
      %dma_wait3A_509 = arith.constant 0 : i32
      %dma_wait3A_510 = arith.constant 0 : i32
      %dma_wait3A_511 = tpu.memref_slice %arg7[%select_n3A_508, %dma_wait3A_509, %dma_wait3A_510] : memref<3x128x128xf32, #tpu.memory_space<vmem>> -> memref<1x128x128xf32, #tpu.memory_space<vmem>>
      %dma_wait3A_512 = tpu.memref_squeeze %dma_wait3A_511 : memref<1x128x128xf32, #tpu.memory_space<vmem>> -> memref<128x128xf32, #tpu.memory_space<vmem>>
      %dma_wait3A_513 = arith.constant 0 : i32
      %dma_wait3A_514 = arith.constant 0 : i32
      %dma_wait3A_515 = tpu.memref_slice %arg8[%dma_wait3A_513, %dma_wait3A_514] : memref<10112x128xf32, #tpu.memory_space<vmem_shared>> -> memref<128x128xf32, #tpu.memory_space<vmem_shared>>
      %dma_wait3A_516 = tpu.memref_slice %arg11[%select_n3A_508] : memref<3x!tpu.dma_semaphore, #tpu.memory_space<semaphore_mem>> -> memref<1x!tpu.dma_semaphore, #tpu.memory_space<semaphore_mem>>
      %dma_wait3A_517 = tpu.memref_squeeze %dma_wait3A_516 : memref<1x!tpu.dma_semaphore, #tpu.memory_space<semaphore_mem>> -> memref<!tpu.dma_semaphore, #tpu.memory_space<semaphore_mem>>
      %dma_wait3A_518 = arith.constant 0 : i32
      %dma_wait3A_519 = arith.constant 0 : i32
      %dma_wait3A_520 = tpu.memref_slice %arg8[%dma_wait3A_518, %dma_wait3A_519] : memref<10112x128xf32, #tpu.memory_space<vmem_shared>> -> memref<128x128xf32, #tpu.memory_space<vmem_shared>>
      %dma_wait3A_521 = arith.constant 0 : i32
      %dma_wait3A_522 = arith.constant 0 : i32
      %dma_wait3A_523 = tpu.memref_slice %arg7[%select_n3A_508, %dma_wait3A_521, %dma_wait3A_522] : memref<3x128x128xf32, #tpu.memory_space<vmem>> -> memref<1x128x128xf32, #tpu.memory_space<vmem>>
      %dma_wait3A_524 = tpu.memref_squeeze %dma_wait3A_523 : memref<1x128x128xf32, #tpu.memory_space<vmem>> -> memref<128x128xf32, #tpu.memory_space<vmem>>
      tpu.wait_dma2 semaphore(%dma_wait3A_517 : memref<!tpu.dma_semaphore, #tpu.memory_space<semaphore_mem>>) src(%dma_wait3A_524 : memref<128x128xf32, #tpu.memory_space<vmem>>) dst(%dma_wait3A_520 : memref<128x128xf32, #tpu.memory_space<vmem_shared>>)
      %dma_start3A_525 = arith.constant 0 : i32
      %dma_start3A_526 = arith.constant 0 : i32
      %dma_start3A_527 = tpu.memref_slice %arg6[%select_n3A_508, %dma_start3A_525, %dma_start3A_526] : memref<3x2x128xi32, #tpu.memory_space<vmem>> -> memref<1x2x128xi32, #tpu.memory_space<vmem>>
      %dma_start3A_528 = tpu.memref_squeeze %dma_start3A_527 : memref<1x2x128xi32, #tpu.memory_space<vmem>> -> memref<2x128xi32, #tpu.memory_space<vmem>>
      %dma_start3A_529 = arith.constant 0 : i32
      %dma_start3A_530 = arith.constant 0 : i32
      %dma_start3A_531 = arith.constant 0 : i32
      %dma_start3A_532 = arith.constant 0 : i32
      %dma_start3A_533 = tpu.memref_slice %arg3[%arg0, %dma_start3A_529, %dma_start3A_530, %dma_start3A_531, %dma_start3A_532] : memref<2x16x79x2x128xi32, #tpu.memory_space<hbm>> -> memref<1x16x79x2x128xi32, #tpu.memory_space<hbm>>
      %dma_start3A_534 = tpu.memref_squeeze %dma_start3A_533 : memref<1x16x79x2x128xi32, #tpu.memory_space<hbm>> -> memref<16x79x2x128xi32, #tpu.memory_space<hbm>>
      %dma_start3A_535 = arith.constant 0 : i32
      %dma_start3A_536 = arith.constant 0 : i32
      %dma_start3A_537 = arith.constant 0 : i32
      %dma_start3A_538 = tpu.memref_slice %dma_start3A_534[%arg1, %dma_start3A_535, %dma_start3A_536, %dma_start3A_537] : memref<16x79x2x128xi32, #tpu.memory_space<hbm>> -> memref<1x79x2x128xi32, #tpu.memory_space<hbm>>
      %dma_start3A_539 = tpu.memref_squeeze %dma_start3A_538 : memref<1x79x2x128xi32, #tpu.memory_space<hbm>> -> memref<79x2x128xi32, #tpu.memory_space<hbm>>
      %dma_start3A_540 = arith.constant 0 : i32
      %dma_start3A_541 = arith.constant 0 : i32
      %dma_start3A_542 = tpu.memref_slice %dma_start3A_539[%scan3A_500, %dma_start3A_540, %dma_start3A_541] : memref<79x2x128xi32, #tpu.memory_space<hbm>> -> memref<1x2x128xi32, #tpu.memory_space<hbm>>
      %dma_start3A_543 = tpu.memref_squeeze %dma_start3A_542 : memref<1x2x128xi32, #tpu.memory_space<hbm>> -> memref<2x128xi32, #tpu.memory_space<hbm>>
      %dma_start3A_544 = tpu.memref_slice %arg9[%select_n3A_508] : memref<3x!tpu.dma_semaphore, #tpu.memory_space<semaphore_mem>> -> memref<1x!tpu.dma_semaphore, #tpu.memory_space<semaphore_mem>>
      %dma_start3A_545 = tpu.memref_squeeze %dma_start3A_544 : memref<1x!tpu.dma_semaphore, #tpu.memory_space<semaphore_mem>> -> memref<!tpu.dma_semaphore, #tpu.memory_space<semaphore_mem>>
      %dma_start3A_546 = arith.constant 0 : i32
      %dma_start3A_547 = arith.constant 0 : i32
      %dma_start3A_548 = tpu.memref_slice %arg6[%select_n3A_508, %dma_start3A_546, %dma_start3A_547] : memref<3x2x128xi32, #tpu.memory_space<vmem>> -> memref<1x2x128xi32, #tpu.memory_space<vmem>>
      %dma_start3A_549 = tpu.memref_squeeze %dma_start3A_548 : memref<1x2x128xi32, #tpu.memory_space<vmem>> -> memref<2x128xi32, #tpu.memory_space<vmem>>
      %dma_start3A_550 = arith.constant 0 : i32
      %dma_start3A_551 = arith.constant 0 : i32
      %dma_start3A_552 = arith.constant 0 : i32
      %dma_start3A_553 = arith.constant 0 : i32
      %dma_start3A_554 = tpu.memref_slice %arg3[%arg0, %dma_start3A_550, %dma_start3A_551, %dma_start3A_552, %dma_start3A_553] : memref<2x16x79x2x128xi32, #tpu.memory_space<hbm>> -> memref<1x16x79x2x128xi32, #tpu.memory_space<hbm>>
      %dma_start3A_555 = tpu.memref_squeeze %dma_start3A_554 : memref<1x16x79x2x128xi32, #tpu.memory_space<hbm>> -> memref<16x79x2x128xi32, #tpu.memory_space<hbm>>
      %dma_start3A_556 = arith.constant 0 : i32
      %dma_start3A_557 = arith.constant 0 : i32
      %dma_start3A_558 = arith.constant 0 : i32
      %dma_start3A_559 = tpu.memref_slice %dma_start3A_555[%arg1, %dma_start3A_556, %dma_start3A_557, %dma_start3A_558] : memref<16x79x2x128xi32, #tpu.memory_space<hbm>> -> memref<1x79x2x128xi32, #tpu.memory_space<hbm>>
      %dma_start3A_560 = tpu.memref_squeeze %dma_start3A_559 : memref<1x79x2x128xi32, #tpu.memory_space<hbm>> -> memref<79x2x128xi32, #tpu.memory_space<hbm>>
      %dma_start3A_561 = arith.constant 0 : i32
      %dma_start3A_562 = arith.constant 0 : i32
      %dma_start3A_563 = tpu.memref_slice %dma_start3A_560[%scan3A_500, %dma_start3A_561, %dma_start3A_562] : memref<79x2x128xi32, #tpu.memory_space<hbm>> -> memref<1x2x128xi32, #tpu.memory_space<hbm>>
      %dma_start3A_564 = tpu.memref_squeeze %dma_start3A_563 : memref<1x2x128xi32, #tpu.memory_space<hbm>> -> memref<2x128xi32, #tpu.memory_space<hbm>>
      tpu.enqueue_dma source(%dma_start3A_564 : memref<2x128xi32, #tpu.memory_space<hbm>>) target(%dma_start3A_549 : memref<2x128xi32, #tpu.memory_space<vmem>>) target_semaphore(%dma_start3A_545 : memref<!tpu.dma_semaphore, #tpu.memory_space<semaphore_mem>>)
      %sub3A = arith.constant 1 : i32
      %sub3A_565 = arith.subi %scan3A_500, %sub3A : i32
      %jit3A_566 = arith.constant 3 : i32
      %eq3A_567 = arith.constant 0 : i32
      %eq3A_568 = arith.cmpi eq, %jit3A_566, %eq3A_567 : i32
      %jit3A_569 = arith.constant 1 : i32
      %select_n3A_570 = arith.select %eq3A_568, %jit3A_569, %jit3A_566 : i32
      %rem3A_571 = arith.remsi %sub3A_565, %select_n3A_570 : i32
      %ne3A_572 = arith.constant 0 : i32
      %ne3A_573 = arith.cmpi ne, %rem3A_571, %ne3A_572 : i32
      %lt3A_574 = arith.constant 0 : i32
      %lt3A_575 = arith.cmpi slt, %rem3A_571, %lt3A_574 : i32
      %lt3A_576 = arith.constant 0 : i32
      %lt3A_577 = arith.cmpi slt, %select_n3A_570, %lt3A_576 : i32
      %ne3A_578 = arith.xori %lt3A_575, %lt3A_577 : i1
      %and3A_579 = arith.andi %ne3A_578, %ne3A_573 : i1
      %add3A_580 = arith.addi %rem3A_571, %select_n3A_570 : i32
      %select_n3A_581 = arith.select %and3A_579, %add3A_580, %rem3A_571 : i32
      %dma_wait3A_582 = arith.constant 0 : i32
      %dma_wait3A_583 = arith.constant 0 : i32
      %dma_wait3A_584 = arith.constant 0 : i32
      %dma_wait3A_585 = tpu.memref_slice %arg6[%select_n3A_581, %dma_wait3A_583, %dma_wait3A_584] : memref<3x2x128xi32, #tpu.memory_space<vmem>> -> memref<1x2x128xi32, #tpu.memory_space<vmem>>
      %dma_wait3A_586 = tpu.memref_squeeze %dma_wait3A_585 : memref<1x2x128xi32, #tpu.memory_space<vmem>> -> memref<2x128xi32, #tpu.memory_space<vmem>>
      %dma_wait3A_587 = arith.constant 0 : i32
      %dma_wait3A_588 = arith.constant 0 : i32
      %dma_wait3A_589 = arith.constant 0 : i32
      %dma_wait3A_590 = arith.constant 0 : i32
      %dma_wait3A_591 = tpu.memref_slice %arg3[%arg0, %dma_wait3A_587, %dma_wait3A_588, %dma_wait3A_589, %dma_wait3A_590] : memref<2x16x79x2x128xi32, #tpu.memory_space<hbm>> -> memref<1x16x79x2x128xi32, #tpu.memory_space<hbm>>
      %dma_wait3A_592 = tpu.memref_squeeze %dma_wait3A_591 : memref<1x16x79x2x128xi32, #tpu.memory_space<hbm>> -> memref<16x79x2x128xi32, #tpu.memory_space<hbm>>
      %dma_wait3A_593 = arith.constant 0 : i32
      %dma_wait3A_594 = arith.constant 0 : i32
      %dma_wait3A_595 = arith.constant 0 : i32
      %dma_wait3A_596 = tpu.memref_slice %dma_wait3A_592[%arg1, %dma_wait3A_593, %dma_wait3A_594, %dma_wait3A_595] : memref<16x79x2x128xi32, #tpu.memory_space<hbm>> -> memref<1x79x2x128xi32, #tpu.memory_space<hbm>>
      %dma_wait3A_597 = tpu.memref_squeeze %dma_wait3A_596 : memref<1x79x2x128xi32, #tpu.memory_space<hbm>> -> memref<79x2x128xi32, #tpu.memory_space<hbm>>
      %dma_wait3A_598 = arith.constant 0 : i32
      %dma_wait3A_599 = arith.constant 0 : i32
      %dma_wait3A_600 = tpu.memref_slice %dma_wait3A_597[%dma_wait3A_582, %dma_wait3A_598, %dma_wait3A_599] : memref<79x2x128xi32, #tpu.memory_space<hbm>> -> memref<1x2x128xi32, #tpu.memory_space<hbm>>
      %dma_wait3A_601 = tpu.memref_squeeze %dma_wait3A_600 : memref<1x2x128xi32, #tpu.memory_space<hbm>> -> memref<2x128xi32, #tpu.memory_space<hbm>>
      %dma_wait3A_602 = tpu.memref_slice %arg9[%select_n3A_581] : memref<3x!tpu.dma_semaphore, #tpu.memory_space<semaphore_mem>> -> memref<1x!tpu.dma_semaphore, #tpu.memory_space<semaphore_mem>>
      %dma_wait3A_603 = tpu.memref_squeeze %dma_wait3A_602 : memref<1x!tpu.dma_semaphore, #tpu.memory_space<semaphore_mem>> -> memref<!tpu.dma_semaphore, #tpu.memory_space<semaphore_mem>>
      %dma_wait3A_604 = arith.constant 0 : i32
      %dma_wait3A_605 = arith.constant 0 : i32
      %dma_wait3A_606 = tpu.memref_slice %arg6[%select_n3A_581, %dma_wait3A_604, %dma_wait3A_605] : memref<3x2x128xi32, #tpu.memory_space<vmem>> -> memref<1x2x128xi32, #tpu.memory_space<vmem>>
      %dma_wait3A_607 = tpu.memref_squeeze %dma_wait3A_606 : memref<1x2x128xi32, #tpu.memory_space<vmem>> -> memref<2x128xi32, #tpu.memory_space<vmem>>
      %dma_wait3A_608 = arith.constant 0 : i32
      %dma_wait3A_609 = arith.constant 0 : i32
      %dma_wait3A_610 = arith.constant 0 : i32
      %dma_wait3A_611 = arith.constant 0 : i32
      %dma_wait3A_612 = tpu.memref_slice %arg3[%arg0, %dma_wait3A_608, %dma_wait3A_609, %dma_wait3A_610, %dma_wait3A_611] : memref<2x16x79x2x128xi32, #tpu.memory_space<hbm>> -> memref<1x16x79x2x128xi32, #tpu.memory_space<hbm>>
      %dma_wait3A_613 = tpu.memref_squeeze %dma_wait3A_612 : memref<1x16x79x2x128xi32, #tpu.memory_space<hbm>> -> memref<16x79x2x128xi32, #tpu.memory_space<hbm>>
      %dma_wait3A_614 = arith.constant 0 : i32
      %dma_wait3A_615 = arith.constant 0 : i32
      %dma_wait3A_616 = arith.constant 0 : i32
      %dma_wait3A_617 = tpu.memref_slice %dma_wait3A_613[%arg1, %dma_wait3A_614, %dma_wait3A_615, %dma_wait3A_616] : memref<16x79x2x128xi32, #tpu.memory_space<hbm>> -> memref<1x79x2x128xi32, #tpu.memory_space<hbm>>
      %dma_wait3A_618 = tpu.memref_squeeze %dma_wait3A_617 : memref<1x79x2x128xi32, #tpu.memory_space<hbm>> -> memref<79x2x128xi32, #tpu.memory_space<hbm>>
      %dma_wait3A_619 = arith.constant 0 : i32
      %dma_wait3A_620 = arith.constant 0 : i32
      %dma_wait3A_621 = tpu.memref_slice %dma_wait3A_618[%dma_wait3A_582, %dma_wait3A_619, %dma_wait3A_620] : memref<79x2x128xi32, #tpu.memory_space<hbm>> -> memref<1x2x128xi32, #tpu.memory_space<hbm>>
      %dma_wait3A_622 = tpu.memref_squeeze %dma_wait3A_621 : memref<1x2x128xi32, #tpu.memory_space<hbm>> -> memref<2x128xi32, #tpu.memory_space<hbm>>
      tpu.wait_dma2 semaphore(%dma_wait3A_603 : memref<!tpu.dma_semaphore, #tpu.memory_space<semaphore_mem>>) src(%dma_wait3A_622 : memref<2x128xi32, #tpu.memory_space<hbm>>) dst(%dma_wait3A_607 : memref<2x128xi32, #tpu.memory_space<vmem>>)
      %dma_start3A_623 = arith.constant 0 : i32
      %dma_start3A_624 = arith.constant 0 : i32
      %dma_start3A_625 = arith.constant 0 : i32
      %dma_start3A_626 = tpu.memref_slice %arg7[%select_n3A_581, %dma_start3A_624, %dma_start3A_625] : memref<3x128x128xf32, #tpu.memory_space<vmem>> -> memref<1x128x128xf32, #tpu.memory_space<vmem>>
      %dma_start3A_627 = tpu.memref_squeeze %dma_start3A_626 : memref<1x128x128xf32, #tpu.memory_space<vmem>> -> memref<128x128xf32, #tpu.memory_space<vmem>>
      %dma_start3A_628 = arith.constant 0 : i32
      %dma_start3A_629 = arith.constant 0 : i32
      %dma_start3A_630 = tpu.memref_slice %arg6[%select_n3A_581, %dma_start3A_628, %dma_start3A_629] : memref<3x2x128xi32, #tpu.memory_space<vmem>> -> memref<1x2x128xi32, #tpu.memory_space<vmem>>
      %dma_start3A_631 = tpu.memref_squeeze %dma_start3A_630 : memref<1x2x128xi32, #tpu.memory_space<vmem>> -> memref<2x128xi32, #tpu.memory_space<vmem>>
      %dma_start3A_632 = arith.constant 0 : i32
      %dma_start3A_633 = tpu.memref_slice %dma_start3A_631[%dma_start3A_623, %dma_start3A_632] : memref<2x128xi32, #tpu.memory_space<vmem>> -> memref<1x128xi32, #tpu.memory_space<vmem>>
      %dma_start3A_634 = tpu.memref_squeeze %dma_start3A_633 : memref<1x128xi32, #tpu.memory_space<vmem>> -> memref<128xi32, #tpu.memory_space<vmem>>
      %dma_start3A_635 = arith.constant 0 : i32
      %dma_start3A_636 = arith.constant 0 : i32
      %dma_start3A_637 = tpu.memref_slice %arg2[%dma_start3A_635, %dma_start3A_636] : memref<20000x128xf32, #tpu.memory_space<hbm>> -> memref<20000x128xf32, #tpu.memory_space<hbm>>
      %dma_start3A_638 = tpu.memref_slice %arg10[%select_n3A_581] : memref<3x!tpu.dma_semaphore, #tpu.memory_space<semaphore_mem>> -> memref<1x!tpu.dma_semaphore, #tpu.memory_space<semaphore_mem>>
      %dma_start3A_639 = tpu.memref_squeeze %dma_start3A_638 : memref<1x!tpu.dma_semaphore, #tpu.memory_space<semaphore_mem>> -> memref<!tpu.dma_semaphore, #tpu.memory_space<semaphore_mem>>
      tpu.enqueue_indirect_dma source(%dma_start3A_637 : memref<20000x128xf32, #tpu.memory_space<hbm>>) target(%dma_start3A_627 : memref<128x128xf32, #tpu.memory_space<vmem>>) offsets(%dma_start3A_634 : memref<128xi32, #tpu.memory_space<vmem>>) semaphore(%dma_start3A_639 : memref<!tpu.dma_semaphore, #tpu.memory_space<semaphore_mem>>)
      %sub3A_640 = arith.constant 2 : i32
      %sub3A_641 = arith.subi %scan3A_500, %sub3A_640 : i32
      %jit3A_642 = arith.constant 3 : i32
      %eq3A_643 = arith.constant 0 : i32
      %eq3A_644 = arith.cmpi eq, %jit3A_642, %eq3A_643 : i32
      %jit3A_645 = arith.constant 1 : i32
      %select_n3A_646 = arith.select %eq3A_644, %jit3A_645, %jit3A_642 : i32
      %rem3A_647 = arith.remsi %sub3A_641, %select_n3A_646 : i32
      %ne3A_648 = arith.constant 0 : i32
      %ne3A_649 = arith.cmpi ne, %rem3A_647, %ne3A_648 : i32
      %lt3A_650 = arith.constant 0 : i32
      %lt3A_651 = arith.cmpi slt, %rem3A_647, %lt3A_650 : i32
      %lt3A_652 = arith.constant 0 : i32
      %lt3A_653 = arith.cmpi slt, %select_n3A_646, %lt3A_652 : i32
      %ne3A_654 = arith.xori %lt3A_651, %lt3A_653 : i1
      %and3A_655 = arith.andi %ne3A_654, %ne3A_649 : i1
      %add3A_656 = arith.addi %rem3A_647, %select_n3A_646 : i32
      %select_n3A_657 = arith.select %and3A_655, %add3A_656, %rem3A_647 : i32
      %dma_wait3A_658 = arith.constant 0 : i32
      %dma_wait3A_659 = arith.constant 0 : i32
      %dma_wait3A_660 = tpu.memref_slice %arg7[%select_n3A_657, %dma_wait3A_658, %dma_wait3A_659] : memref<3x128x128xf32, #tpu.memory_space<vmem>> -> memref<1x128x128xf32, #tpu.memory_space<vmem>>
      %dma_wait3A_661 = tpu.memref_squeeze %dma_wait3A_660 : memref<1x128x128xf32, #tpu.memory_space<vmem>> -> memref<128x128xf32, #tpu.memory_space<vmem>>
      %dma_wait3A_662 = arith.constant 0 : i32
      %dma_wait3A_663 = arith.constant 0 : i32
      %dma_wait3A_664 = tpu.memref_slice %arg2[%dma_wait3A_662, %dma_wait3A_663] : memref<20000x128xf32, #tpu.memory_space<hbm>> -> memref<128x128xf32, #tpu.memory_space<hbm>>
      %dma_wait3A_665 = tpu.memref_slice %arg10[%select_n3A_657] : memref<3x!tpu.dma_semaphore, #tpu.memory_space<semaphore_mem>> -> memref<1x!tpu.dma_semaphore, #tpu.memory_space<semaphore_mem>>
      %dma_wait3A_666 = tpu.memref_squeeze %dma_wait3A_665 : memref<1x!tpu.dma_semaphore, #tpu.memory_space<semaphore_mem>> -> memref<!tpu.dma_semaphore, #tpu.memory_space<semaphore_mem>>
      %dma_wait3A_667 = arith.constant 0 : i32
      %dma_wait3A_668 = arith.constant 0 : i32
      %dma_wait3A_669 = tpu.memref_slice %arg7[%select_n3A_657, %dma_wait3A_667, %dma_wait3A_668] : memref<3x128x128xf32, #tpu.memory_space<vmem>> -> memref<1x128x128xf32, #tpu.memory_space<vmem>>
      %dma_wait3A_670 = tpu.memref_squeeze %dma_wait3A_669 : memref<1x128x128xf32, #tpu.memory_space<vmem>> -> memref<128x128xf32, #tpu.memory_space<vmem>>
      %dma_wait3A_671 = arith.constant 0 : i32
      %dma_wait3A_672 = arith.constant 0 : i32
      %dma_wait3A_673 = tpu.memref_slice %arg2[%dma_wait3A_671, %dma_wait3A_672] : memref<20000x128xf32, #tpu.memory_space<hbm>> -> memref<128x128xf32, #tpu.memory_space<hbm>>
      tpu.wait_dma2 semaphore(%dma_wait3A_666 : memref<!tpu.dma_semaphore, #tpu.memory_space<semaphore_mem>>) src(%dma_wait3A_673 : memref<128x128xf32, #tpu.memory_space<hbm>>) dst(%dma_wait3A_670 : memref<128x128xf32, #tpu.memory_space<vmem>>)
      %dma_start3A_674 = arith.constant 1 : i32
      %dma_start3A_675 = arith.constant 0 : i32
      %dma_start3A_676 = arith.constant 0 : i32
      %dma_start3A_677 = tpu.memref_slice %arg7[%select_n3A_657, %dma_start3A_675, %dma_start3A_676] : memref<3x128x128xf32, #tpu.memory_space<vmem>> -> memref<1x128x128xf32, #tpu.memory_space<vmem>>
      %dma_start3A_678 = tpu.memref_squeeze %dma_start3A_677 : memref<1x128x128xf32, #tpu.memory_space<vmem>> -> memref<128x128xf32, #tpu.memory_space<vmem>>
      %dma_start3A_679 = arith.constant 0 : i32
      %dma_start3A_680 = arith.constant 0 : i32
      %dma_start3A_681 = tpu.memref_slice %arg6[%select_n3A_657, %dma_start3A_679, %dma_start3A_680] : memref<3x2x128xi32, #tpu.memory_space<vmem>> -> memref<1x2x128xi32, #tpu.memory_space<vmem>>
      %dma_start3A_682 = tpu.memref_squeeze %dma_start3A_681 : memref<1x2x128xi32, #tpu.memory_space<vmem>> -> memref<2x128xi32, #tpu.memory_space<vmem>>
      %dma_start3A_683 = arith.constant 0 : i32
      %dma_start3A_684 = tpu.memref_slice %dma_start3A_682[%dma_start3A_674, %dma_start3A_683] : memref<2x128xi32, #tpu.memory_space<vmem>> -> memref<1x128xi32, #tpu.memory_space<vmem>>
      %dma_start3A_685 = tpu.memref_squeeze %dma_start3A_684 : memref<1x128xi32, #tpu.memory_space<vmem>> -> memref<128xi32, #tpu.memory_space<vmem>>
      %dma_start3A_686 = arith.constant 0 : i32
      %dma_start3A_687 = arith.constant 0 : i32
      %dma_start3A_688 = tpu.memref_slice %arg8[%dma_start3A_686, %dma_start3A_687] : memref<10112x128xf32, #tpu.memory_space<vmem_shared>> -> memref<10112x128xf32, #tpu.memory_space<vmem_shared>>
      %dma_start3A_689 = tpu.memref_slice %arg11[%select_n3A_657] : memref<3x!tpu.dma_semaphore, #tpu.memory_space<semaphore_mem>> -> memref<1x!tpu.dma_semaphore, #tpu.memory_space<semaphore_mem>>
      %dma_start3A_690 = tpu.memref_squeeze %dma_start3A_689 : memref<1x!tpu.dma_semaphore, #tpu.memory_space<semaphore_mem>> -> memref<!tpu.dma_semaphore, #tpu.memory_space<semaphore_mem>>
      tpu.enqueue_indirect_dma source(%dma_start3A_678 : memref<128x128xf32, #tpu.memory_space<vmem>>) target(%dma_start3A_688 : memref<10112x128xf32, #tpu.memory_space<vmem_shared>>) offsets(%dma_start3A_685 : memref<128xi32, #tpu.memory_space<vmem>>) semaphore(%dma_start3A_690 : memref<!tpu.dma_semaphore, #tpu.memory_space<semaphore_mem>>) {add = true}
    }
    %scan3A_301 = arith.constant 76 : i32
    %dma_wait3A_302 = arith.constant 1 : i32
    %dma_wait3A_303 = arith.constant 1 : i32
    %dma_wait3A_304 = arith.constant 0 : i32
    %dma_wait3A_305 = arith.constant 0 : i32
    %dma_wait3A_306 = tpu.memref_slice %arg7[%dma_wait3A_302, %dma_wait3A_304, %dma_wait3A_305] : memref<3x128x128xf32, #tpu.memory_space<vmem>> -> memref<1x128x128xf32, #tpu.memory_space<vmem>>
    %dma_wait3A_307 = tpu.memref_squeeze %dma_wait3A_306 : memref<1x128x128xf32, #tpu.memory_space<vmem>> -> memref<128x128xf32, #tpu.memory_space<vmem>>
    %dma_wait3A_308 = arith.constant 0 : i32
    %dma_wait3A_309 = arith.constant 0 : i32
    %dma_wait3A_310 = tpu.memref_slice %arg8[%dma_wait3A_308, %dma_wait3A_309] : memref<10112x128xf32, #tpu.memory_space<vmem_shared>> -> memref<128x128xf32, #tpu.memory_space<vmem_shared>>
    %dma_wait3A_311 = tpu.memref_slice %arg11[%dma_wait3A_303] : memref<3x!tpu.dma_semaphore, #tpu.memory_space<semaphore_mem>> -> memref<1x!tpu.dma_semaphore, #tpu.memory_space<semaphore_mem>>
    %dma_wait3A_312 = tpu.memref_squeeze %dma_wait3A_311 : memref<1x!tpu.dma_semaphore, #tpu.memory_space<semaphore_mem>> -> memref<!tpu.dma_semaphore, #tpu.memory_space<semaphore_mem>>
    %dma_wait3A_313 = arith.constant 0 : i32
    %dma_wait3A_314 = arith.constant 0 : i32
    %dma_wait3A_315 = tpu.memref_slice %arg8[%dma_wait3A_313, %dma_wait3A_314] : memref<10112x128xf32, #tpu.memory_space<vmem_shared>> -> memref<128x128xf32, #tpu.memory_space<vmem_shared>>
    %dma_wait3A_316 = arith.constant 0 : i32
    %dma_wait3A_317 = arith.constant 0 : i32
    %dma_wait3A_318 = tpu.memref_slice %arg7[%dma_wait3A_302, %dma_wait3A_316, %dma_wait3A_317] : memref<3x128x128xf32, #tpu.memory_space<vmem>> -> memref<1x128x128xf32, #tpu.memory_space<vmem>>
    %dma_wait3A_319 = tpu.memref_squeeze %dma_wait3A_318 : memref<1x128x128xf32, #tpu.memory_space<vmem>> -> memref<128x128xf32, #tpu.memory_space<vmem>>
    tpu.wait_dma2 semaphore(%dma_wait3A_312 : memref<!tpu.dma_semaphore, #tpu.memory_space<semaphore_mem>>) src(%dma_wait3A_319 : memref<128x128xf32, #tpu.memory_space<vmem>>) dst(%dma_wait3A_315 : memref<128x128xf32, #tpu.memory_space<vmem_shared>>)
    %dma_wait3A_320 = arith.constant 0 : i32
    %dma_wait3A_321 = arith.constant 0 : i32
    %dma_wait3A_322 = arith.constant 0 : i32
    %dma_wait3A_323 = arith.constant 0 : i32
    %dma_wait3A_324 = arith.constant 0 : i32
    %dma_wait3A_325 = tpu.memref_slice %arg6[%dma_wait3A_321, %dma_wait3A_323, %dma_wait3A_324] : memref<3x2x128xi32, #tpu.memory_space<vmem>> -> memref<1x2x128xi32, #tpu.memory_space<vmem>>
    %dma_wait3A_326 = tpu.memref_squeeze %dma_wait3A_325 : memref<1x2x128xi32, #tpu.memory_space<vmem>> -> memref<2x128xi32, #tpu.memory_space<vmem>>
    %dma_wait3A_327 = arith.constant 0 : i32
    %dma_wait3A_328 = arith.constant 0 : i32
    %dma_wait3A_329 = arith.constant 0 : i32
    %dma_wait3A_330 = arith.constant 0 : i32
    %dma_wait3A_331 = tpu.memref_slice %arg3[%arg0, %dma_wait3A_327, %dma_wait3A_328, %dma_wait3A_329, %dma_wait3A_330] : memref<2x16x79x2x128xi32, #tpu.memory_space<hbm>> -> memref<1x16x79x2x128xi32, #tpu.memory_space<hbm>>
    %dma_wait3A_332 = tpu.memref_squeeze %dma_wait3A_331 : memref<1x16x79x2x128xi32, #tpu.memory_space<hbm>> -> memref<16x79x2x128xi32, #tpu.memory_space<hbm>>
    %dma_wait3A_333 = arith.constant 0 : i32
    %dma_wait3A_334 = arith.constant 0 : i32
    %dma_wait3A_335 = arith.constant 0 : i32
    %dma_wait3A_336 = tpu.memref_slice %dma_wait3A_332[%arg1, %dma_wait3A_333, %dma_wait3A_334, %dma_wait3A_335] : memref<16x79x2x128xi32, #tpu.memory_space<hbm>> -> memref<1x79x2x128xi32, #tpu.memory_space<hbm>>
    %dma_wait3A_337 = tpu.memref_squeeze %dma_wait3A_336 : memref<1x79x2x128xi32, #tpu.memory_space<hbm>> -> memref<79x2x128xi32, #tpu.memory_space<hbm>>
    %dma_wait3A_338 = arith.constant 0 : i32
    %dma_wait3A_339 = arith.constant 0 : i32
    %dma_wait3A_340 = tpu.memref_slice %dma_wait3A_337[%dma_wait3A_320, %dma_wait3A_338, %dma_wait3A_339] : memref<79x2x128xi32, #tpu.memory_space<hbm>> -> memref<1x2x128xi32, #tpu.memory_space<hbm>>
    %dma_wait3A_341 = tpu.memref_squeeze %dma_wait3A_340 : memref<1x2x128xi32, #tpu.memory_space<hbm>> -> memref<2x128xi32, #tpu.memory_space<hbm>>
    %dma_wait3A_342 = tpu.memref_slice %arg9[%dma_wait3A_322] : memref<3x!tpu.dma_semaphore, #tpu.memory_space<semaphore_mem>> -> memref<1x!tpu.dma_semaphore, #tpu.memory_space<semaphore_mem>>
    %dma_wait3A_343 = tpu.memref_squeeze %dma_wait3A_342 : memref<1x!tpu.dma_semaphore, #tpu.memory_space<semaphore_mem>> -> memref<!tpu.dma_semaphore, #tpu.memory_space<semaphore_mem>>
    %dma_wait3A_344 = arith.constant 0 : i32
    %dma_wait3A_345 = arith.constant 0 : i32
    %dma_wait3A_346 = tpu.memref_slice %arg6[%dma_wait3A_321, %dma_wait3A_344, %dma_wait3A_345] : memref<3x2x128xi32, #tpu.memory_space<vmem>> -> memref<1x2x128xi32, #tpu.memory_space<vmem>>
    %dma_wait3A_347 = tpu.memref_squeeze %dma_wait3A_346 : memref<1x2x128xi32, #tpu.memory_space<vmem>> -> memref<2x128xi32, #tpu.memory_space<vmem>>
    %dma_wait3A_348 = arith.constant 0 : i32
    %dma_wait3A_349 = arith.constant 0 : i32
    %dma_wait3A_350 = arith.constant 0 : i32
    %dma_wait3A_351 = arith.constant 0 : i32
    %dma_wait3A_352 = tpu.memref_slice %arg3[%arg0, %dma_wait3A_348, %dma_wait3A_349, %dma_wait3A_350, %dma_wait3A_351] : memref<2x16x79x2x128xi32, #tpu.memory_space<hbm>> -> memref<1x16x79x2x128xi32, #tpu.memory_space<hbm>>
    %dma_wait3A_353 = tpu.memref_squeeze %dma_wait3A_352 : memref<1x16x79x2x128xi32, #tpu.memory_space<hbm>> -> memref<16x79x2x128xi32, #tpu.memory_space<hbm>>
    %dma_wait3A_354 = arith.constant 0 : i32
    %dma_wait3A_355 = arith.constant 0 : i32
    %dma_wait3A_356 = arith.constant 0 : i32
    %dma_wait3A_357 = tpu.memref_slice %dma_wait3A_353[%arg1, %dma_wait3A_354, %dma_wait3A_355, %dma_wait3A_356] : memref<16x79x2x128xi32, #tpu.memory_space<hbm>> -> memref<1x79x2x128xi32, #tpu.memory_space<hbm>>
    %dma_wait3A_358 = tpu.memref_squeeze %dma_wait3A_357 : memref<1x79x2x128xi32, #tpu.memory_space<hbm>> -> memref<79x2x128xi32, #tpu.memory_space<hbm>>
    %dma_wait3A_359 = arith.constant 0 : i32
    %dma_wait3A_360 = arith.constant 0 : i32
    %dma_wait3A_361 = tpu.memref_slice %dma_wait3A_358[%dma_wait3A_320, %dma_wait3A_359, %dma_wait3A_360] : memref<79x2x128xi32, #tpu.memory_space<hbm>> -> memref<1x2x128xi32, #tpu.memory_space<hbm>>
    %dma_wait3A_362 = tpu.memref_squeeze %dma_wait3A_361 : memref<1x2x128xi32, #tpu.memory_space<hbm>> -> memref<2x128xi32, #tpu.memory_space<hbm>>
    tpu.wait_dma2 semaphore(%dma_wait3A_343 : memref<!tpu.dma_semaphore, #tpu.memory_space<semaphore_mem>>) src(%dma_wait3A_362 : memref<2x128xi32, #tpu.memory_space<hbm>>) dst(%dma_wait3A_347 : memref<2x128xi32, #tpu.memory_space<vmem>>)
    %dma_start3A_363 = arith.constant 0 : i32
    %dma_start3A_364 = arith.constant 0 : i32
    %dma_start3A_365 = arith.constant 0 : i32
    %dma_start3A_366 = arith.constant 0 : i32
    %dma_start3A_367 = arith.constant 0 : i32
    %dma_start3A_368 = arith.constant 0 : i32
    %dma_start3A_369 = tpu.memref_slice %arg7[%dma_start3A_365, %dma_start3A_367, %dma_start3A_368] : memref<3x128x128xf32, #tpu.memory_space<vmem>> -> memref<1x128x128xf32, #tpu.memory_space<vmem>>
    %dma_start3A_370 = tpu.memref_squeeze %dma_start3A_369 : memref<1x128x128xf32, #tpu.memory_space<vmem>> -> memref<128x128xf32, #tpu.memory_space<vmem>>
    %dma_start3A_371 = arith.constant 0 : i32
    %dma_start3A_372 = arith.constant 0 : i32
    %dma_start3A_373 = tpu.memref_slice %arg6[%dma_start3A_363, %dma_start3A_371, %dma_start3A_372] : memref<3x2x128xi32, #tpu.memory_space<vmem>> -> memref<1x2x128xi32, #tpu.memory_space<vmem>>
    %dma_start3A_374 = tpu.memref_squeeze %dma_start3A_373 : memref<1x2x128xi32, #tpu.memory_space<vmem>> -> memref<2x128xi32, #tpu.memory_space<vmem>>
    %dma_start3A_375 = arith.constant 0 : i32
    %dma_start3A_376 = tpu.memref_slice %dma_start3A_374[%dma_start3A_364, %dma_start3A_375] : memref<2x128xi32, #tpu.memory_space<vmem>> -> memref<1x128xi32, #tpu.memory_space<vmem>>
    %dma_start3A_377 = tpu.memref_squeeze %dma_start3A_376 : memref<1x128xi32, #tpu.memory_space<vmem>> -> memref<128xi32, #tpu.memory_space<vmem>>
    %dma_start3A_378 = arith.constant 0 : i32
    %dma_start3A_379 = arith.constant 0 : i32
    %dma_start3A_380 = tpu.memref_slice %arg2[%dma_start3A_378, %dma_start3A_379] : memref<20000x128xf32, #tpu.memory_space<hbm>> -> memref<20000x128xf32, #tpu.memory_space<hbm>>
    %dma_start3A_381 = tpu.memref_slice %arg10[%dma_start3A_366] : memref<3x!tpu.dma_semaphore, #tpu.memory_space<semaphore_mem>> -> memref<1x!tpu.dma_semaphore, #tpu.memory_space<semaphore_mem>>
    %dma_start3A_382 = tpu.memref_squeeze %dma_start3A_381 : memref<1x!tpu.dma_semaphore, #tpu.memory_space<semaphore_mem>> -> memref<!tpu.dma_semaphore, #tpu.memory_space<semaphore_mem>>
    tpu.enqueue_indirect_dma source(%dma_start3A_380 : memref<20000x128xf32, #tpu.memory_space<hbm>>) target(%dma_start3A_370 : memref<128x128xf32, #tpu.memory_space<vmem>>) offsets(%dma_start3A_377 : memref<128xi32, #tpu.memory_space<vmem>>) semaphore(%dma_start3A_382 : memref<!tpu.dma_semaphore, #tpu.memory_space<semaphore_mem>>)
    %dma_wait3A_383 = arith.constant 2 : i32
    %dma_wait3A_384 = arith.constant 2 : i32
    %dma_wait3A_385 = arith.constant 0 : i32
    %dma_wait3A_386 = arith.constant 0 : i32
    %dma_wait3A_387 = tpu.memref_slice %arg7[%dma_wait3A_383, %dma_wait3A_385, %dma_wait3A_386] : memref<3x128x128xf32, #tpu.memory_space<vmem>> -> memref<1x128x128xf32, #tpu.memory_space<vmem>>
    %dma_wait3A_388 = tpu.memref_squeeze %dma_wait3A_387 : memref<1x128x128xf32, #tpu.memory_space<vmem>> -> memref<128x128xf32, #tpu.memory_space<vmem>>
    %dma_wait3A_389 = arith.constant 0 : i32
    %dma_wait3A_390 = arith.constant 0 : i32
    %dma_wait3A_391 = tpu.memref_slice %arg2[%dma_wait3A_389, %dma_wait3A_390] : memref<20000x128xf32, #tpu.memory_space<hbm>> -> memref<128x128xf32, #tpu.memory_space<hbm>>
    %dma_wait3A_392 = tpu.memref_slice %arg10[%dma_wait3A_384] : memref<3x!tpu.dma_semaphore, #tpu.memory_space<semaphore_mem>> -> memref<1x!tpu.dma_semaphore, #tpu.memory_space<semaphore_mem>>
    %dma_wait3A_393 = tpu.memref_squeeze %dma_wait3A_392 : memref<1x!tpu.dma_semaphore, #tpu.memory_space<semaphore_mem>> -> memref<!tpu.dma_semaphore, #tpu.memory_space<semaphore_mem>>
    %dma_wait3A_394 = arith.constant 0 : i32
    %dma_wait3A_395 = arith.constant 0 : i32
    %dma_wait3A_396 = tpu.memref_slice %arg7[%dma_wait3A_383, %dma_wait3A_394, %dma_wait3A_395] : memref<3x128x128xf32, #tpu.memory_space<vmem>> -> memref<1x128x128xf32, #tpu.memory_space<vmem>>
    %dma_wait3A_397 = tpu.memref_squeeze %dma_wait3A_396 : memref<1x128x128xf32, #tpu.memory_space<vmem>> -> memref<128x128xf32, #tpu.memory_space<vmem>>
    %dma_wait3A_398 = arith.constant 0 : i32
    %dma_wait3A_399 = arith.constant 0 : i32
    %dma_wait3A_400 = tpu.memref_slice %arg2[%dma_wait3A_398, %dma_wait3A_399] : memref<20000x128xf32, #tpu.memory_space<hbm>> -> memref<128x128xf32, #tpu.memory_space<hbm>>
    tpu.wait_dma2 semaphore(%dma_wait3A_393 : memref<!tpu.dma_semaphore, #tpu.memory_space<semaphore_mem>>) src(%dma_wait3A_400 : memref<128x128xf32, #tpu.memory_space<hbm>>) dst(%dma_wait3A_397 : memref<128x128xf32, #tpu.memory_space<vmem>>)
    %dma_start3A_401 = arith.constant 2 : i32
    %dma_start3A_402 = arith.constant 2 : i32
    %dma_start3A_403 = arith.constant 1 : i32
    %dma_start3A_404 = arith.constant 2 : i32
    %dma_start3A_405 = arith.constant 0 : i32
    %dma_start3A_406 = arith.constant 0 : i32
    %dma_start3A_407 = tpu.memref_slice %arg7[%dma_start3A_401, %dma_start3A_405, %dma_start3A_406] : memref<3x128x128xf32, #tpu.memory_space<vmem>> -> memref<1x128x128xf32, #tpu.memory_space<vmem>>
    %dma_start3A_408 = tpu.memref_squeeze %dma_start3A_407 : memref<1x128x128xf32, #tpu.memory_space<vmem>> -> memref<128x128xf32, #tpu.memory_space<vmem>>
    %dma_start3A_409 = arith.constant 0 : i32
    %dma_start3A_410 = arith.constant 0 : i32
    %dma_start3A_411 = tpu.memref_slice %arg6[%dma_start3A_402, %dma_start3A_409, %dma_start3A_410] : memref<3x2x128xi32, #tpu.memory_space<vmem>> -> memref<1x2x128xi32, #tpu.memory_space<vmem>>
    %dma_start3A_412 = tpu.memref_squeeze %dma_start3A_411 : memref<1x2x128xi32, #tpu.memory_space<vmem>> -> memref<2x128xi32, #tpu.memory_space<vmem>>
    %dma_start3A_413 = arith.constant 0 : i32
    %dma_start3A_414 = tpu.memref_slice %dma_start3A_412[%dma_start3A_403, %dma_start3A_413] : memref<2x128xi32, #tpu.memory_space<vmem>> -> memref<1x128xi32, #tpu.memory_space<vmem>>
    %dma_start3A_415 = tpu.memref_squeeze %dma_start3A_414 : memref<1x128xi32, #tpu.memory_space<vmem>> -> memref<128xi32, #tpu.memory_space<vmem>>
    %dma_start3A_416 = arith.constant 0 : i32
    %dma_start3A_417 = arith.constant 0 : i32
    %dma_start3A_418 = tpu.memref_slice %arg8[%dma_start3A_416, %dma_start3A_417] : memref<10112x128xf32, #tpu.memory_space<vmem_shared>> -> memref<10112x128xf32, #tpu.memory_space<vmem_shared>>
    %dma_start3A_419 = tpu.memref_slice %arg11[%dma_start3A_404] : memref<3x!tpu.dma_semaphore, #tpu.memory_space<semaphore_mem>> -> memref<1x!tpu.dma_semaphore, #tpu.memory_space<semaphore_mem>>
    %dma_start3A_420 = tpu.memref_squeeze %dma_start3A_419 : memref<1x!tpu.dma_semaphore, #tpu.memory_space<semaphore_mem>> -> memref<!tpu.dma_semaphore, #tpu.memory_space<semaphore_mem>>
    tpu.enqueue_indirect_dma source(%dma_start3A_408 : memref<128x128xf32, #tpu.memory_space<vmem>>) target(%dma_start3A_418 : memref<10112x128xf32, #tpu.memory_space<vmem_shared>>) offsets(%dma_start3A_415 : memref<128xi32, #tpu.memory_space<vmem>>) semaphore(%dma_start3A_420 : memref<!tpu.dma_semaphore, #tpu.memory_space<semaphore_mem>>) {add = true}
    %dma_wait3A_421 = arith.constant 2 : i32
    %dma_wait3A_422 = arith.constant 2 : i32
    %dma_wait3A_423 = arith.constant 0 : i32
    %dma_wait3A_424 = arith.constant 0 : i32
    %dma_wait3A_425 = tpu.memref_slice %arg7[%dma_wait3A_421, %dma_wait3A_423, %dma_wait3A_424] : memref<3x128x128xf32, #tpu.memory_space<vmem>> -> memref<1x128x128xf32, #tpu.memory_space<vmem>>
    %dma_wait3A_426 = tpu.memref_squeeze %dma_wait3A_425 : memref<1x128x128xf32, #tpu.memory_space<vmem>> -> memref<128x128xf32, #tpu.memory_space<vmem>>
    %dma_wait3A_427 = arith.constant 0 : i32
    %dma_wait3A_428 = arith.constant 0 : i32
    %dma_wait3A_429 = tpu.memref_slice %arg8[%dma_wait3A_427, %dma_wait3A_428] : memref<10112x128xf32, #tpu.memory_space<vmem_shared>> -> memref<128x128xf32, #tpu.memory_space<vmem_shared>>
    %dma_wait3A_430 = tpu.memref_slice %arg11[%dma_wait3A_422] : memref<3x!tpu.dma_semaphore, #tpu.memory_space<semaphore_mem>> -> memref<1x!tpu.dma_semaphore, #tpu.memory_space<semaphore_mem>>
    %dma_wait3A_431 = tpu.memref_squeeze %dma_wait3A_430 : memref<1x!tpu.dma_semaphore, #tpu.memory_space<semaphore_mem>> -> memref<!tpu.dma_semaphore, #tpu.memory_space<semaphore_mem>>
    %dma_wait3A_432 = arith.constant 0 : i32
    %dma_wait3A_433 = arith.constant 0 : i32
    %dma_wait3A_434 = tpu.memref_slice %arg8[%dma_wait3A_432, %dma_wait3A_433] : memref<10112x128xf32, #tpu.memory_space<vmem_shared>> -> memref<128x128xf32, #tpu.memory_space<vmem_shared>>
    %dma_wait3A_435 = arith.constant 0 : i32
    %dma_wait3A_436 = arith.constant 0 : i32
    %dma_wait3A_437 = tpu.memref_slice %arg7[%dma_wait3A_421, %dma_wait3A_435, %dma_wait3A_436] : memref<3x128x128xf32, #tpu.memory_space<vmem>> -> memref<1x128x128xf32, #tpu.memory_space<vmem>>
    %dma_wait3A_438 = tpu.memref_squeeze %dma_wait3A_437 : memref<1x128x128xf32, #tpu.memory_space<vmem>> -> memref<128x128xf32, #tpu.memory_space<vmem>>
    tpu.wait_dma2 semaphore(%dma_wait3A_431 : memref<!tpu.dma_semaphore, #tpu.memory_space<semaphore_mem>>) src(%dma_wait3A_438 : memref<128x128xf32, #tpu.memory_space<vmem>>) dst(%dma_wait3A_434 : memref<128x128xf32, #tpu.memory_space<vmem_shared>>)
    %dma_wait3A_439 = arith.constant 0 : i32
    %dma_wait3A_440 = arith.constant 0 : i32
    %dma_wait3A_441 = arith.constant 0 : i32
    %dma_wait3A_442 = arith.constant 0 : i32
    %dma_wait3A_443 = tpu.memref_slice %arg7[%dma_wait3A_439, %dma_wait3A_441, %dma_wait3A_442] : memref<3x128x128xf32, #tpu.memory_space<vmem>> -> memref<1x128x128xf32, #tpu.memory_space<vmem>>
    %dma_wait3A_444 = tpu.memref_squeeze %dma_wait3A_443 : memref<1x128x128xf32, #tpu.memory_space<vmem>> -> memref<128x128xf32, #tpu.memory_space<vmem>>
    %dma_wait3A_445 = arith.constant 0 : i32
    %dma_wait3A_446 = arith.constant 0 : i32
    %dma_wait3A_447 = tpu.memref_slice %arg2[%dma_wait3A_445, %dma_wait3A_446] : memref<20000x128xf32, #tpu.memory_space<hbm>> -> memref<128x128xf32, #tpu.memory_space<hbm>>
    %dma_wait3A_448 = tpu.memref_slice %arg10[%dma_wait3A_440] : memref<3x!tpu.dma_semaphore, #tpu.memory_space<semaphore_mem>> -> memref<1x!tpu.dma_semaphore, #tpu.memory_space<semaphore_mem>>
    %dma_wait3A_449 = tpu.memref_squeeze %dma_wait3A_448 : memref<1x!tpu.dma_semaphore, #tpu.memory_space<semaphore_mem>> -> memref<!tpu.dma_semaphore, #tpu.memory_space<semaphore_mem>>
    %dma_wait3A_450 = arith.constant 0 : i32
    %dma_wait3A_451 = arith.constant 0 : i32
    %dma_wait3A_452 = tpu.memref_slice %arg7[%dma_wait3A_439, %dma_wait3A_450, %dma_wait3A_451] : memref<3x128x128xf32, #tpu.memory_space<vmem>> -> memref<1x128x128xf32, #tpu.memory_space<vmem>>
    %dma_wait3A_453 = tpu.memref_squeeze %dma_wait3A_452 : memref<1x128x128xf32, #tpu.memory_space<vmem>> -> memref<128x128xf32, #tpu.memory_space<vmem>>
    %dma_wait3A_454 = arith.constant 0 : i32
    %dma_wait3A_455 = arith.constant 0 : i32
    %dma_wait3A_456 = tpu.memref_slice %arg2[%dma_wait3A_454, %dma_wait3A_455] : memref<20000x128xf32, #tpu.memory_space<hbm>> -> memref<128x128xf32, #tpu.memory_space<hbm>>
    tpu.wait_dma2 semaphore(%dma_wait3A_449 : memref<!tpu.dma_semaphore, #tpu.memory_space<semaphore_mem>>) src(%dma_wait3A_456 : memref<128x128xf32, #tpu.memory_space<hbm>>) dst(%dma_wait3A_453 : memref<128x128xf32, #tpu.memory_space<vmem>>)
    %dma_start3A_457 = arith.constant 0 : i32
    %dma_start3A_458 = arith.constant 0 : i32
    %dma_start3A_459 = arith.constant 1 : i32
    %dma_start3A_460 = arith.constant 0 : i32
    %dma_start3A_461 = arith.constant 0 : i32
    %dma_start3A_462 = arith.constant 0 : i32
    %dma_start3A_463 = tpu.memref_slice %arg7[%dma_start3A_457, %dma_start3A_461, %dma_start3A_462] : memref<3x128x128xf32, #tpu.memory_space<vmem>> -> memref<1x128x128xf32, #tpu.memory_space<vmem>>
    %dma_start3A_464 = tpu.memref_squeeze %dma_start3A_463 : memref<1x128x128xf32, #tpu.memory_space<vmem>> -> memref<128x128xf32, #tpu.memory_space<vmem>>
    %dma_start3A_465 = arith.constant 0 : i32
    %dma_start3A_466 = arith.constant 0 : i32
    %dma_start3A_467 = tpu.memref_slice %arg6[%dma_start3A_458, %dma_start3A_465, %dma_start3A_466] : memref<3x2x128xi32, #tpu.memory_space<vmem>> -> memref<1x2x128xi32, #tpu.memory_space<vmem>>
    %dma_start3A_468 = tpu.memref_squeeze %dma_start3A_467 : memref<1x2x128xi32, #tpu.memory_space<vmem>> -> memref<2x128xi32, #tpu.memory_space<vmem>>
    %dma_start3A_469 = arith.constant 0 : i32
    %dma_start3A_470 = tpu.memref_slice %dma_start3A_468[%dma_start3A_459, %dma_start3A_469] : memref<2x128xi32, #tpu.memory_space<vmem>> -> memref<1x128xi32, #tpu.memory_space<vmem>>
    %dma_start3A_471 = tpu.memref_squeeze %dma_start3A_470 : memref<1x128xi32, #tpu.memory_space<vmem>> -> memref<128xi32, #tpu.memory_space<vmem>>
    %dma_start3A_472 = arith.constant 0 : i32
    %dma_start3A_473 = arith.constant 0 : i32
    %dma_start3A_474 = tpu.memref_slice %arg8[%dma_start3A_472, %dma_start3A_473] : memref<10112x128xf32, #tpu.memory_space<vmem_shared>> -> memref<10112x128xf32, #tpu.memory_space<vmem_shared>>
    %dma_start3A_475 = tpu.memref_slice %arg11[%dma_start3A_460] : memref<3x!tpu.dma_semaphore, #tpu.memory_space<semaphore_mem>> -> memref<1x!tpu.dma_semaphore, #tpu.memory_space<semaphore_mem>>
    %dma_start3A_476 = tpu.memref_squeeze %dma_start3A_475 : memref<1x!tpu.dma_semaphore, #tpu.memory_space<semaphore_mem>> -> memref<!tpu.dma_semaphore, #tpu.memory_space<semaphore_mem>>
    tpu.enqueue_indirect_dma source(%dma_start3A_464 : memref<128x128xf32, #tpu.memory_space<vmem>>) target(%dma_start3A_474 : memref<10112x128xf32, #tpu.memory_space<vmem_shared>>) offsets(%dma_start3A_471 : memref<128xi32, #tpu.memory_space<vmem>>) semaphore(%dma_start3A_476 : memref<!tpu.dma_semaphore, #tpu.memory_space<semaphore_mem>>) {add = true}
    %dma_wait3A_477 = arith.constant 0 : i32
    %dma_wait3A_478 = arith.constant 0 : i32
    %dma_wait3A_479 = arith.constant 0 : i32
    %dma_wait3A_480 = arith.constant 0 : i32
    %dma_wait3A_481 = tpu.memref_slice %arg7[%dma_wait3A_477, %dma_wait3A_479, %dma_wait3A_480] : memref<3x128x128xf32, #tpu.memory_space<vmem>> -> memref<1x128x128xf32, #tpu.memory_space<vmem>>
    %dma_wait3A_482 = tpu.memref_squeeze %dma_wait3A_481 : memref<1x128x128xf32, #tpu.memory_space<vmem>> -> memref<128x128xf32, #tpu.memory_space<vmem>>
    %dma_wait3A_483 = arith.constant 0 : i32
    %dma_wait3A_484 = arith.constant 0 : i32
    %dma_wait3A_485 = tpu.memref_slice %arg8[%dma_wait3A_483, %dma_wait3A_484] : memref<10112x128xf32, #tpu.memory_space<vmem_shared>> -> memref<128x128xf32, #tpu.memory_space<vmem_shared>>
    %dma_wait3A_486 = tpu.memref_slice %arg11[%dma_wait3A_478] : memref<3x!tpu.dma_semaphore, #tpu.memory_space<semaphore_mem>> -> memref<1x!tpu.dma_semaphore, #tpu.memory_space<semaphore_mem>>
    %dma_wait3A_487 = tpu.memref_squeeze %dma_wait3A_486 : memref<1x!tpu.dma_semaphore, #tpu.memory_space<semaphore_mem>> -> memref<!tpu.dma_semaphore, #tpu.memory_space<semaphore_mem>>
    %dma_wait3A_488 = arith.constant 0 : i32
    %dma_wait3A_489 = arith.constant 0 : i32
    %dma_wait3A_490 = tpu.memref_slice %arg8[%dma_wait3A_488, %dma_wait3A_489] : memref<10112x128xf32, #tpu.memory_space<vmem_shared>> -> memref<128x128xf32, #tpu.memory_space<vmem_shared>>
    %dma_wait3A_491 = arith.constant 0 : i32
    %dma_wait3A_492 = arith.constant 0 : i32
    %dma_wait3A_493 = tpu.memref_slice %arg7[%dma_wait3A_477, %dma_wait3A_491, %dma_wait3A_492] : memref<3x128x128xf32, #tpu.memory_space<vmem>> -> memref<1x128x128xf32, #tpu.memory_space<vmem>>
    %dma_wait3A_494 = tpu.memref_squeeze %dma_wait3A_493 : memref<1x128x128xf32, #tpu.memory_space<vmem>> -> memref<128x128xf32, #tpu.memory_space<vmem>>
    tpu.wait_dma2 semaphore(%dma_wait3A_487 : memref<!tpu.dma_semaphore, #tpu.memory_space<semaphore_mem>>) src(%dma_wait3A_494 : memref<128x128xf32, #tpu.memory_space<vmem>>) dst(%dma_wait3A_490 : memref<128x128xf32, #tpu.memory_space<vmem_shared>>)
    %barrier3A_495 = arith.constant 0 : index
    tpu.barrier barrier_id(%barrier3A_495)
    %mul3A_496 = arith.constant 632 : i32
    %mul3A_497 = arith.muli %arg1, %mul3A_496 : i32
    %mul3A_498 = arith.constant 632 : i32
    %mul3A_499 = arith.muli %arg1, %mul3A_498 : i32
    "tpu.region"() ({
      %run_scoped3A = tpu.sem_alloc : memref<!tpu.dma_semaphore, #tpu.memory_space<semaphore_mem>>
      %dma_start3A_500 = arith.constant 0 : i32
      %dma_start3A_501 = arith.constant 0 : i32
      %dma_start3A_502 = tpu.memref_slice %arg5[%arg0, %dma_start3A_500, %dma_start3A_501] : memref<2x10112x128xf32, #tpu.memory_space<hbm>> -> memref<1x10112x128xf32, #tpu.memory_space<hbm>>
      %dma_start3A_503 = tpu.memref_squeeze %dma_start3A_502 : memref<1x10112x128xf32, #tpu.memory_space<hbm>> -> memref<10112x128xf32, #tpu.memory_space<hbm>>
      %dma_start3A_504 = arith.constant 0 : i32
      %dma_start3A_505 = tpu.memref_slice %dma_start3A_503[%mul3A_499, %dma_start3A_504] : memref<10112x128xf32, #tpu.memory_space<hbm>> -> memref<632x128xf32, #tpu.memory_space<hbm>>
      %dma_start3A_506 = arith.constant 0 : i32
      %dma_start3A_507 = tpu.memref_slice %arg8[%mul3A_497, %dma_start3A_506] : memref<10112x128xf32, #tpu.memory_space<vmem_shared>> -> memref<632x128xf32, #tpu.memory_space<vmem_shared>>
      tpu.enqueue_dma source(%dma_start3A_507 : memref<632x128xf32, #tpu.memory_space<vmem_shared>>) target(%dma_start3A_505 : memref<632x128xf32, #tpu.memory_space<hbm>>) target_semaphore(%run_scoped3A : memref<!tpu.dma_semaphore, #tpu.memory_space<semaphore_mem>>)
      %dma_wait3A_508 = arith.constant 0 : i32
      %dma_wait3A_509 = arith.constant 0 : i32
      %dma_wait3A_510 = tpu.memref_slice %arg5[%arg0, %dma_wait3A_508, %dma_wait3A_509] : memref<2x10112x128xf32, #tpu.memory_space<hbm>> -> memref<1x10112x128xf32, #tpu.memory_space<hbm>>
      %dma_wait3A_511 = tpu.memref_squeeze %dma_wait3A_510 : memref<1x10112x128xf32, #tpu.memory_space<hbm>> -> memref<10112x128xf32, #tpu.memory_space<hbm>>
      %dma_wait3A_512 = arith.constant 0 : i32
      %dma_wait3A_513 = tpu.memref_slice %dma_wait3A_511[%mul3A_499, %dma_wait3A_512] : memref<10112x128xf32, #tpu.memory_space<hbm>> -> memref<632x128xf32, #tpu.memory_space<hbm>>
      %dma_wait3A_514 = arith.constant 0 : i32
      %dma_wait3A_515 = tpu.memref_slice %arg8[%mul3A_497, %dma_wait3A_514] : memref<10112x128xf32, #tpu.memory_space<vmem_shared>> -> memref<632x128xf32, #tpu.memory_space<vmem_shared>>
      tpu.wait_dma2 semaphore(%run_scoped3A : memref<!tpu.dma_semaphore, #tpu.memory_space<semaphore_mem>>) src(%dma_wait3A_515 : memref<632x128xf32, #tpu.memory_space<vmem_shared>>) dst(%dma_wait3A_513 : memref<632x128xf32, #tpu.memory_space<hbm>>)
      tpu.yield
    }) : () -> ()
    return
  }
}

#map = affine_map<(d0, d1) -> (0, 0)>
#map1 = affine_map<(d0, d1) -> (0, 0, 0, 0, 0)>
#map2 = affine_map<(d0, d1) -> (0, 0, 0)>
module attributes {stable_mosaic.version = 14 : i64} {
  func.func @_seg_sum(%arg0: i32, %arg1: i32, %arg2: memref<20000x128xf32, #tpu.memory_space<hbm>>, %arg3: memref<2x16x79x2x128xi32, #tpu.memory_space<hbm>>, %arg4: memref<632x128xf32, #tpu.memory_space<hbm>>, %arg5: memref<2x10112x128xf32, #tpu.memory_space<hbm>>, %arg6: memref<3x2x128xi32, #tpu.memory_space<vmem>>, %arg7: memref<3x128x128xf32, #tpu.memory_space<vmem>>, %arg8: memref<10112x128xf32, #tpu.memory_space<vmem_shared>>, %arg9: memref<3x!tpu.dma_semaphore, #tpu.memory_space<semaphore_mem>>, %arg10: memref<3x!tpu.dma_semaphore, #tpu.memory_space<semaphore_mem>>, %arg11: memref<3x!tpu.dma_semaphore, #tpu.memory_space<semaphore_mem>>, %arg12: memref<!tpu.dma_semaphore, #tpu.memory_space<semaphore_mem>>) attributes {dimension_semantics = [#tpu.dimension_semantics<core_parallel>, #tpu.dimension_semantics<subcore_parallel>], iteration_bounds = array<i64: 2, 16>, scalar_prefetch = 0 : i64, scratch_operands = 7 : i64, tpu.core_type = #tpu.core_type<sc_vector_subcore>, window_params = [{transform_indices = #map}, {transform_indices = #map1}, {transform_indices = #map}, {transform_indices = #map2}]} {
    %mul3A = arith.constant 632 : i32
    %mul3A_0 = arith.muli %arg1, %mul3A : i32
    %dma_start3A = arith.constant 0 : i32
    %dma_start3A_1 = tpu.memref_slice %arg8[%mul3A_0, %dma_start3A] : memref<10112x128xf32, #tpu.memory_space<vmem_shared>> -> memref<632x128xf32, #tpu.memory_space<vmem_shared>>
    tpu.enqueue_dma source(%arg4 : memref<632x128xf32, #tpu.memory_space<hbm>>) target(%dma_start3A_1 : memref<632x128xf32, #tpu.memory_space<vmem_shared>>) target_semaphore(%arg12 : memref<!tpu.dma_semaphore, #tpu.memory_space<semaphore_mem>>)
    %dma_start3A_2 = arith.constant 0 : i32
    %dma_start3A_3 = arith.constant 0 : i32
    %dma_start3A_4 = arith.constant 0 : i32
    %dma_start3A_5 = arith.constant 0 : i32
    %dma_start3A_6 = arith.constant 0 : i32
    %dma_start3A_7 = tpu.memref_slice %arg6[%dma_start3A_3, %dma_start3A_5, %dma_start3A_6] : memref<3x2x128xi32, #tpu.memory_space<vmem>> -> memref<1x2x128xi32, #tpu.memory_space<vmem>>
    %dma_start3A_8 = tpu.memref_squeeze %dma_start3A_7 : memref<1x2x128xi32, #tpu.memory_space<vmem>> -> memref<2x128xi32, #tpu.memory_space<vmem>>
    %dma_start3A_9 = arith.constant 0 : i32
    %dma_start3A_10 = arith.constant 0 : i32
    %dma_start3A_11 = arith.constant 0 : i32
    %dma_start3A_12 = arith.constant 0 : i32
    %dma_start3A_13 = tpu.memref_slice %arg3[%arg0, %dma_start3A_9, %dma_start3A_10, %dma_start3A_11, %dma_start3A_12] : memref<2x16x79x2x128xi32, #tpu.memory_space<hbm>> -> memref<1x16x79x2x128xi32, #tpu.memory_space<hbm>>
    %dma_start3A_14 = tpu.memref_squeeze %dma_start3A_13 : memref<1x16x79x2x128xi32, #tpu.memory_space<hbm>> -> memref<16x79x2x128xi32, #tpu.memory_space<hbm>>
    %dma_start3A_15 = arith.constant 0 : i32
    %dma_start3A_16 = arith.constant 0 : i32
    %dma_start3A_17 = arith.constant 0 : i32
    %dma_start3A_18 = tpu.memref_slice %dma_start3A_14[%arg1, %dma_start3A_15, %dma_start3A_16, %dma_start3A_17] : memref<16x79x2x128xi32, #tpu.memory_space<hbm>> -> memref<1x79x2x128xi32, #tpu.memory_space<hbm>>
    %dma_start3A_19 = tpu.memref_squeeze %dma_start3A_18 : memref<1x79x2x128xi32, #tpu.memory_space<hbm>> -> memref<79x2x128xi32, #tpu.memory_space<hbm>>
    %dma_start3A_20 = arith.constant 0 : i32
    %dma_start3A_21 = arith.constant 0 : i32
    %dma_start3A_22 = tpu.memref_slice %dma_start3A_19[%dma_start3A_2, %dma_start3A_20, %dma_start3A_21] : memref<79x2x128xi32, #tpu.memory_space<hbm>> -> memref<1x2x128xi32, #tpu.memory_space<hbm>>
    %dma_start3A_23 = tpu.memref_squeeze %dma_start3A_22 : memref<1x2x128xi32, #tpu.memory_space<hbm>> -> memref<2x128xi32, #tpu.memory_space<hbm>>
    %dma_start3A_24 = tpu.memref_slice %arg9[%dma_start3A_4] : memref<3x!tpu.dma_semaphore, #tpu.memory_space<semaphore_mem>> -> memref<1x!tpu.dma_semaphore, #tpu.memory_space<semaphore_mem>>
    %dma_start3A_25 = tpu.memref_squeeze %dma_start3A_24 : memref<1x!tpu.dma_semaphore, #tpu.memory_space<semaphore_mem>> -> memref<!tpu.dma_semaphore, #tpu.memory_space<semaphore_mem>>
    %dma_start3A_26 = arith.constant 0 : i32
    %dma_start3A_27 = arith.constant 0 : i32
    %dma_start3A_28 = tpu.memref_slice %arg6[%dma_start3A_3, %dma_start3A_26, %dma_start3A_27] : memref<3x2x128xi32, #tpu.memory_space<vmem>> -> memref<1x2x128xi32, #tpu.memory_space<vmem>>
    %dma_start3A_29 = tpu.memref_squeeze %dma_start3A_28 : memref<1x2x128xi32, #tpu.memory_space<vmem>> -> memref<2x128xi32, #tpu.memory_space<vmem>>
    %dma_start3A_30 = arith.constant 0 : i32
    %dma_start3A_31 = arith.constant 0 : i32
    %dma_start3A_32 = arith.constant 0 : i32
    %dma_start3A_33 = arith.constant 0 : i32
    %dma_start3A_34 = tpu.memref_slice %arg3[%arg0, %dma_start3A_30, %dma_start3A_31, %dma_start3A_32, %dma_start3A_33] : memref<2x16x79x2x128xi32, #tpu.memory_space<hbm>> -> memref<1x16x79x2x128xi32, #tpu.memory_space<hbm>>
    %dma_start3A_35 = tpu.memref_squeeze %dma_start3A_34 : memref<1x16x79x2x128xi32, #tpu.memory_space<hbm>> -> memref<16x79x2x128xi32, #tpu.memory_space<hbm>>
    %dma_start3A_36 = arith.constant 0 : i32
    %dma_start3A_37 = arith.constant 0 : i32
    %dma_start3A_38 = arith.constant 0 : i32
    %dma_start3A_39 = tpu.memref_slice %dma_start3A_35[%arg1, %dma_start3A_36, %dma_start3A_37, %dma_start3A_38] : memref<16x79x2x128xi32, #tpu.memory_space<hbm>> -> memref<1x79x2x128xi32, #tpu.memory_space<hbm>>
    %dma_start3A_40 = tpu.memref_squeeze %dma_start3A_39 : memref<1x79x2x128xi32, #tpu.memory_space<hbm>> -> memref<79x2x128xi32, #tpu.memory_space<hbm>>
    %dma_start3A_41 = arith.constant 0 : i32
    %dma_start3A_42 = arith.constant 0 : i32
    %dma_start3A_43 = tpu.memref_slice %dma_start3A_40[%dma_start3A_2, %dma_start3A_41, %dma_start3A_42] : memref<79x2x128xi32, #tpu.memory_space<hbm>> -> memref<1x2x128xi32, #tpu.memory_space<hbm>>
    %dma_start3A_44 = tpu.memref_squeeze %dma_start3A_43 : memref<1x2x128xi32, #tpu.memory_space<hbm>> -> memref<2x128xi32, #tpu.memory_space<hbm>>
    tpu.enqueue_dma source(%dma_start3A_44 : memref<2x128xi32, #tpu.memory_space<hbm>>) target(%dma_start3A_29 : memref<2x128xi32, #tpu.memory_space<vmem>>) target_semaphore(%dma_start3A_25 : memref<!tpu.dma_semaphore, #tpu.memory_space<semaphore_mem>>)
    %dma_start3A_45 = arith.constant 1 : i32
    %dma_start3A_46 = arith.constant 1 : i32
    %dma_start3A_47 = arith.constant 1 : i32
    %dma_start3A_48 = arith.constant 0 : i32
    %dma_start3A_49 = arith.constant 0 : i32
    %dma_start3A_50 = tpu.memref_slice %arg6[%dma_start3A_46, %dma_start3A_48, %dma_start3A_49] : memref<3x2x128xi32, #tpu.memory_space<vmem>> -> memref<1x2x128xi32, #tpu.memory_space<vmem>>
    %dma_start3A_51 = tpu.memref_squeeze %dma_start3A_50 : memref<1x2x128xi32, #tpu.memory_space<vmem>> -> memref<2x128xi32, #tpu.memory_space<vmem>>
    %dma_start3A_52 = arith.constant 0 : i32
    %dma_start3A_53 = arith.constant 0 : i32
    %dma_start3A_54 = arith.constant 0 : i32
    %dma_start3A_55 = arith.constant 0 : i32
    %dma_start3A_56 = tpu.memref_slice %arg3[%arg0, %dma_start3A_52, %dma_start3A_53, %dma_start3A_54, %dma_start3A_55] : memref<2x16x79x2x128xi32, #tpu.memory_space<hbm>> -> memref<1x16x79x2x128xi32, #tpu.memory_space<hbm>>
    %dma_start3A_57 = tpu.memref_squeeze %dma_start3A_56 : memref<1x16x79x2x128xi32, #tpu.memory_space<hbm>> -> memref<16x79x2x128xi32, #tpu.memory_space<hbm>>
    %dma_start3A_58 = arith.constant 0 : i32
    %dma_start3A_59 = arith.constant 0 : i32
    %dma_start3A_60 = arith.constant 0 : i32
    %dma_start3A_61 = tpu.memref_slice %dma_start3A_57[%arg1, %dma_start3A_58, %dma_start3A_59, %dma_start3A_60] : memref<16x79x2x128xi32, #tpu.memory_space<hbm>> -> memref<1x79x2x128xi32, #tpu.memory_space<hbm>>
    %dma_start3A_62 = tpu.memref_squeeze %dma_start3A_61 : memref<1x79x2x128xi32, #tpu.memory_space<hbm>> -> memref<79x2x128xi32, #tpu.memory_space<hbm>>
    %dma_start3A_63 = arith.constant 0 : i32
    %dma_start3A_64 = arith.constant 0 : i32
    %dma_start3A_65 = tpu.memref_slice %dma_start3A_62[%dma_start3A_45, %dma_start3A_63, %dma_start3A_64] : memref<79x2x128xi32, #tpu.memory_space<hbm>> -> memref<1x2x128xi32, #tpu.memory_space<hbm>>
    %dma_start3A_66 = tpu.memref_squeeze %dma_start3A_65 : memref<1x2x128xi32, #tpu.memory_space<hbm>> -> memref<2x128xi32, #tpu.memory_space<hbm>>
    %dma_start3A_67 = tpu.memref_slice %arg9[%dma_start3A_47] : memref<3x!tpu.dma_semaphore, #tpu.memory_space<semaphore_mem>> -> memref<1x!tpu.dma_semaphore, #tpu.memory_space<semaphore_mem>>
    %dma_start3A_68 = tpu.memref_squeeze %dma_start3A_67 : memref<1x!tpu.dma_semaphore, #tpu.memory_space<semaphore_mem>> -> memref<!tpu.dma_semaphore, #tpu.memory_space<semaphore_mem>>
    %dma_start3A_69 = arith.constant 0 : i32
    %dma_start3A_70 = arith.constant 0 : i32
    %dma_start3A_71 = tpu.memref_slice %arg6[%dma_start3A_46, %dma_start3A_69, %dma_start3A_70] : memref<3x2x128xi32, #tpu.memory_space<vmem>> -> memref<1x2x128xi32, #tpu.memory_space<vmem>>
    %dma_start3A_72 = tpu.memref_squeeze %dma_start3A_71 : memref<1x2x128xi32, #tpu.memory_space<vmem>> -> memref<2x128xi32, #tpu.memory_space<vmem>>
    %dma_start3A_73 = arith.constant 0 : i32
    %dma_start3A_74 = arith.constant 0 : i32
    %dma_start3A_75 = arith.constant 0 : i32
    %dma_start3A_76 = arith.constant 0 : i32
    %dma_start3A_77 = tpu.memref_slice %arg3[%arg0, %dma_start3A_73, %dma_start3A_74, %dma_start3A_75, %dma_start3A_76] : memref<2x16x79x2x128xi32, #tpu.memory_space<hbm>> -> memref<1x16x79x2x128xi32, #tpu.memory_space<hbm>>
    %dma_start3A_78 = tpu.memref_squeeze %dma_start3A_77 : memref<1x16x79x2x128xi32, #tpu.memory_space<hbm>> -> memref<16x79x2x128xi32, #tpu.memory_space<hbm>>
    %dma_start3A_79 = arith.constant 0 : i32
    %dma_start3A_80 = arith.constant 0 : i32
    %dma_start3A_81 = arith.constant 0 : i32
    %dma_start3A_82 = tpu.memref_slice %dma_start3A_78[%arg1, %dma_start3A_79, %dma_start3A_80, %dma_start3A_81] : memref<16x79x2x128xi32, #tpu.memory_space<hbm>> -> memref<1x79x2x128xi32, #tpu.memory_space<hbm>>
    %dma_start3A_83 = tpu.memref_squeeze %dma_start3A_82 : memref<1x79x2x128xi32, #tpu.memory_space<hbm>> -> memref<79x2x128xi32, #tpu.memory_space<hbm>>
    %dma_start3A_84 = arith.constant 0 : i32
    %dma_start3A_85 = arith.constant 0 : i32
    %dma_start3A_86 = tpu.memref_slice %dma_start3A_83[%dma_start3A_45, %dma_start3A_84, %dma_start3A_85] : memref<79x2x128xi32, #tpu.memory_space<hbm>> -> memref<1x2x128xi32, #tpu.memory_space<hbm>>
    %dma_start3A_87 = tpu.memref_squeeze %dma_start3A_86 : memref<1x2x128xi32, #tpu.memory_space<hbm>> -> memref<2x128xi32, #tpu.memory_space<hbm>>
    tpu.enqueue_dma source(%dma_start3A_87 : memref<2x128xi32, #tpu.memory_space<hbm>>) target(%dma_start3A_72 : memref<2x128xi32, #tpu.memory_space<vmem>>) target_semaphore(%dma_start3A_68 : memref<!tpu.dma_semaphore, #tpu.memory_space<semaphore_mem>>)
    %dma_wait3A = arith.constant 0 : i32
    %dma_wait3A_88 = arith.constant 0 : i32
    %dma_wait3A_89 = arith.constant 0 : i32
    %dma_wait3A_90 = arith.constant 0 : i32
    %dma_wait3A_91 = arith.constant 0 : i32
    %dma_wait3A_92 = tpu.memref_slice %arg6[%dma_wait3A_88, %dma_wait3A_90, %dma_wait3A_91] : memref<3x2x128xi32, #tpu.memory_space<vmem>> -> memref<1x2x128xi32, #tpu.memory_space<vmem>>
    %dma_wait3A_93 = tpu.memref_squeeze %dma_wait3A_92 : memref<1x2x128xi32, #tpu.memory_space<vmem>> -> memref<2x128xi32, #tpu.memory_space<vmem>>
    %dma_wait3A_94 = arith.constant 0 : i32
    %dma_wait3A_95 = arith.constant 0 : i32
    %dma_wait3A_96 = arith.constant 0 : i32
    %dma_wait3A_97 = arith.constant 0 : i32
    %dma_wait3A_98 = tpu.memref_slice %arg3[%arg0, %dma_wait3A_94, %dma_wait3A_95, %dma_wait3A_96, %dma_wait3A_97] : memref<2x16x79x2x128xi32, #tpu.memory_space<hbm>> -> memref<1x16x79x2x128xi32, #tpu.memory_space<hbm>>
    %dma_wait3A_99 = tpu.memref_squeeze %dma_wait3A_98 : memref<1x16x79x2x128xi32, #tpu.memory_space<hbm>> -> memref<16x79x2x128xi32, #tpu.memory_space<hbm>>
    %dma_wait3A_100 = arith.constant 0 : i32
    %dma_wait3A_101 = arith.constant 0 : i32
    %dma_wait3A_102 = arith.constant 0 : i32
    %dma_wait3A_103 = tpu.memref_slice %dma_wait3A_99[%arg1, %dma_wait3A_100, %dma_wait3A_101, %dma_wait3A_102] : memref<16x79x2x128xi32, #tpu.memory_space<hbm>> -> memref<1x79x2x128xi32, #tpu.memory_space<hbm>>
    %dma_wait3A_104 = tpu.memref_squeeze %dma_wait3A_103 : memref<1x79x2x128xi32, #tpu.memory_space<hbm>> -> memref<79x2x128xi32, #tpu.memory_space<hbm>>
    %dma_wait3A_105 = arith.constant 0 : i32
    %dma_wait3A_106 = arith.constant 0 : i32
    %dma_wait3A_107 = tpu.memref_slice %dma_wait3A_104[%dma_wait3A, %dma_wait3A_105, %dma_wait3A_106] : memref<79x2x128xi32, #tpu.memory_space<hbm>> -> memref<1x2x128xi32, #tpu.memory_space<hbm>>
    %dma_wait3A_108 = tpu.memref_squeeze %dma_wait3A_107 : memref<1x2x128xi32, #tpu.memory_space<hbm>> -> memref<2x128xi32, #tpu.memory_space<hbm>>
    %dma_wait3A_109 = tpu.memref_slice %arg9[%dma_wait3A_89] : memref<3x!tpu.dma_semaphore, #tpu.memory_space<semaphore_mem>> -> memref<1x!tpu.dma_semaphore, #tpu.memory_space<semaphore_mem>>
    %dma_wait3A_110 = tpu.memref_squeeze %dma_wait3A_109 : memref<1x!tpu.dma_semaphore, #tpu.memory_space<semaphore_mem>> -> memref<!tpu.dma_semaphore, #tpu.memory_space<semaphore_mem>>
    %dma_wait3A_111 = arith.constant 0 : i32
    %dma_wait3A_112 = arith.constant 0 : i32
    %dma_wait3A_113 = tpu.memref_slice %arg6[%dma_wait3A_88, %dma_wait3A_111, %dma_wait3A_112] : memref<3x2x128xi32, #tpu.memory_space<vmem>> -> memref<1x2x128xi32, #tpu.memory_space<vmem>>
    %dma_wait3A_114 = tpu.memref_squeeze %dma_wait3A_113 : memref<1x2x128xi32, #tpu.memory_space<vmem>> -> memref<2x128xi32, #tpu.memory_space<vmem>>
    %dma_wait3A_115 = arith.constant 0 : i32
    %dma_wait3A_116 = arith.constant 0 : i32
    %dma_wait3A_117 = arith.constant 0 : i32
    %dma_wait3A_118 = arith.constant 0 : i32
    %dma_wait3A_119 = tpu.memref_slice %arg3[%arg0, %dma_wait3A_115, %dma_wait3A_116, %dma_wait3A_117, %dma_wait3A_118] : memref<2x16x79x2x128xi32, #tpu.memory_space<hbm>> -> memref<1x16x79x2x128xi32, #tpu.memory_space<hbm>>
    %dma_wait3A_120 = tpu.memref_squeeze %dma_wait3A_119 : memref<1x16x79x2x128xi32, #tpu.memory_space<hbm>> -> memref<16x79x2x128xi32, #tpu.memory_space<hbm>>
    %dma_wait3A_121 = arith.constant 0 : i32
    %dma_wait3A_122 = arith.constant 0 : i32
    %dma_wait3A_123 = arith.constant 0 : i32
    %dma_wait3A_124 = tpu.memref_slice %dma_wait3A_120[%arg1, %dma_wait3A_121, %dma_wait3A_122, %dma_wait3A_123] : memref<16x79x2x128xi32, #tpu.memory_space<hbm>> -> memref<1x79x2x128xi32, #tpu.memory_space<hbm>>
    %dma_wait3A_125 = tpu.memref_squeeze %dma_wait3A_124 : memref<1x79x2x128xi32, #tpu.memory_space<hbm>> -> memref<79x2x128xi32, #tpu.memory_space<hbm>>
    %dma_wait3A_126 = arith.constant 0 : i32
    %dma_wait3A_127 = arith.constant 0 : i32
    %dma_wait3A_128 = tpu.memref_slice %dma_wait3A_125[%dma_wait3A, %dma_wait3A_126, %dma_wait3A_127] : memref<79x2x128xi32, #tpu.memory_space<hbm>> -> memref<1x2x128xi32, #tpu.memory_space<hbm>>
    %dma_wait3A_129 = tpu.memref_squeeze %dma_wait3A_128 : memref<1x2x128xi32, #tpu.memory_space<hbm>> -> memref<2x128xi32, #tpu.memory_space<hbm>>
    tpu.wait_dma2 semaphore(%dma_wait3A_110 : memref<!tpu.dma_semaphore, #tpu.memory_space<semaphore_mem>>) src(%dma_wait3A_129 : memref<2x128xi32, #tpu.memory_space<hbm>>) dst(%dma_wait3A_114 : memref<2x128xi32, #tpu.memory_space<vmem>>)
    %dma_start3A_130 = arith.constant 0 : i32
    %dma_start3A_131 = arith.constant 0 : i32
    %dma_start3A_132 = arith.constant 0 : i32
    %dma_start3A_133 = arith.constant 0 : i32
    %dma_start3A_134 = arith.constant 0 : i32
    %dma_start3A_135 = arith.constant 0 : i32
    %dma_start3A_136 = tpu.memref_slice %arg7[%dma_start3A_132, %dma_start3A_134, %dma_start3A_135] : memref<3x128x128xf32, #tpu.memory_space<vmem>> -> memref<1x128x128xf32, #tpu.memory_space<vmem>>
    %dma_start3A_137 = tpu.memref_squeeze %dma_start3A_136 : memref<1x128x128xf32, #tpu.memory_space<vmem>> -> memref<128x128xf32, #tpu.memory_space<vmem>>
    %dma_start3A_138 = arith.constant 0 : i32
    %dma_start3A_139 = arith.constant 0 : i32
    %dma_start3A_140 = tpu.memref_slice %arg6[%dma_start3A_130, %dma_start3A_138, %dma_start3A_139] : memref<3x2x128xi32, #tpu.memory_space<vmem>> -> memref<1x2x128xi32, #tpu.memory_space<vmem>>
    %dma_start3A_141 = tpu.memref_squeeze %dma_start3A_140 : memref<1x2x128xi32, #tpu.memory_space<vmem>> -> memref<2x128xi32, #tpu.memory_space<vmem>>
    %dma_start3A_142 = arith.constant 0 : i32
    %dma_start3A_143 = tpu.memref_slice %dma_start3A_141[%dma_start3A_131, %dma_start3A_142] : memref<2x128xi32, #tpu.memory_space<vmem>> -> memref<1x128xi32, #tpu.memory_space<vmem>>
    %dma_start3A_144 = tpu.memref_squeeze %dma_start3A_143 : memref<1x128xi32, #tpu.memory_space<vmem>> -> memref<128xi32, #tpu.memory_space<vmem>>
    %dma_start3A_145 = arith.constant 0 : i32
    %dma_start3A_146 = arith.constant 0 : i32
    %dma_start3A_147 = tpu.memref_slice %arg2[%dma_start3A_145, %dma_start3A_146] : memref<20000x128xf32, #tpu.memory_space<hbm>> -> memref<20000x128xf32, #tpu.memory_space<hbm>>
    %dma_start3A_148 = tpu.memref_slice %arg10[%dma_start3A_133] : memref<3x!tpu.dma_semaphore, #tpu.memory_space<semaphore_mem>> -> memref<1x!tpu.dma_semaphore, #tpu.memory_space<semaphore_mem>>
    %dma_start3A_149 = tpu.memref_squeeze %dma_start3A_148 : memref<1x!tpu.dma_semaphore, #tpu.memory_space<semaphore_mem>> -> memref<!tpu.dma_semaphore, #tpu.memory_space<semaphore_mem>>
    tpu.enqueue_indirect_dma source(%dma_start3A_147 : memref<20000x128xf32, #tpu.memory_space<hbm>>) target(%dma_start3A_137 : memref<128x128xf32, #tpu.memory_space<vmem>>) offsets(%dma_start3A_144 : memref<128xi32, #tpu.memory_space<vmem>>) semaphore(%dma_start3A_149 : memref<!tpu.dma_semaphore, #tpu.memory_space<semaphore_mem>>)
    %dma_wait3A_150 = arith.constant 0 : i32
    %dma_wait3A_151 = arith.constant 0 : i32
    %dma_wait3A_152 = tpu.memref_slice %arg8[%dma_wait3A_150, %dma_wait3A_151] : memref<10112x128xf32, #tpu.memory_space<vmem_shared>> -> memref<632x128xf32, #tpu.memory_space<vmem_shared>>
    tpu.wait_dma2 semaphore(%arg12 : memref<!tpu.dma_semaphore, #tpu.memory_space<semaphore_mem>>) src(%arg4 : memref<632x128xf32, #tpu.memory_space<hbm>>) dst(%dma_wait3A_152 : memref<632x128xf32, #tpu.memory_space<vmem_shared>>)
    %barrier3A = arith.constant 0 : index
    tpu.barrier barrier_id(%barrier3A)
    %dma_start3A_153 = arith.constant 2 : i32
    %dma_start3A_154 = arith.constant 2 : i32
    %dma_start3A_155 = arith.constant 2 : i32
    %dma_start3A_156 = arith.constant 0 : i32
    %dma_start3A_157 = arith.constant 0 : i32
    %dma_start3A_158 = tpu.memref_slice %arg6[%dma_start3A_154, %dma_start3A_156, %dma_start3A_157] : memref<3x2x128xi32, #tpu.memory_space<vmem>> -> memref<1x2x128xi32, #tpu.memory_space<vmem>>
    %dma_start3A_159 = tpu.memref_squeeze %dma_start3A_158 : memref<1x2x128xi32, #tpu.memory_space<vmem>> -> memref<2x128xi32, #tpu.memory_space<vmem>>
    %dma_start3A_160 = arith.constant 0 : i32
    %dma_start3A_161 = arith.constant 0 : i32
    %dma_start3A_162 = arith.constant 0 : i32
    %dma_start3A_163 = arith.constant 0 : i32
    %dma_start3A_164 = tpu.memref_slice %arg3[%arg0, %dma_start3A_160, %dma_start3A_161, %dma_start3A_162, %dma_start3A_163] : memref<2x16x79x2x128xi32, #tpu.memory_space<hbm>> -> memref<1x16x79x2x128xi32, #tpu.memory_space<hbm>>
    %dma_start3A_165 = tpu.memref_squeeze %dma_start3A_164 : memref<1x16x79x2x128xi32, #tpu.memory_space<hbm>> -> memref<16x79x2x128xi32, #tpu.memory_space<hbm>>
    %dma_start3A_166 = arith.constant 0 : i32
    %dma_start3A_167 = arith.constant 0 : i32
    %dma_start3A_168 = arith.constant 0 : i32
    %dma_start3A_169 = tpu.memref_slice %dma_start3A_165[%arg1, %dma_start3A_166, %dma_start3A_167, %dma_start3A_168] : memref<16x79x2x128xi32, #tpu.memory_space<hbm>> -> memref<1x79x2x128xi32, #tpu.memory_space<hbm>>
    %dma_start3A_170 = tpu.memref_squeeze %dma_start3A_169 : memref<1x79x2x128xi32, #tpu.memory_space<hbm>> -> memref<79x2x128xi32, #tpu.memory_space<hbm>>
    %dma_start3A_171 = arith.constant 0 : i32
    %dma_start3A_172 = arith.constant 0 : i32
    %dma_start3A_173 = tpu.memref_slice %dma_start3A_170[%dma_start3A_153, %dma_start3A_171, %dma_start3A_172] : memref<79x2x128xi32, #tpu.memory_space<hbm>> -> memref<1x2x128xi32, #tpu.memory_space<hbm>>
    %dma_start3A_174 = tpu.memref_squeeze %dma_start3A_173 : memref<1x2x128xi32, #tpu.memory_space<hbm>> -> memref<2x128xi32, #tpu.memory_space<hbm>>
    %dma_start3A_175 = tpu.memref_slice %arg9[%dma_start3A_155] : memref<3x!tpu.dma_semaphore, #tpu.memory_space<semaphore_mem>> -> memref<1x!tpu.dma_semaphore, #tpu.memory_space<semaphore_mem>>
    %dma_start3A_176 = tpu.memref_squeeze %dma_start3A_175 : memref<1x!tpu.dma_semaphore, #tpu.memory_space<semaphore_mem>> -> memref<!tpu.dma_semaphore, #tpu.memory_space<semaphore_mem>>
    %dma_start3A_177 = arith.constant 0 : i32
    %dma_start3A_178 = arith.constant 0 : i32
    %dma_start3A_179 = tpu.memref_slice %arg6[%dma_start3A_154, %dma_start3A_177, %dma_start3A_178] : memref<3x2x128xi32, #tpu.memory_space<vmem>> -> memref<1x2x128xi32, #tpu.memory_space<vmem>>
    %dma_start3A_180 = tpu.memref_squeeze %dma_start3A_179 : memref<1x2x128xi32, #tpu.memory_space<vmem>> -> memref<2x128xi32, #tpu.memory_space<vmem>>
    %dma_start3A_181 = arith.constant 0 : i32
    %dma_start3A_182 = arith.constant 0 : i32
    %dma_start3A_183 = arith.constant 0 : i32
    %dma_start3A_184 = arith.constant 0 : i32
    %dma_start3A_185 = tpu.memref_slice %arg3[%arg0, %dma_start3A_181, %dma_start3A_182, %dma_start3A_183, %dma_start3A_184] : memref<2x16x79x2x128xi32, #tpu.memory_space<hbm>> -> memref<1x16x79x2x128xi32, #tpu.memory_space<hbm>>
    %dma_start3A_186 = tpu.memref_squeeze %dma_start3A_185 : memref<1x16x79x2x128xi32, #tpu.memory_space<hbm>> -> memref<16x79x2x128xi32, #tpu.memory_space<hbm>>
    %dma_start3A_187 = arith.constant 0 : i32
    %dma_start3A_188 = arith.constant 0 : i32
    %dma_start3A_189 = arith.constant 0 : i32
    %dma_start3A_190 = tpu.memref_slice %dma_start3A_186[%arg1, %dma_start3A_187, %dma_start3A_188, %dma_start3A_189] : memref<16x79x2x128xi32, #tpu.memory_space<hbm>> -> memref<1x79x2x128xi32, #tpu.memory_space<hbm>>
    %dma_start3A_191 = tpu.memref_squeeze %dma_start3A_190 : memref<1x79x2x128xi32, #tpu.memory_space<hbm>> -> memref<79x2x128xi32, #tpu.memory_space<hbm>>
    %dma_start3A_192 = arith.constant 0 : i32
    %dma_start3A_193 = arith.constant 0 : i32
    %dma_start3A_194 = tpu.memref_slice %dma_start3A_191[%dma_start3A_153, %dma_start3A_192, %dma_start3A_193] : memref<79x2x128xi32, #tpu.memory_space<hbm>> -> memref<1x2x128xi32, #tpu.memory_space<hbm>>
    %dma_start3A_195 = tpu.memref_squeeze %dma_start3A_194 : memref<1x2x128xi32, #tpu.memory_space<hbm>> -> memref<2x128xi32, #tpu.memory_space<hbm>>
    tpu.enqueue_dma source(%dma_start3A_195 : memref<2x128xi32, #tpu.memory_space<hbm>>) target(%dma_start3A_180 : memref<2x128xi32, #tpu.memory_space<vmem>>) target_semaphore(%dma_start3A_176 : memref<!tpu.dma_semaphore, #tpu.memory_space<semaphore_mem>>)
    %dma_wait3A_196 = arith.constant 0 : i32
    %dma_wait3A_197 = arith.constant 1 : i32
    %dma_wait3A_198 = arith.constant 1 : i32
    %dma_wait3A_199 = arith.constant 0 : i32
    %dma_wait3A_200 = arith.constant 0 : i32
    %dma_wait3A_201 = tpu.memref_slice %arg6[%dma_wait3A_197, %dma_wait3A_199, %dma_wait3A_200] : memref<3x2x128xi32, #tpu.memory_space<vmem>> -> memref<1x2x128xi32, #tpu.memory_space<vmem>>
    %dma_wait3A_202 = tpu.memref_squeeze %dma_wait3A_201 : memref<1x2x128xi32, #tpu.memory_space<vmem>> -> memref<2x128xi32, #tpu.memory_space<vmem>>
    %dma_wait3A_203 = arith.constant 0 : i32
    %dma_wait3A_204 = arith.constant 0 : i32
    %dma_wait3A_205 = arith.constant 0 : i32
    %dma_wait3A_206 = arith.constant 0 : i32
    %dma_wait3A_207 = tpu.memref_slice %arg3[%arg0, %dma_wait3A_203, %dma_wait3A_204, %dma_wait3A_205, %dma_wait3A_206] : memref<2x16x79x2x128xi32, #tpu.memory_space<hbm>> -> memref<1x16x79x2x128xi32, #tpu.memory_space<hbm>>
    %dma_wait3A_208 = tpu.memref_squeeze %dma_wait3A_207 : memref<1x16x79x2x128xi32, #tpu.memory_space<hbm>> -> memref<16x79x2x128xi32, #tpu.memory_space<hbm>>
    %dma_wait3A_209 = arith.constant 0 : i32
    %dma_wait3A_210 = arith.constant 0 : i32
    %dma_wait3A_211 = arith.constant 0 : i32
    %dma_wait3A_212 = tpu.memref_slice %dma_wait3A_208[%arg1, %dma_wait3A_209, %dma_wait3A_210, %dma_wait3A_211] : memref<16x79x2x128xi32, #tpu.memory_space<hbm>> -> memref<1x79x2x128xi32, #tpu.memory_space<hbm>>
    %dma_wait3A_213 = tpu.memref_squeeze %dma_wait3A_212 : memref<1x79x2x128xi32, #tpu.memory_space<hbm>> -> memref<79x2x128xi32, #tpu.memory_space<hbm>>
    %dma_wait3A_214 = arith.constant 0 : i32
    %dma_wait3A_215 = arith.constant 0 : i32
    %dma_wait3A_216 = tpu.memref_slice %dma_wait3A_213[%dma_wait3A_196, %dma_wait3A_214, %dma_wait3A_215] : memref<79x2x128xi32, #tpu.memory_space<hbm>> -> memref<1x2x128xi32, #tpu.memory_space<hbm>>
    %dma_wait3A_217 = tpu.memref_squeeze %dma_wait3A_216 : memref<1x2x128xi32, #tpu.memory_space<hbm>> -> memref<2x128xi32, #tpu.memory_space<hbm>>
    %dma_wait3A_218 = tpu.memref_slice %arg9[%dma_wait3A_198] : memref<3x!tpu.dma_semaphore, #tpu.memory_space<semaphore_mem>> -> memref<1x!tpu.dma_semaphore, #tpu.memory_space<semaphore_mem>>
    %dma_wait3A_219 = tpu.memref_squeeze %dma_wait3A_218 : memref<1x!tpu.dma_semaphore, #tpu.memory_space<semaphore_mem>> -> memref<!tpu.dma_semaphore, #tpu.memory_space<semaphore_mem>>
    %dma_wait3A_220 = arith.constant 0 : i32
    %dma_wait3A_221 = arith.constant 0 : i32
    %dma_wait3A_222 = tpu.memref_slice %arg6[%dma_wait3A_197, %dma_wait3A_220, %dma_wait3A_221] : memref<3x2x128xi32, #tpu.memory_space<vmem>> -> memref<1x2x128xi32, #tpu.memory_space<vmem>>
    %dma_wait3A_223 = tpu.memref_squeeze %dma_wait3A_222 : memref<1x2x128xi32, #tpu.memory_space<vmem>> -> memref<2x128xi32, #tpu.memory_space<vmem>>
    %dma_wait3A_224 = arith.constant 0 : i32
    %dma_wait3A_225 = arith.constant 0 : i32
    %dma_wait3A_226 = arith.constant 0 : i32
    %dma_wait3A_227 = arith.constant 0 : i32
    %dma_wait3A_228 = tpu.memref_slice %arg3[%arg0, %dma_wait3A_224, %dma_wait3A_225, %dma_wait3A_226, %dma_wait3A_227] : memref<2x16x79x2x128xi32, #tpu.memory_space<hbm>> -> memref<1x16x79x2x128xi32, #tpu.memory_space<hbm>>
    %dma_wait3A_229 = tpu.memref_squeeze %dma_wait3A_228 : memref<1x16x79x2x128xi32, #tpu.memory_space<hbm>> -> memref<16x79x2x128xi32, #tpu.memory_space<hbm>>
    %dma_wait3A_230 = arith.constant 0 : i32
    %dma_wait3A_231 = arith.constant 0 : i32
    %dma_wait3A_232 = arith.constant 0 : i32
    %dma_wait3A_233 = tpu.memref_slice %dma_wait3A_229[%arg1, %dma_wait3A_230, %dma_wait3A_231, %dma_wait3A_232] : memref<16x79x2x128xi32, #tpu.memory_space<hbm>> -> memref<1x79x2x128xi32, #tpu.memory_space<hbm>>
    %dma_wait3A_234 = tpu.memref_squeeze %dma_wait3A_233 : memref<1x79x2x128xi32, #tpu.memory_space<hbm>> -> memref<79x2x128xi32, #tpu.memory_space<hbm>>
    %dma_wait3A_235 = arith.constant 0 : i32
    %dma_wait3A_236 = arith.constant 0 : i32
    %dma_wait3A_237 = tpu.memref_slice %dma_wait3A_234[%dma_wait3A_196, %dma_wait3A_235, %dma_wait3A_236] : memref<79x2x128xi32, #tpu.memory_space<hbm>> -> memref<1x2x128xi32, #tpu.memory_space<hbm>>
    %dma_wait3A_238 = tpu.memref_squeeze %dma_wait3A_237 : memref<1x2x128xi32, #tpu.memory_space<hbm>> -> memref<2x128xi32, #tpu.memory_space<hbm>>
    tpu.wait_dma2 semaphore(%dma_wait3A_219 : memref<!tpu.dma_semaphore, #tpu.memory_space<semaphore_mem>>) src(%dma_wait3A_238 : memref<2x128xi32, #tpu.memory_space<hbm>>) dst(%dma_wait3A_223 : memref<2x128xi32, #tpu.memory_space<vmem>>)
    %dma_start3A_239 = arith.constant 1 : i32
    %dma_start3A_240 = arith.constant 0 : i32
    %dma_start3A_241 = arith.constant 1 : i32
    %dma_start3A_242 = arith.constant 1 : i32
    %dma_start3A_243 = arith.constant 0 : i32
    %dma_start3A_244 = arith.constant 0 : i32
    %dma_start3A_245 = tpu.memref_slice %arg7[%dma_start3A_241, %dma_start3A_243, %dma_start3A_244] : memref<3x128x128xf32, #tpu.memory_space<vmem>> -> memref<1x128x128xf32, #tpu.memory_space<vmem>>
    %dma_start3A_246 = tpu.memref_squeeze %dma_start3A_245 : memref<1x128x128xf32, #tpu.memory_space<vmem>> -> memref<128x128xf32, #tpu.memory_space<vmem>>
    %dma_start3A_247 = arith.constant 0 : i32
    %dma_start3A_248 = arith.constant 0 : i32
    %dma_start3A_249 = tpu.memref_slice %arg6[%dma_start3A_239, %dma_start3A_247, %dma_start3A_248] : memref<3x2x128xi32, #tpu.memory_space<vmem>> -> memref<1x2x128xi32, #tpu.memory_space<vmem>>
    %dma_start3A_250 = tpu.memref_squeeze %dma_start3A_249 : memref<1x2x128xi32, #tpu.memory_space<vmem>> -> memref<2x128xi32, #tpu.memory_space<vmem>>
    %dma_start3A_251 = arith.constant 0 : i32
    %dma_start3A_252 = tpu.memref_slice %dma_start3A_250[%dma_start3A_240, %dma_start3A_251] : memref<2x128xi32, #tpu.memory_space<vmem>> -> memref<1x128xi32, #tpu.memory_space<vmem>>
    %dma_start3A_253 = tpu.memref_squeeze %dma_start3A_252 : memref<1x128xi32, #tpu.memory_space<vmem>> -> memref<128xi32, #tpu.memory_space<vmem>>
    %dma_start3A_254 = arith.constant 0 : i32
    %dma_start3A_255 = arith.constant 0 : i32
    %dma_start3A_256 = tpu.memref_slice %arg2[%dma_start3A_254, %dma_start3A_255] : memref<20000x128xf32, #tpu.memory_space<hbm>> -> memref<20000x128xf32, #tpu.memory_space<hbm>>
    %dma_start3A_257 = tpu.memref_slice %arg10[%dma_start3A_242] : memref<3x!tpu.dma_semaphore, #tpu.memory_space<semaphore_mem>> -> memref<1x!tpu.dma_semaphore, #tpu.memory_space<semaphore_mem>>
    %dma_start3A_258 = tpu.memref_squeeze %dma_start3A_257 : memref<1x!tpu.dma_semaphore, #tpu.memory_space<semaphore_mem>> -> memref<!tpu.dma_semaphore, #tpu.memory_space<semaphore_mem>>
    tpu.enqueue_indirect_dma source(%dma_start3A_256 : memref<20000x128xf32, #tpu.memory_space<hbm>>) target(%dma_start3A_246 : memref<128x128xf32, #tpu.memory_space<vmem>>) offsets(%dma_start3A_253 : memref<128xi32, #tpu.memory_space<vmem>>) semaphore(%dma_start3A_258 : memref<!tpu.dma_semaphore, #tpu.memory_space<semaphore_mem>>)
    %dma_wait3A_259 = arith.constant 0 : i32
    %dma_wait3A_260 = arith.constant 0 : i32
    %dma_wait3A_261 = arith.constant 0 : i32
    %dma_wait3A_262 = arith.constant 0 : i32
    %dma_wait3A_263 = tpu.memref_slice %arg7[%dma_wait3A_259, %dma_wait3A_261, %dma_wait3A_262] : memref<3x128x128xf32, #tpu.memory_space<vmem>> -> memref<1x128x128xf32, #tpu.memory_space<vmem>>
    %dma_wait3A_264 = tpu.memref_squeeze %dma_wait3A_263 : memref<1x128x128xf32, #tpu.memory_space<vmem>> -> memref<128x128xf32, #tpu.memory_space<vmem>>
    %dma_wait3A_265 = arith.constant 0 : i32
    %dma_wait3A_266 = arith.constant 0 : i32
    %dma_wait3A_267 = tpu.memref_slice %arg2[%dma_wait3A_265, %dma_wait3A_266] : memref<20000x128xf32, #tpu.memory_space<hbm>> -> memref<128x128xf32, #tpu.memory_space<hbm>>
    %dma_wait3A_268 = tpu.memref_slice %arg10[%dma_wait3A_260] : memref<3x!tpu.dma_semaphore, #tpu.memory_space<semaphore_mem>> -> memref<1x!tpu.dma_semaphore, #tpu.memory_space<semaphore_mem>>
    %dma_wait3A_269 = tpu.memref_squeeze %dma_wait3A_268 : memref<1x!tpu.dma_semaphore, #tpu.memory_space<semaphore_mem>> -> memref<!tpu.dma_semaphore, #tpu.memory_space<semaphore_mem>>
    %dma_wait3A_270 = arith.constant 0 : i32
    %dma_wait3A_271 = arith.constant 0 : i32
    %dma_wait3A_272 = tpu.memref_slice %arg7[%dma_wait3A_259, %dma_wait3A_270, %dma_wait3A_271] : memref<3x128x128xf32, #tpu.memory_space<vmem>> -> memref<1x128x128xf32, #tpu.memory_space<vmem>>
    %dma_wait3A_273 = tpu.memref_squeeze %dma_wait3A_272 : memref<1x128x128xf32, #tpu.memory_space<vmem>> -> memref<128x128xf32, #tpu.memory_space<vmem>>
    %dma_wait3A_274 = arith.constant 0 : i32
    %dma_wait3A_275 = arith.constant 0 : i32
    %dma_wait3A_276 = tpu.memref_slice %arg2[%dma_wait3A_274, %dma_wait3A_275] : memref<20000x128xf32, #tpu.memory_space<hbm>> -> memref<128x128xf32, #tpu.memory_space<hbm>>
    tpu.wait_dma2 semaphore(%dma_wait3A_269 : memref<!tpu.dma_semaphore, #tpu.memory_space<semaphore_mem>>) src(%dma_wait3A_276 : memref<128x128xf32, #tpu.memory_space<hbm>>) dst(%dma_wait3A_273 : memref<128x128xf32, #tpu.memory_space<vmem>>)
    %dma_start3A_277 = arith.constant 0 : i32
    %dma_start3A_278 = arith.constant 0 : i32
    %dma_start3A_279 = arith.constant 1 : i32
    %dma_start3A_280 = arith.constant 0 : i32
    %dma_start3A_281 = arith.constant 0 : i32
    %dma_start3A_282 = arith.constant 0 : i32
    %dma_start3A_283 = tpu.memref_slice %arg7[%dma_start3A_277, %dma_start3A_281, %dma_start3A_282] : memref<3x128x128xf32, #tpu.memory_space<vmem>> -> memref<1x128x128xf32, #tpu.memory_space<vmem>>
    %dma_start3A_284 = tpu.memref_squeeze %dma_start3A_283 : memref<1x128x128xf32, #tpu.memory_space<vmem>> -> memref<128x128xf32, #tpu.memory_space<vmem>>
    %dma_start3A_285 = arith.constant 0 : i32
    %dma_start3A_286 = arith.constant 0 : i32
    %dma_start3A_287 = tpu.memref_slice %arg6[%dma_start3A_278, %dma_start3A_285, %dma_start3A_286] : memref<3x2x128xi32, #tpu.memory_space<vmem>> -> memref<1x2x128xi32, #tpu.memory_space<vmem>>
    %dma_start3A_288 = tpu.memref_squeeze %dma_start3A_287 : memref<1x2x128xi32, #tpu.memory_space<vmem>> -> memref<2x128xi32, #tpu.memory_space<vmem>>
    %dma_start3A_289 = arith.constant 0 : i32
    %dma_start3A_290 = tpu.memref_slice %dma_start3A_288[%dma_start3A_279, %dma_start3A_289] : memref<2x128xi32, #tpu.memory_space<vmem>> -> memref<1x128xi32, #tpu.memory_space<vmem>>
    %dma_start3A_291 = tpu.memref_squeeze %dma_start3A_290 : memref<1x128xi32, #tpu.memory_space<vmem>> -> memref<128xi32, #tpu.memory_space<vmem>>
    %dma_start3A_292 = arith.constant 0 : i32
    %dma_start3A_293 = arith.constant 0 : i32
    %dma_start3A_294 = tpu.memref_slice %arg8[%dma_start3A_292, %dma_start3A_293] : memref<10112x128xf32, #tpu.memory_space<vmem_shared>> -> memref<10112x128xf32, #tpu.memory_space<vmem_shared>>
    %dma_start3A_295 = tpu.memref_slice %arg11[%dma_start3A_280] : memref<3x!tpu.dma_semaphore, #tpu.memory_space<semaphore_mem>> -> memref<1x!tpu.dma_semaphore, #tpu.memory_space<semaphore_mem>>
    %dma_start3A_296 = tpu.memref_squeeze %dma_start3A_295 : memref<1x!tpu.dma_semaphore, #tpu.memory_space<semaphore_mem>> -> memref<!tpu.dma_semaphore, #tpu.memory_space<semaphore_mem>>
    tpu.enqueue_indirect_dma source(%dma_start3A_284 : memref<128x128xf32, #tpu.memory_space<vmem>>) target(%dma_start3A_294 : memref<10112x128xf32, #tpu.memory_space<vmem_shared>>) offsets(%dma_start3A_291 : memref<128xi32, #tpu.memory_space<vmem>>) semaphore(%dma_start3A_296 : memref<!tpu.dma_semaphore, #tpu.memory_space<semaphore_mem>>) {add = true}
    %scan3A = arith.constant 0 : i32
    %scan3A_297 = arith.constant 3 : i32
    %scan3A_298 = arith.constant 76 : i32
    %scan3A_299 = arith.addi %scan3A_297, %scan3A_298 : i32
    %scan3A_300 = arith.constant 1 : i32
    scf.for %scan3A_500 = %scan3A_297 to %scan3A_299 step %scan3A_300  : i32 {
      %jit3A = arith.constant 3 : i32
      %eq3A = arith.constant 0 : i32
      %eq3A_501 = arith.cmpi eq, %jit3A, %eq3A : i32
      %jit3A_502 = arith.constant 1 : i32
      %select_n3A = arith.select %eq3A_501, %jit3A_502, %jit3A : i32
      %rem3A = arith.remsi %scan3A_500, %select_n3A : i32
      %ne3A = arith.constant 0 : i32
      %ne3A_503 = arith.cmpi ne, %rem3A, %ne3A : i32
      %lt3A = arith.constant 0 : i32
      %lt3A_504 = arith.cmpi slt, %rem3A, %lt3A : i32
      %lt3A_505 = arith.constant 0 : i32
      %lt3A_506 = arith.cmpi slt, %select_n3A, %lt3A_505 : i32
      %ne3A_507 = arith.xori %lt3A_504, %lt3A_506 : i1
      %and3A = arith.andi %ne3A_507, %ne3A_503 : i1
      %add3A = arith.addi %rem3A, %select_n3A : i32
      %select_n3A_508 = arith.select %and3A, %add3A, %rem3A : i32
      %dma_wait3A_509 = arith.constant 0 : i32
      %dma_wait3A_510 = arith.constant 0 : i32
      %dma_wait3A_511 = tpu.memref_slice %arg7[%select_n3A_508, %dma_wait3A_509, %dma_wait3A_510] : memref<3x128x128xf32, #tpu.memory_space<vmem>> -> memref<1x128x128xf32, #tpu.memory_space<vmem>>
      %dma_wait3A_512 = tpu.memref_squeeze %dma_wait3A_511 : memref<1x128x128xf32, #tpu.memory_space<vmem>> -> memref<128x128xf32, #tpu.memory_space<vmem>>
      %dma_wait3A_513 = arith.constant 0 : i32
      %dma_wait3A_514 = arith.constant 0 : i32
      %dma_wait3A_515 = tpu.memref_slice %arg8[%dma_wait3A_513, %dma_wait3A_514] : memref<10112x128xf32, #tpu.memory_space<vmem_shared>> -> memref<128x128xf32, #tpu.memory_space<vmem_shared>>
      %dma_wait3A_516 = tpu.memref_slice %arg11[%select_n3A_508] : memref<3x!tpu.dma_semaphore, #tpu.memory_space<semaphore_mem>> -> memref<1x!tpu.dma_semaphore, #tpu.memory_space<semaphore_mem>>
      %dma_wait3A_517 = tpu.memref_squeeze %dma_wait3A_516 : memref<1x!tpu.dma_semaphore, #tpu.memory_space<semaphore_mem>> -> memref<!tpu.dma_semaphore, #tpu.memory_space<semaphore_mem>>
      %dma_wait3A_518 = arith.constant 0 : i32
      %dma_wait3A_519 = arith.constant 0 : i32
      %dma_wait3A_520 = tpu.memref_slice %arg8[%dma_wait3A_518, %dma_wait3A_519] : memref<10112x128xf32, #tpu.memory_space<vmem_shared>> -> memref<128x128xf32, #tpu.memory_space<vmem_shared>>
      %dma_wait3A_521 = arith.constant 0 : i32
      %dma_wait3A_522 = arith.constant 0 : i32
      %dma_wait3A_523 = tpu.memref_slice %arg7[%select_n3A_508, %dma_wait3A_521, %dma_wait3A_522] : memref<3x128x128xf32, #tpu.memory_space<vmem>> -> memref<1x128x128xf32, #tpu.memory_space<vmem>>
      %dma_wait3A_524 = tpu.memref_squeeze %dma_wait3A_523 : memref<1x128x128xf32, #tpu.memory_space<vmem>> -> memref<128x128xf32, #tpu.memory_space<vmem>>
      tpu.wait_dma2 semaphore(%dma_wait3A_517 : memref<!tpu.dma_semaphore, #tpu.memory_space<semaphore_mem>>) src(%dma_wait3A_524 : memref<128x128xf32, #tpu.memory_space<vmem>>) dst(%dma_wait3A_520 : memref<128x128xf32, #tpu.memory_space<vmem_shared>>)
      %dma_start3A_525 = arith.constant 0 : i32
      %dma_start3A_526 = arith.constant 0 : i32
      %dma_start3A_527 = tpu.memref_slice %arg6[%select_n3A_508, %dma_start3A_525, %dma_start3A_526] : memref<3x2x128xi32, #tpu.memory_space<vmem>> -> memref<1x2x128xi32, #tpu.memory_space<vmem>>
      %dma_start3A_528 = tpu.memref_squeeze %dma_start3A_527 : memref<1x2x128xi32, #tpu.memory_space<vmem>> -> memref<2x128xi32, #tpu.memory_space<vmem>>
      %dma_start3A_529 = arith.constant 0 : i32
      %dma_start3A_530 = arith.constant 0 : i32
      %dma_start3A_531 = arith.constant 0 : i32
      %dma_start3A_532 = arith.constant 0 : i32
      %dma_start3A_533 = tpu.memref_slice %arg3[%arg0, %dma_start3A_529, %dma_start3A_530, %dma_start3A_531, %dma_start3A_532] : memref<2x16x79x2x128xi32, #tpu.memory_space<hbm>> -> memref<1x16x79x2x128xi32, #tpu.memory_space<hbm>>
      %dma_start3A_534 = tpu.memref_squeeze %dma_start3A_533 : memref<1x16x79x2x128xi32, #tpu.memory_space<hbm>> -> memref<16x79x2x128xi32, #tpu.memory_space<hbm>>
      %dma_start3A_535 = arith.constant 0 : i32
      %dma_start3A_536 = arith.constant 0 : i32
      %dma_start3A_537 = arith.constant 0 : i32
      %dma_start3A_538 = tpu.memref_slice %dma_start3A_534[%arg1, %dma_start3A_535, %dma_start3A_536, %dma_start3A_537] : memref<16x79x2x128xi32, #tpu.memory_space<hbm>> -> memref<1x79x2x128xi32, #tpu.memory_space<hbm>>
      %dma_start3A_539 = tpu.memref_squeeze %dma_start3A_538 : memref<1x79x2x128xi32, #tpu.memory_space<hbm>> -> memref<79x2x128xi32, #tpu.memory_space<hbm>>
      %dma_start3A_540 = arith.constant 0 : i32
      %dma_start3A_541 = arith.constant 0 : i32
      %dma_start3A_542 = tpu.memref_slice %dma_start3A_539[%scan3A_500, %dma_start3A_540, %dma_start3A_541] : memref<79x2x128xi32, #tpu.memory_space<hbm>> -> memref<1x2x128xi32, #tpu.memory_space<hbm>>
      %dma_start3A_543 = tpu.memref_squeeze %dma_start3A_542 : memref<1x2x128xi32, #tpu.memory_space<hbm>> -> memref<2x128xi32, #tpu.memory_space<hbm>>
      %dma_start3A_544 = tpu.memref_slice %arg9[%select_n3A_508] : memref<3x!tpu.dma_semaphore, #tpu.memory_space<semaphore_mem>> -> memref<1x!tpu.dma_semaphore, #tpu.memory_space<semaphore_mem>>
      %dma_start3A_545 = tpu.memref_squeeze %dma_start3A_544 : memref<1x!tpu.dma_semaphore, #tpu.memory_space<semaphore_mem>> -> memref<!tpu.dma_semaphore, #tpu.memory_space<semaphore_mem>>
      %dma_start3A_546 = arith.constant 0 : i32
      %dma_start3A_547 = arith.constant 0 : i32
      %dma_start3A_548 = tpu.memref_slice %arg6[%select_n3A_508, %dma_start3A_546, %dma_start3A_547] : memref<3x2x128xi32, #tpu.memory_space<vmem>> -> memref<1x2x128xi32, #tpu.memory_space<vmem>>
      %dma_start3A_549 = tpu.memref_squeeze %dma_start3A_548 : memref<1x2x128xi32, #tpu.memory_space<vmem>> -> memref<2x128xi32, #tpu.memory_space<vmem>>
      %dma_start3A_550 = arith.constant 0 : i32
      %dma_start3A_551 = arith.constant 0 : i32
      %dma_start3A_552 = arith.constant 0 : i32
      %dma_start3A_553 = arith.constant 0 : i32
      %dma_start3A_554 = tpu.memref_slice %arg3[%arg0, %dma_start3A_550, %dma_start3A_551, %dma_start3A_552, %dma_start3A_553] : memref<2x16x79x2x128xi32, #tpu.memory_space<hbm>> -> memref<1x16x79x2x128xi32, #tpu.memory_space<hbm>>
      %dma_start3A_555 = tpu.memref_squeeze %dma_start3A_554 : memref<1x16x79x2x128xi32, #tpu.memory_space<hbm>> -> memref<16x79x2x128xi32, #tpu.memory_space<hbm>>
      %dma_start3A_556 = arith.constant 0 : i32
      %dma_start3A_557 = arith.constant 0 : i32
      %dma_start3A_558 = arith.constant 0 : i32
      %dma_start3A_559 = tpu.memref_slice %dma_start3A_555[%arg1, %dma_start3A_556, %dma_start3A_557, %dma_start3A_558] : memref<16x79x2x128xi32, #tpu.memory_space<hbm>> -> memref<1x79x2x128xi32, #tpu.memory_space<hbm>>
      %dma_start3A_560 = tpu.memref_squeeze %dma_start3A_559 : memref<1x79x2x128xi32, #tpu.memory_space<hbm>> -> memref<79x2x128xi32, #tpu.memory_space<hbm>>
      %dma_start3A_561 = arith.constant 0 : i32
      %dma_start3A_562 = arith.constant 0 : i32
      %dma_start3A_563 = tpu.memref_slice %dma_start3A_560[%scan3A_500, %dma_start3A_561, %dma_start3A_562] : memref<79x2x128xi32, #tpu.memory_space<hbm>> -> memref<1x2x128xi32, #tpu.memory_space<hbm>>
      %dma_start3A_564 = tpu.memref_squeeze %dma_start3A_563 : memref<1x2x128xi32, #tpu.memory_space<hbm>> -> memref<2x128xi32, #tpu.memory_space<hbm>>
      tpu.enqueue_dma source(%dma_start3A_564 : memref<2x128xi32, #tpu.memory_space<hbm>>) target(%dma_start3A_549 : memref<2x128xi32, #tpu.memory_space<vmem>>) target_semaphore(%dma_start3A_545 : memref<!tpu.dma_semaphore, #tpu.memory_space<semaphore_mem>>)
      %sub3A = arith.constant 1 : i32
      %sub3A_565 = arith.subi %scan3A_500, %sub3A : i32
      %jit3A_566 = arith.constant 3 : i32
      %eq3A_567 = arith.constant 0 : i32
      %eq3A_568 = arith.cmpi eq, %jit3A_566, %eq3A_567 : i32
      %jit3A_569 = arith.constant 1 : i32
      %select_n3A_570 = arith.select %eq3A_568, %jit3A_569, %jit3A_566 : i32
      %rem3A_571 = arith.remsi %sub3A_565, %select_n3A_570 : i32
      %ne3A_572 = arith.constant 0 : i32
      %ne3A_573 = arith.cmpi ne, %rem3A_571, %ne3A_572 : i32
      %lt3A_574 = arith.constant 0 : i32
      %lt3A_575 = arith.cmpi slt, %rem3A_571, %lt3A_574 : i32
      %lt3A_576 = arith.constant 0 : i32
      %lt3A_577 = arith.cmpi slt, %select_n3A_570, %lt3A_576 : i32
      %ne3A_578 = arith.xori %lt3A_575, %lt3A_577 : i1
      %and3A_579 = arith.andi %ne3A_578, %ne3A_573 : i1
      %add3A_580 = arith.addi %rem3A_571, %select_n3A_570 : i32
      %select_n3A_581 = arith.select %and3A_579, %add3A_580, %rem3A_571 : i32
      %dma_wait3A_582 = arith.constant 0 : i32
      %dma_wait3A_583 = arith.constant 0 : i32
      %dma_wait3A_584 = arith.constant 0 : i32
      %dma_wait3A_585 = tpu.memref_slice %arg6[%select_n3A_581, %dma_wait3A_583, %dma_wait3A_584] : memref<3x2x128xi32, #tpu.memory_space<vmem>> -> memref<1x2x128xi32, #tpu.memory_space<vmem>>
      %dma_wait3A_586 = tpu.memref_squeeze %dma_wait3A_585 : memref<1x2x128xi32, #tpu.memory_space<vmem>> -> memref<2x128xi32, #tpu.memory_space<vmem>>
      %dma_wait3A_587 = arith.constant 0 : i32
      %dma_wait3A_588 = arith.constant 0 : i32
      %dma_wait3A_589 = arith.constant 0 : i32
      %dma_wait3A_590 = arith.constant 0 : i32
      %dma_wait3A_591 = tpu.memref_slice %arg3[%arg0, %dma_wait3A_587, %dma_wait3A_588, %dma_wait3A_589, %dma_wait3A_590] : memref<2x16x79x2x128xi32, #tpu.memory_space<hbm>> -> memref<1x16x79x2x128xi32, #tpu.memory_space<hbm>>
      %dma_wait3A_592 = tpu.memref_squeeze %dma_wait3A_591 : memref<1x16x79x2x128xi32, #tpu.memory_space<hbm>> -> memref<16x79x2x128xi32, #tpu.memory_space<hbm>>
      %dma_wait3A_593 = arith.constant 0 : i32
      %dma_wait3A_594 = arith.constant 0 : i32
      %dma_wait3A_595 = arith.constant 0 : i32
      %dma_wait3A_596 = tpu.memref_slice %dma_wait3A_592[%arg1, %dma_wait3A_593, %dma_wait3A_594, %dma_wait3A_595] : memref<16x79x2x128xi32, #tpu.memory_space<hbm>> -> memref<1x79x2x128xi32, #tpu.memory_space<hbm>>
      %dma_wait3A_597 = tpu.memref_squeeze %dma_wait3A_596 : memref<1x79x2x128xi32, #tpu.memory_space<hbm>> -> memref<79x2x128xi32, #tpu.memory_space<hbm>>
      %dma_wait3A_598 = arith.constant 0 : i32
      %dma_wait3A_599 = arith.constant 0 : i32
      %dma_wait3A_600 = tpu.memref_slice %dma_wait3A_597[%dma_wait3A_582, %dma_wait3A_598, %dma_wait3A_599] : memref<79x2x128xi32, #tpu.memory_space<hbm>> -> memref<1x2x128xi32, #tpu.memory_space<hbm>>
      %dma_wait3A_601 = tpu.memref_squeeze %dma_wait3A_600 : memref<1x2x128xi32, #tpu.memory_space<hbm>> -> memref<2x128xi32, #tpu.memory_space<hbm>>
      %dma_wait3A_602 = tpu.memref_slice %arg9[%select_n3A_581] : memref<3x!tpu.dma_semaphore, #tpu.memory_space<semaphore_mem>> -> memref<1x!tpu.dma_semaphore, #tpu.memory_space<semaphore_mem>>
      %dma_wait3A_603 = tpu.memref_squeeze %dma_wait3A_602 : memref<1x!tpu.dma_semaphore, #tpu.memory_space<semaphore_mem>> -> memref<!tpu.dma_semaphore, #tpu.memory_space<semaphore_mem>>
      %dma_wait3A_604 = arith.constant 0 : i32
      %dma_wait3A_605 = arith.constant 0 : i32
      %dma_wait3A_606 = tpu.memref_slice %arg6[%select_n3A_581, %dma_wait3A_604, %dma_wait3A_605] : memref<3x2x128xi32, #tpu.memory_space<vmem>> -> memref<1x2x128xi32, #tpu.memory_space<vmem>>
      %dma_wait3A_607 = tpu.memref_squeeze %dma_wait3A_606 : memref<1x2x128xi32, #tpu.memory_space<vmem>> -> memref<2x128xi32, #tpu.memory_space<vmem>>
      %dma_wait3A_608 = arith.constant 0 : i32
      %dma_wait3A_609 = arith.constant 0 : i32
      %dma_wait3A_610 = arith.constant 0 : i32
      %dma_wait3A_611 = arith.constant 0 : i32
      %dma_wait3A_612 = tpu.memref_slice %arg3[%arg0, %dma_wait3A_608, %dma_wait3A_609, %dma_wait3A_610, %dma_wait3A_611] : memref<2x16x79x2x128xi32, #tpu.memory_space<hbm>> -> memref<1x16x79x2x128xi32, #tpu.memory_space<hbm>>
      %dma_wait3A_613 = tpu.memref_squeeze %dma_wait3A_612 : memref<1x16x79x2x128xi32, #tpu.memory_space<hbm>> -> memref<16x79x2x128xi32, #tpu.memory_space<hbm>>
      %dma_wait3A_614 = arith.constant 0 : i32
      %dma_wait3A_615 = arith.constant 0 : i32
      %dma_wait3A_616 = arith.constant 0 : i32
      %dma_wait3A_617 = tpu.memref_slice %dma_wait3A_613[%arg1, %dma_wait3A_614, %dma_wait3A_615, %dma_wait3A_616] : memref<16x79x2x128xi32, #tpu.memory_space<hbm>> -> memref<1x79x2x128xi32, #tpu.memory_space<hbm>>
      %dma_wait3A_618 = tpu.memref_squeeze %dma_wait3A_617 : memref<1x79x2x128xi32, #tpu.memory_space<hbm>> -> memref<79x2x128xi32, #tpu.memory_space<hbm>>
      %dma_wait3A_619 = arith.constant 0 : i32
      %dma_wait3A_620 = arith.constant 0 : i32
      %dma_wait3A_621 = tpu.memref_slice %dma_wait3A_618[%dma_wait3A_582, %dma_wait3A_619, %dma_wait3A_620] : memref<79x2x128xi32, #tpu.memory_space<hbm>> -> memref<1x2x128xi32, #tpu.memory_space<hbm>>
      %dma_wait3A_622 = tpu.memref_squeeze %dma_wait3A_621 : memref<1x2x128xi32, #tpu.memory_space<hbm>> -> memref<2x128xi32, #tpu.memory_space<hbm>>
      tpu.wait_dma2 semaphore(%dma_wait3A_603 : memref<!tpu.dma_semaphore, #tpu.memory_space<semaphore_mem>>) src(%dma_wait3A_622 : memref<2x128xi32, #tpu.memory_space<hbm>>) dst(%dma_wait3A_607 : memref<2x128xi32, #tpu.memory_space<vmem>>)
      %dma_start3A_623 = arith.constant 0 : i32
      %dma_start3A_624 = arith.constant 0 : i32
      %dma_start3A_625 = arith.constant 0 : i32
      %dma_start3A_626 = tpu.memref_slice %arg7[%select_n3A_581, %dma_start3A_624, %dma_start3A_625] : memref<3x128x128xf32, #tpu.memory_space<vmem>> -> memref<1x128x128xf32, #tpu.memory_space<vmem>>
      %dma_start3A_627 = tpu.memref_squeeze %dma_start3A_626 : memref<1x128x128xf32, #tpu.memory_space<vmem>> -> memref<128x128xf32, #tpu.memory_space<vmem>>
      %dma_start3A_628 = arith.constant 0 : i32
      %dma_start3A_629 = arith.constant 0 : i32
      %dma_start3A_630 = tpu.memref_slice %arg6[%select_n3A_581, %dma_start3A_628, %dma_start3A_629] : memref<3x2x128xi32, #tpu.memory_space<vmem>> -> memref<1x2x128xi32, #tpu.memory_space<vmem>>
      %dma_start3A_631 = tpu.memref_squeeze %dma_start3A_630 : memref<1x2x128xi32, #tpu.memory_space<vmem>> -> memref<2x128xi32, #tpu.memory_space<vmem>>
      %dma_start3A_632 = arith.constant 0 : i32
      %dma_start3A_633 = tpu.memref_slice %dma_start3A_631[%dma_start3A_623, %dma_start3A_632] : memref<2x128xi32, #tpu.memory_space<vmem>> -> memref<1x128xi32, #tpu.memory_space<vmem>>
      %dma_start3A_634 = tpu.memref_squeeze %dma_start3A_633 : memref<1x128xi32, #tpu.memory_space<vmem>> -> memref<128xi32, #tpu.memory_space<vmem>>
      %dma_start3A_635 = arith.constant 0 : i32
      %dma_start3A_636 = arith.constant 0 : i32
      %dma_start3A_637 = tpu.memref_slice %arg2[%dma_start3A_635, %dma_start3A_636] : memref<20000x128xf32, #tpu.memory_space<hbm>> -> memref<20000x128xf32, #tpu.memory_space<hbm>>
      %dma_start3A_638 = tpu.memref_slice %arg10[%select_n3A_581] : memref<3x!tpu.dma_semaphore, #tpu.memory_space<semaphore_mem>> -> memref<1x!tpu.dma_semaphore, #tpu.memory_space<semaphore_mem>>
      %dma_start3A_639 = tpu.memref_squeeze %dma_start3A_638 : memref<1x!tpu.dma_semaphore, #tpu.memory_space<semaphore_mem>> -> memref<!tpu.dma_semaphore, #tpu.memory_space<semaphore_mem>>
      tpu.enqueue_indirect_dma source(%dma_start3A_637 : memref<20000x128xf32, #tpu.memory_space<hbm>>) target(%dma_start3A_627 : memref<128x128xf32, #tpu.memory_space<vmem>>) offsets(%dma_start3A_634 : memref<128xi32, #tpu.memory_space<vmem>>) semaphore(%dma_start3A_639 : memref<!tpu.dma_semaphore, #tpu.memory_space<semaphore_mem>>)
      %sub3A_640 = arith.constant 2 : i32
      %sub3A_641 = arith.subi %scan3A_500, %sub3A_640 : i32
      %jit3A_642 = arith.constant 3 : i32
      %eq3A_643 = arith.constant 0 : i32
      %eq3A_644 = arith.cmpi eq, %jit3A_642, %eq3A_643 : i32
      %jit3A_645 = arith.constant 1 : i32
      %select_n3A_646 = arith.select %eq3A_644, %jit3A_645, %jit3A_642 : i32
      %rem3A_647 = arith.remsi %sub3A_641, %select_n3A_646 : i32
      %ne3A_648 = arith.constant 0 : i32
      %ne3A_649 = arith.cmpi ne, %rem3A_647, %ne3A_648 : i32
      %lt3A_650 = arith.constant 0 : i32
      %lt3A_651 = arith.cmpi slt, %rem3A_647, %lt3A_650 : i32
      %lt3A_652 = arith.constant 0 : i32
      %lt3A_653 = arith.cmpi slt, %select_n3A_646, %lt3A_652 : i32
      %ne3A_654 = arith.xori %lt3A_651, %lt3A_653 : i1
      %and3A_655 = arith.andi %ne3A_654, %ne3A_649 : i1
      %add3A_656 = arith.addi %rem3A_647, %select_n3A_646 : i32
      %select_n3A_657 = arith.select %and3A_655, %add3A_656, %rem3A_647 : i32
      %dma_wait3A_658 = arith.constant 0 : i32
      %dma_wait3A_659 = arith.constant 0 : i32
      %dma_wait3A_660 = tpu.memref_slice %arg7[%select_n3A_657, %dma_wait3A_658, %dma_wait3A_659] : memref<3x128x128xf32, #tpu.memory_space<vmem>> -> memref<1x128x128xf32, #tpu.memory_space<vmem>>
      %dma_wait3A_661 = tpu.memref_squeeze %dma_wait3A_660 : memref<1x128x128xf32, #tpu.memory_space<vmem>> -> memref<128x128xf32, #tpu.memory_space<vmem>>
      %dma_wait3A_662 = arith.constant 0 : i32
      %dma_wait3A_663 = arith.constant 0 : i32
      %dma_wait3A_664 = tpu.memref_slice %arg2[%dma_wait3A_662, %dma_wait3A_663] : memref<20000x128xf32, #tpu.memory_space<hbm>> -> memref<128x128xf32, #tpu.memory_space<hbm>>
      %dma_wait3A_665 = tpu.memref_slice %arg10[%select_n3A_657] : memref<3x!tpu.dma_semaphore, #tpu.memory_space<semaphore_mem>> -> memref<1x!tpu.dma_semaphore, #tpu.memory_space<semaphore_mem>>
      %dma_wait3A_666 = tpu.memref_squeeze %dma_wait3A_665 : memref<1x!tpu.dma_semaphore, #tpu.memory_space<semaphore_mem>> -> memref<!tpu.dma_semaphore, #tpu.memory_space<semaphore_mem>>
      %dma_wait3A_667 = arith.constant 0 : i32
      %dma_wait3A_668 = arith.constant 0 : i32
      %dma_wait3A_669 = tpu.memref_slice %arg7[%select_n3A_657, %dma_wait3A_667, %dma_wait3A_668] : memref<3x128x128xf32, #tpu.memory_space<vmem>> -> memref<1x128x128xf32, #tpu.memory_space<vmem>>
      %dma_wait3A_670 = tpu.memref_squeeze %dma_wait3A_669 : memref<1x128x128xf32, #tpu.memory_space<vmem>> -> memref<128x128xf32, #tpu.memory_space<vmem>>
      %dma_wait3A_671 = arith.constant 0 : i32
      %dma_wait3A_672 = arith.constant 0 : i32
      %dma_wait3A_673 = tpu.memref_slice %arg2[%dma_wait3A_671, %dma_wait3A_672] : memref<20000x128xf32, #tpu.memory_space<hbm>> -> memref<128x128xf32, #tpu.memory_space<hbm>>
      tpu.wait_dma2 semaphore(%dma_wait3A_666 : memref<!tpu.dma_semaphore, #tpu.memory_space<semaphore_mem>>) src(%dma_wait3A_673 : memref<128x128xf32, #tpu.memory_space<hbm>>) dst(%dma_wait3A_670 : memref<128x128xf32, #tpu.memory_space<vmem>>)
      %dma_start3A_674 = arith.constant 1 : i32
      %dma_start3A_675 = arith.constant 0 : i32
      %dma_start3A_676 = arith.constant 0 : i32
      %dma_start3A_677 = tpu.memref_slice %arg7[%select_n3A_657, %dma_start3A_675, %dma_start3A_676] : memref<3x128x128xf32, #tpu.memory_space<vmem>> -> memref<1x128x128xf32, #tpu.memory_space<vmem>>
      %dma_start3A_678 = tpu.memref_squeeze %dma_start3A_677 : memref<1x128x128xf32, #tpu.memory_space<vmem>> -> memref<128x128xf32, #tpu.memory_space<vmem>>
      %dma_start3A_679 = arith.constant 0 : i32
      %dma_start3A_680 = arith.constant 0 : i32
      %dma_start3A_681 = tpu.memref_slice %arg6[%select_n3A_657, %dma_start3A_679, %dma_start3A_680] : memref<3x2x128xi32, #tpu.memory_space<vmem>> -> memref<1x2x128xi32, #tpu.memory_space<vmem>>
      %dma_start3A_682 = tpu.memref_squeeze %dma_start3A_681 : memref<1x2x128xi32, #tpu.memory_space<vmem>> -> memref<2x128xi32, #tpu.memory_space<vmem>>
      %dma_start3A_683 = arith.constant 0 : i32
      %dma_start3A_684 = tpu.memref_slice %dma_start3A_682[%dma_start3A_674, %dma_start3A_683] : memref<2x128xi32, #tpu.memory_space<vmem>> -> memref<1x128xi32, #tpu.memory_space<vmem>>
      %dma_start3A_685 = tpu.memref_squeeze %dma_start3A_684 : memref<1x128xi32, #tpu.memory_space<vmem>> -> memref<128xi32, #tpu.memory_space<vmem>>
      %dma_start3A_686 = arith.constant 0 : i32
      %dma_start3A_687 = arith.constant 0 : i32
      %dma_start3A_688 = tpu.memref_slice %arg8[%dma_start3A_686, %dma_start3A_687] : memref<10112x128xf32, #tpu.memory_space<vmem_shared>> -> memref<10112x128xf32, #tpu.memory_space<vmem_shared>>
      %dma_start3A_689 = tpu.memref_slice %arg11[%select_n3A_657] : memref<3x!tpu.dma_semaphore, #tpu.memory_space<semaphore_mem>> -> memref<1x!tpu.dma_semaphore, #tpu.memory_space<semaphore_mem>>
      %dma_start3A_690 = tpu.memref_squeeze %dma_start3A_689 : memref<1x!tpu.dma_semaphore, #tpu.memory_space<semaphore_mem>> -> memref<!tpu.dma_semaphore, #tpu.memory_space<semaphore_mem>>
      tpu.enqueue_indirect_dma source(%dma_start3A_678 : memref<128x128xf32, #tpu.memory_space<vmem>>) target(%dma_start3A_688 : memref<10112x128xf32, #tpu.memory_space<vmem_shared>>) offsets(%dma_start3A_685 : memref<128xi32, #tpu.memory_space<vmem>>) semaphore(%dma_start3A_690 : memref<!tpu.dma_semaphore, #tpu.memory_space<semaphore_mem>>) {add = true}
    }
    %scan3A_301 = arith.constant 76 : i32
    %dma_wait3A_302 = arith.constant 1 : i32
    %dma_wait3A_303 = arith.constant 1 : i32
    %dma_wait3A_304 = arith.constant 0 : i32
    %dma_wait3A_305 = arith.constant 0 : i32
    %dma_wait3A_306 = tpu.memref_slice %arg7[%dma_wait3A_302, %dma_wait3A_304, %dma_wait3A_305] : memref<3x128x128xf32, #tpu.memory_space<vmem>> -> memref<1x128x128xf32, #tpu.memory_space<vmem>>
    %dma_wait3A_307 = tpu.memref_squeeze %dma_wait3A_306 : memref<1x128x128xf32, #tpu.memory_space<vmem>> -> memref<128x128xf32, #tpu.memory_space<vmem>>
    %dma_wait3A_308 = arith.constant 0 : i32
    %dma_wait3A_309 = arith.constant 0 : i32
    %dma_wait3A_310 = tpu.memref_slice %arg8[%dma_wait3A_308, %dma_wait3A_309] : memref<10112x128xf32, #tpu.memory_space<vmem_shared>> -> memref<128x128xf32, #tpu.memory_space<vmem_shared>>
    %dma_wait3A_311 = tpu.memref_slice %arg11[%dma_wait3A_303] : memref<3x!tpu.dma_semaphore, #tpu.memory_space<semaphore_mem>> -> memref<1x!tpu.dma_semaphore, #tpu.memory_space<semaphore_mem>>
    %dma_wait3A_312 = tpu.memref_squeeze %dma_wait3A_311 : memref<1x!tpu.dma_semaphore, #tpu.memory_space<semaphore_mem>> -> memref<!tpu.dma_semaphore, #tpu.memory_space<semaphore_mem>>
    %dma_wait3A_313 = arith.constant 0 : i32
    %dma_wait3A_314 = arith.constant 0 : i32
    %dma_wait3A_315 = tpu.memref_slice %arg8[%dma_wait3A_313, %dma_wait3A_314] : memref<10112x128xf32, #tpu.memory_space<vmem_shared>> -> memref<128x128xf32, #tpu.memory_space<vmem_shared>>
    %dma_wait3A_316 = arith.constant 0 : i32
    %dma_wait3A_317 = arith.constant 0 : i32
    %dma_wait3A_318 = tpu.memref_slice %arg7[%dma_wait3A_302, %dma_wait3A_316, %dma_wait3A_317] : memref<3x128x128xf32, #tpu.memory_space<vmem>> -> memref<1x128x128xf32, #tpu.memory_space<vmem>>
    %dma_wait3A_319 = tpu.memref_squeeze %dma_wait3A_318 : memref<1x128x128xf32, #tpu.memory_space<vmem>> -> memref<128x128xf32, #tpu.memory_space<vmem>>
    tpu.wait_dma2 semaphore(%dma_wait3A_312 : memref<!tpu.dma_semaphore, #tpu.memory_space<semaphore_mem>>) src(%dma_wait3A_319 : memref<128x128xf32, #tpu.memory_space<vmem>>) dst(%dma_wait3A_315 : memref<128x128xf32, #tpu.memory_space<vmem_shared>>)
    %dma_wait3A_320 = arith.constant 0 : i32
    %dma_wait3A_321 = arith.constant 0 : i32
    %dma_wait3A_322 = arith.constant 0 : i32
    %dma_wait3A_323 = arith.constant 0 : i32
    %dma_wait3A_324 = arith.constant 0 : i32
    %dma_wait3A_325 = tpu.memref_slice %arg6[%dma_wait3A_321, %dma_wait3A_323, %dma_wait3A_324] : memref<3x2x128xi32, #tpu.memory_space<vmem>> -> memref<1x2x128xi32, #tpu.memory_space<vmem>>
    %dma_wait3A_326 = tpu.memref_squeeze %dma_wait3A_325 : memref<1x2x128xi32, #tpu.memory_space<vmem>> -> memref<2x128xi32, #tpu.memory_space<vmem>>
    %dma_wait3A_327 = arith.constant 0 : i32
    %dma_wait3A_328 = arith.constant 0 : i32
    %dma_wait3A_329 = arith.constant 0 : i32
    %dma_wait3A_330 = arith.constant 0 : i32
    %dma_wait3A_331 = tpu.memref_slice %arg3[%arg0, %dma_wait3A_327, %dma_wait3A_328, %dma_wait3A_329, %dma_wait3A_330] : memref<2x16x79x2x128xi32, #tpu.memory_space<hbm>> -> memref<1x16x79x2x128xi32, #tpu.memory_space<hbm>>
    %dma_wait3A_332 = tpu.memref_squeeze %dma_wait3A_331 : memref<1x16x79x2x128xi32, #tpu.memory_space<hbm>> -> memref<16x79x2x128xi32, #tpu.memory_space<hbm>>
    %dma_wait3A_333 = arith.constant 0 : i32
    %dma_wait3A_334 = arith.constant 0 : i32
    %dma_wait3A_335 = arith.constant 0 : i32
    %dma_wait3A_336 = tpu.memref_slice %dma_wait3A_332[%arg1, %dma_wait3A_333, %dma_wait3A_334, %dma_wait3A_335] : memref<16x79x2x128xi32, #tpu.memory_space<hbm>> -> memref<1x79x2x128xi32, #tpu.memory_space<hbm>>
    %dma_wait3A_337 = tpu.memref_squeeze %dma_wait3A_336 : memref<1x79x2x128xi32, #tpu.memory_space<hbm>> -> memref<79x2x128xi32, #tpu.memory_space<hbm>>
    %dma_wait3A_338 = arith.constant 0 : i32
    %dma_wait3A_339 = arith.constant 0 : i32
    %dma_wait3A_340 = tpu.memref_slice %dma_wait3A_337[%dma_wait3A_320, %dma_wait3A_338, %dma_wait3A_339] : memref<79x2x128xi32, #tpu.memory_space<hbm>> -> memref<1x2x128xi32, #tpu.memory_space<hbm>>
    %dma_wait3A_341 = tpu.memref_squeeze %dma_wait3A_340 : memref<1x2x128xi32, #tpu.memory_space<hbm>> -> memref<2x128xi32, #tpu.memory_space<hbm>>
    %dma_wait3A_342 = tpu.memref_slice %arg9[%dma_wait3A_322] : memref<3x!tpu.dma_semaphore, #tpu.memory_space<semaphore_mem>> -> memref<1x!tpu.dma_semaphore, #tpu.memory_space<semaphore_mem>>
    %dma_wait3A_343 = tpu.memref_squeeze %dma_wait3A_342 : memref<1x!tpu.dma_semaphore, #tpu.memory_space<semaphore_mem>> -> memref<!tpu.dma_semaphore, #tpu.memory_space<semaphore_mem>>
    %dma_wait3A_344 = arith.constant 0 : i32
    %dma_wait3A_345 = arith.constant 0 : i32
    %dma_wait3A_346 = tpu.memref_slice %arg6[%dma_wait3A_321, %dma_wait3A_344, %dma_wait3A_345] : memref<3x2x128xi32, #tpu.memory_space<vmem>> -> memref<1x2x128xi32, #tpu.memory_space<vmem>>
    %dma_wait3A_347 = tpu.memref_squeeze %dma_wait3A_346 : memref<1x2x128xi32, #tpu.memory_space<vmem>> -> memref<2x128xi32, #tpu.memory_space<vmem>>
    %dma_wait3A_348 = arith.constant 0 : i32
    %dma_wait3A_349 = arith.constant 0 : i32
    %dma_wait3A_350 = arith.constant 0 : i32
    %dma_wait3A_351 = arith.constant 0 : i32
    %dma_wait3A_352 = tpu.memref_slice %arg3[%arg0, %dma_wait3A_348, %dma_wait3A_349, %dma_wait3A_350, %dma_wait3A_351] : memref<2x16x79x2x128xi32, #tpu.memory_space<hbm>> -> memref<1x16x79x2x128xi32, #tpu.memory_space<hbm>>
    %dma_wait3A_353 = tpu.memref_squeeze %dma_wait3A_352 : memref<1x16x79x2x128xi32, #tpu.memory_space<hbm>> -> memref<16x79x2x128xi32, #tpu.memory_space<hbm>>
    %dma_wait3A_354 = arith.constant 0 : i32
    %dma_wait3A_355 = arith.constant 0 : i32
    %dma_wait3A_356 = arith.constant 0 : i32
    %dma_wait3A_357 = tpu.memref_slice %dma_wait3A_353[%arg1, %dma_wait3A_354, %dma_wait3A_355, %dma_wait3A_356] : memref<16x79x2x128xi32, #tpu.memory_space<hbm>> -> memref<1x79x2x128xi32, #tpu.memory_space<hbm>>
    %dma_wait3A_358 = tpu.memref_squeeze %dma_wait3A_357 : memref<1x79x2x128xi32, #tpu.memory_space<hbm>> -> memref<79x2x128xi32, #tpu.memory_space<hbm>>
    %dma_wait3A_359 = arith.constant 0 : i32
    %dma_wait3A_360 = arith.constant 0 : i32
    %dma_wait3A_361 = tpu.memref_slice %dma_wait3A_358[%dma_wait3A_320, %dma_wait3A_359, %dma_wait3A_360] : memref<79x2x128xi32, #tpu.memory_space<hbm>> -> memref<1x2x128xi32, #tpu.memory_space<hbm>>
    %dma_wait3A_362 = tpu.memref_squeeze %dma_wait3A_361 : memref<1x2x128xi32, #tpu.memory_space<hbm>> -> memref<2x128xi32, #tpu.memory_space<hbm>>
    tpu.wait_dma2 semaphore(%dma_wait3A_343 : memref<!tpu.dma_semaphore, #tpu.memory_space<semaphore_mem>>) src(%dma_wait3A_362 : memref<2x128xi32, #tpu.memory_space<hbm>>) dst(%dma_wait3A_347 : memref<2x128xi32, #tpu.memory_space<vmem>>)
    %dma_start3A_363 = arith.constant 0 : i32
    %dma_start3A_364 = arith.constant 0 : i32
    %dma_start3A_365 = arith.constant 0 : i32
    %dma_start3A_366 = arith.constant 0 : i32
    %dma_start3A_367 = arith.constant 0 : i32
    %dma_start3A_368 = arith.constant 0 : i32
    %dma_start3A_369 = tpu.memref_slice %arg7[%dma_start3A_365, %dma_start3A_367, %dma_start3A_368] : memref<3x128x128xf32, #tpu.memory_space<vmem>> -> memref<1x128x128xf32, #tpu.memory_space<vmem>>
    %dma_start3A_370 = tpu.memref_squeeze %dma_start3A_369 : memref<1x128x128xf32, #tpu.memory_space<vmem>> -> memref<128x128xf32, #tpu.memory_space<vmem>>
    %dma_start3A_371 = arith.constant 0 : i32
    %dma_start3A_372 = arith.constant 0 : i32
    %dma_start3A_373 = tpu.memref_slice %arg6[%dma_start3A_363, %dma_start3A_371, %dma_start3A_372] : memref<3x2x128xi32, #tpu.memory_space<vmem>> -> memref<1x2x128xi32, #tpu.memory_space<vmem>>
    %dma_start3A_374 = tpu.memref_squeeze %dma_start3A_373 : memref<1x2x128xi32, #tpu.memory_space<vmem>> -> memref<2x128xi32, #tpu.memory_space<vmem>>
    %dma_start3A_375 = arith.constant 0 : i32
    %dma_start3A_376 = tpu.memref_slice %dma_start3A_374[%dma_start3A_364, %dma_start3A_375] : memref<2x128xi32, #tpu.memory_space<vmem>> -> memref<1x128xi32, #tpu.memory_space<vmem>>
    %dma_start3A_377 = tpu.memref_squeeze %dma_start3A_376 : memref<1x128xi32, #tpu.memory_space<vmem>> -> memref<128xi32, #tpu.memory_space<vmem>>
    %dma_start3A_378 = arith.constant 0 : i32
    %dma_start3A_379 = arith.constant 0 : i32
    %dma_start3A_380 = tpu.memref_slice %arg2[%dma_start3A_378, %dma_start3A_379] : memref<20000x128xf32, #tpu.memory_space<hbm>> -> memref<20000x128xf32, #tpu.memory_space<hbm>>
    %dma_start3A_381 = tpu.memref_slice %arg10[%dma_start3A_366] : memref<3x!tpu.dma_semaphore, #tpu.memory_space<semaphore_mem>> -> memref<1x!tpu.dma_semaphore, #tpu.memory_space<semaphore_mem>>
    %dma_start3A_382 = tpu.memref_squeeze %dma_start3A_381 : memref<1x!tpu.dma_semaphore, #tpu.memory_space<semaphore_mem>> -> memref<!tpu.dma_semaphore, #tpu.memory_space<semaphore_mem>>
    tpu.enqueue_indirect_dma source(%dma_start3A_380 : memref<20000x128xf32, #tpu.memory_space<hbm>>) target(%dma_start3A_370 : memref<128x128xf32, #tpu.memory_space<vmem>>) offsets(%dma_start3A_377 : memref<128xi32, #tpu.memory_space<vmem>>) semaphore(%dma_start3A_382 : memref<!tpu.dma_semaphore, #tpu.memory_space<semaphore_mem>>)
    %dma_wait3A_383 = arith.constant 2 : i32
    %dma_wait3A_384 = arith.constant 2 : i32
    %dma_wait3A_385 = arith.constant 0 : i32
    %dma_wait3A_386 = arith.constant 0 : i32
    %dma_wait3A_387 = tpu.memref_slice %arg7[%dma_wait3A_383, %dma_wait3A_385, %dma_wait3A_386] : memref<3x128x128xf32, #tpu.memory_space<vmem>> -> memref<1x128x128xf32, #tpu.memory_space<vmem>>
    %dma_wait3A_388 = tpu.memref_squeeze %dma_wait3A_387 : memref<1x128x128xf32, #tpu.memory_space<vmem>> -> memref<128x128xf32, #tpu.memory_space<vmem>>
    %dma_wait3A_389 = arith.constant 0 : i32
    %dma_wait3A_390 = arith.constant 0 : i32
    %dma_wait3A_391 = tpu.memref_slice %arg2[%dma_wait3A_389, %dma_wait3A_390] : memref<20000x128xf32, #tpu.memory_space<hbm>> -> memref<128x128xf32, #tpu.memory_space<hbm>>
    %dma_wait3A_392 = tpu.memref_slice %arg10[%dma_wait3A_384] : memref<3x!tpu.dma_semaphore, #tpu.memory_space<semaphore_mem>> -> memref<1x!tpu.dma_semaphore, #tpu.memory_space<semaphore_mem>>
    %dma_wait3A_393 = tpu.memref_squeeze %dma_wait3A_392 : memref<1x!tpu.dma_semaphore, #tpu.memory_space<semaphore_mem>> -> memref<!tpu.dma_semaphore, #tpu.memory_space<semaphore_mem>>
    %dma_wait3A_394 = arith.constant 0 : i32
    %dma_wait3A_395 = arith.constant 0 : i32
    %dma_wait3A_396 = tpu.memref_slice %arg7[%dma_wait3A_383, %dma_wait3A_394, %dma_wait3A_395] : memref<3x128x128xf32, #tpu.memory_space<vmem>> -> memref<1x128x128xf32, #tpu.memory_space<vmem>>
    %dma_wait3A_397 = tpu.memref_squeeze %dma_wait3A_396 : memref<1x128x128xf32, #tpu.memory_space<vmem>> -> memref<128x128xf32, #tpu.memory_space<vmem>>
    %dma_wait3A_398 = arith.constant 0 : i32
    %dma_wait3A_399 = arith.constant 0 : i32
    %dma_wait3A_400 = tpu.memref_slice %arg2[%dma_wait3A_398, %dma_wait3A_399] : memref<20000x128xf32, #tpu.memory_space<hbm>> -> memref<128x128xf32, #tpu.memory_space<hbm>>
    tpu.wait_dma2 semaphore(%dma_wait3A_393 : memref<!tpu.dma_semaphore, #tpu.memory_space<semaphore_mem>>) src(%dma_wait3A_400 : memref<128x128xf32, #tpu.memory_space<hbm>>) dst(%dma_wait3A_397 : memref<128x128xf32, #tpu.memory_space<vmem>>)
    %dma_start3A_401 = arith.constant 2 : i32
    %dma_start3A_402 = arith.constant 2 : i32
    %dma_start3A_403 = arith.constant 1 : i32
    %dma_start3A_404 = arith.constant 2 : i32
    %dma_start3A_405 = arith.constant 0 : i32
    %dma_start3A_406 = arith.constant 0 : i32
    %dma_start3A_407 = tpu.memref_slice %arg7[%dma_start3A_401, %dma_start3A_405, %dma_start3A_406] : memref<3x128x128xf32, #tpu.memory_space<vmem>> -> memref<1x128x128xf32, #tpu.memory_space<vmem>>
    %dma_start3A_408 = tpu.memref_squeeze %dma_start3A_407 : memref<1x128x128xf32, #tpu.memory_space<vmem>> -> memref<128x128xf32, #tpu.memory_space<vmem>>
    %dma_start3A_409 = arith.constant 0 : i32
    %dma_start3A_410 = arith.constant 0 : i32
    %dma_start3A_411 = tpu.memref_slice %arg6[%dma_start3A_402, %dma_start3A_409, %dma_start3A_410] : memref<3x2x128xi32, #tpu.memory_space<vmem>> -> memref<1x2x128xi32, #tpu.memory_space<vmem>>
    %dma_start3A_412 = tpu.memref_squeeze %dma_start3A_411 : memref<1x2x128xi32, #tpu.memory_space<vmem>> -> memref<2x128xi32, #tpu.memory_space<vmem>>
    %dma_start3A_413 = arith.constant 0 : i32
    %dma_start3A_414 = tpu.memref_slice %dma_start3A_412[%dma_start3A_403, %dma_start3A_413] : memref<2x128xi32, #tpu.memory_space<vmem>> -> memref<1x128xi32, #tpu.memory_space<vmem>>
    %dma_start3A_415 = tpu.memref_squeeze %dma_start3A_414 : memref<1x128xi32, #tpu.memory_space<vmem>> -> memref<128xi32, #tpu.memory_space<vmem>>
    %dma_start3A_416 = arith.constant 0 : i32
    %dma_start3A_417 = arith.constant 0 : i32
    %dma_start3A_418 = tpu.memref_slice %arg8[%dma_start3A_416, %dma_start3A_417] : memref<10112x128xf32, #tpu.memory_space<vmem_shared>> -> memref<10112x128xf32, #tpu.memory_space<vmem_shared>>
    %dma_start3A_419 = tpu.memref_slice %arg11[%dma_start3A_404] : memref<3x!tpu.dma_semaphore, #tpu.memory_space<semaphore_mem>> -> memref<1x!tpu.dma_semaphore, #tpu.memory_space<semaphore_mem>>
    %dma_start3A_420 = tpu.memref_squeeze %dma_start3A_419 : memref<1x!tpu.dma_semaphore, #tpu.memory_space<semaphore_mem>> -> memref<!tpu.dma_semaphore, #tpu.memory_space<semaphore_mem>>
    tpu.enqueue_indirect_dma source(%dma_start3A_408 : memref<128x128xf32, #tpu.memory_space<vmem>>) target(%dma_start3A_418 : memref<10112x128xf32, #tpu.memory_space<vmem_shared>>) offsets(%dma_start3A_415 : memref<128xi32, #tpu.memory_space<vmem>>) semaphore(%dma_start3A_420 : memref<!tpu.dma_semaphore, #tpu.memory_space<semaphore_mem>>) {add = true}
    %dma_wait3A_421 = arith.constant 2 : i32
    %dma_wait3A_422 = arith.constant 2 : i32
    %dma_wait3A_423 = arith.constant 0 : i32
    %dma_wait3A_424 = arith.constant 0 : i32
    %dma_wait3A_425 = tpu.memref_slice %arg7[%dma_wait3A_421, %dma_wait3A_423, %dma_wait3A_424] : memref<3x128x128xf32, #tpu.memory_space<vmem>> -> memref<1x128x128xf32, #tpu.memory_space<vmem>>
    %dma_wait3A_426 = tpu.memref_squeeze %dma_wait3A_425 : memref<1x128x128xf32, #tpu.memory_space<vmem>> -> memref<128x128xf32, #tpu.memory_space<vmem>>
    %dma_wait3A_427 = arith.constant 0 : i32
    %dma_wait3A_428 = arith.constant 0 : i32
    %dma_wait3A_429 = tpu.memref_slice %arg8[%dma_wait3A_427, %dma_wait3A_428] : memref<10112x128xf32, #tpu.memory_space<vmem_shared>> -> memref<128x128xf32, #tpu.memory_space<vmem_shared>>
    %dma_wait3A_430 = tpu.memref_slice %arg11[%dma_wait3A_422] : memref<3x!tpu.dma_semaphore, #tpu.memory_space<semaphore_mem>> -> memref<1x!tpu.dma_semaphore, #tpu.memory_space<semaphore_mem>>
    %dma_wait3A_431 = tpu.memref_squeeze %dma_wait3A_430 : memref<1x!tpu.dma_semaphore, #tpu.memory_space<semaphore_mem>> -> memref<!tpu.dma_semaphore, #tpu.memory_space<semaphore_mem>>
    %dma_wait3A_432 = arith.constant 0 : i32
    %dma_wait3A_433 = arith.constant 0 : i32
    %dma_wait3A_434 = tpu.memref_slice %arg8[%dma_wait3A_432, %dma_wait3A_433] : memref<10112x128xf32, #tpu.memory_space<vmem_shared>> -> memref<128x128xf32, #tpu.memory_space<vmem_shared>>
    %dma_wait3A_435 = arith.constant 0 : i32
    %dma_wait3A_436 = arith.constant 0 : i32
    %dma_wait3A_437 = tpu.memref_slice %arg7[%dma_wait3A_421, %dma_wait3A_435, %dma_wait3A_436] : memref<3x128x128xf32, #tpu.memory_space<vmem>> -> memref<1x128x128xf32, #tpu.memory_space<vmem>>
    %dma_wait3A_438 = tpu.memref_squeeze %dma_wait3A_437 : memref<1x128x128xf32, #tpu.memory_space<vmem>> -> memref<128x128xf32, #tpu.memory_space<vmem>>
    tpu.wait_dma2 semaphore(%dma_wait3A_431 : memref<!tpu.dma_semaphore, #tpu.memory_space<semaphore_mem>>) src(%dma_wait3A_438 : memref<128x128xf32, #tpu.memory_space<vmem>>) dst(%dma_wait3A_434 : memref<128x128xf32, #tpu.memory_space<vmem_shared>>)
    %dma_wait3A_439 = arith.constant 0 : i32
    %dma_wait3A_440 = arith.constant 0 : i32
    %dma_wait3A_441 = arith.constant 0 : i32
    %dma_wait3A_442 = arith.constant 0 : i32
    %dma_wait3A_443 = tpu.memref_slice %arg7[%dma_wait3A_439, %dma_wait3A_441, %dma_wait3A_442] : memref<3x128x128xf32, #tpu.memory_space<vmem>> -> memref<1x128x128xf32, #tpu.memory_space<vmem>>
    %dma_wait3A_444 = tpu.memref_squeeze %dma_wait3A_443 : memref<1x128x128xf32, #tpu.memory_space<vmem>> -> memref<128x128xf32, #tpu.memory_space<vmem>>
    %dma_wait3A_445 = arith.constant 0 : i32
    %dma_wait3A_446 = arith.constant 0 : i32
    %dma_wait3A_447 = tpu.memref_slice %arg2[%dma_wait3A_445, %dma_wait3A_446] : memref<20000x128xf32, #tpu.memory_space<hbm>> -> memref<128x128xf32, #tpu.memory_space<hbm>>
    %dma_wait3A_448 = tpu.memref_slice %arg10[%dma_wait3A_440] : memref<3x!tpu.dma_semaphore, #tpu.memory_space<semaphore_mem>> -> memref<1x!tpu.dma_semaphore, #tpu.memory_space<semaphore_mem>>
    %dma_wait3A_449 = tpu.memref_squeeze %dma_wait3A_448 : memref<1x!tpu.dma_semaphore, #tpu.memory_space<semaphore_mem>> -> memref<!tpu.dma_semaphore, #tpu.memory_space<semaphore_mem>>
    %dma_wait3A_450 = arith.constant 0 : i32
    %dma_wait3A_451 = arith.constant 0 : i32
    %dma_wait3A_452 = tpu.memref_slice %arg7[%dma_wait3A_439, %dma_wait3A_450, %dma_wait3A_451] : memref<3x128x128xf32, #tpu.memory_space<vmem>> -> memref<1x128x128xf32, #tpu.memory_space<vmem>>
    %dma_wait3A_453 = tpu.memref_squeeze %dma_wait3A_452 : memref<1x128x128xf32, #tpu.memory_space<vmem>> -> memref<128x128xf32, #tpu.memory_space<vmem>>
    %dma_wait3A_454 = arith.constant 0 : i32
    %dma_wait3A_455 = arith.constant 0 : i32
    %dma_wait3A_456 = tpu.memref_slice %arg2[%dma_wait3A_454, %dma_wait3A_455] : memref<20000x128xf32, #tpu.memory_space<hbm>> -> memref<128x128xf32, #tpu.memory_space<hbm>>
    tpu.wait_dma2 semaphore(%dma_wait3A_449 : memref<!tpu.dma_semaphore, #tpu.memory_space<semaphore_mem>>) src(%dma_wait3A_456 : memref<128x128xf32, #tpu.memory_space<hbm>>) dst(%dma_wait3A_453 : memref<128x128xf32, #tpu.memory_space<vmem>>)
    %dma_start3A_457 = arith.constant 0 : i32
    %dma_start3A_458 = arith.constant 0 : i32
    %dma_start3A_459 = arith.constant 1 : i32
    %dma_start3A_460 = arith.constant 0 : i32
    %dma_start3A_461 = arith.constant 0 : i32
    %dma_start3A_462 = arith.constant 0 : i32
    %dma_start3A_463 = tpu.memref_slice %arg7[%dma_start3A_457, %dma_start3A_461, %dma_start3A_462] : memref<3x128x128xf32, #tpu.memory_space<vmem>> -> memref<1x128x128xf32, #tpu.memory_space<vmem>>
    %dma_start3A_464 = tpu.memref_squeeze %dma_start3A_463 : memref<1x128x128xf32, #tpu.memory_space<vmem>> -> memref<128x128xf32, #tpu.memory_space<vmem>>
    %dma_start3A_465 = arith.constant 0 : i32
    %dma_start3A_466 = arith.constant 0 : i32
    %dma_start3A_467 = tpu.memref_slice %arg6[%dma_start3A_458, %dma_start3A_465, %dma_start3A_466] : memref<3x2x128xi32, #tpu.memory_space<vmem>> -> memref<1x2x128xi32, #tpu.memory_space<vmem>>
    %dma_start3A_468 = tpu.memref_squeeze %dma_start3A_467 : memref<1x2x128xi32, #tpu.memory_space<vmem>> -> memref<2x128xi32, #tpu.memory_space<vmem>>
    %dma_start3A_469 = arith.constant 0 : i32
    %dma_start3A_470 = tpu.memref_slice %dma_start3A_468[%dma_start3A_459, %dma_start3A_469] : memref<2x128xi32, #tpu.memory_space<vmem>> -> memref<1x128xi32, #tpu.memory_space<vmem>>
    %dma_start3A_471 = tpu.memref_squeeze %dma_start3A_470 : memref<1x128xi32, #tpu.memory_space<vmem>> -> memref<128xi32, #tpu.memory_space<vmem>>
    %dma_start3A_472 = arith.constant 0 : i32
    %dma_start3A_473 = arith.constant 0 : i32
    %dma_start3A_474 = tpu.memref_slice %arg8[%dma_start3A_472, %dma_start3A_473] : memref<10112x128xf32, #tpu.memory_space<vmem_shared>> -> memref<10112x128xf32, #tpu.memory_space<vmem_shared>>
    %dma_start3A_475 = tpu.memref_slice %arg11[%dma_start3A_460] : memref<3x!tpu.dma_semaphore, #tpu.memory_space<semaphore_mem>> -> memref<1x!tpu.dma_semaphore, #tpu.memory_space<semaphore_mem>>
    %dma_start3A_476 = tpu.memref_squeeze %dma_start3A_475 : memref<1x!tpu.dma_semaphore, #tpu.memory_space<semaphore_mem>> -> memref<!tpu.dma_semaphore, #tpu.memory_space<semaphore_mem>>
    tpu.enqueue_indirect_dma source(%dma_start3A_464 : memref<128x128xf32, #tpu.memory_space<vmem>>) target(%dma_start3A_474 : memref<10112x128xf32, #tpu.memory_space<vmem_shared>>) offsets(%dma_start3A_471 : memref<128xi32, #tpu.memory_space<vmem>>) semaphore(%dma_start3A_476 : memref<!tpu.dma_semaphore, #tpu.memory_space<semaphore_mem>>) {add = true}
    %dma_wait3A_477 = arith.constant 0 : i32
    %dma_wait3A_478 = arith.constant 0 : i32
    %dma_wait3A_479 = arith.constant 0 : i32
    %dma_wait3A_480 = arith.constant 0 : i32
    %dma_wait3A_481 = tpu.memref_slice %arg7[%dma_wait3A_477, %dma_wait3A_479, %dma_wait3A_480] : memref<3x128x128xf32, #tpu.memory_space<vmem>> -> memref<1x128x128xf32, #tpu.memory_space<vmem>>
    %dma_wait3A_482 = tpu.memref_squeeze %dma_wait3A_481 : memref<1x128x128xf32, #tpu.memory_space<vmem>> -> memref<128x128xf32, #tpu.memory_space<vmem>>
    %dma_wait3A_483 = arith.constant 0 : i32
    %dma_wait3A_484 = arith.constant 0 : i32
    %dma_wait3A_485 = tpu.memref_slice %arg8[%dma_wait3A_483, %dma_wait3A_484] : memref<10112x128xf32, #tpu.memory_space<vmem_shared>> -> memref<128x128xf32, #tpu.memory_space<vmem_shared>>
    %dma_wait3A_486 = tpu.memref_slice %arg11[%dma_wait3A_478] : memref<3x!tpu.dma_semaphore, #tpu.memory_space<semaphore_mem>> -> memref<1x!tpu.dma_semaphore, #tpu.memory_space<semaphore_mem>>
    %dma_wait3A_487 = tpu.memref_squeeze %dma_wait3A_486 : memref<1x!tpu.dma_semaphore, #tpu.memory_space<semaphore_mem>> -> memref<!tpu.dma_semaphore, #tpu.memory_space<semaphore_mem>>
    %dma_wait3A_488 = arith.constant 0 : i32
    %dma_wait3A_489 = arith.constant 0 : i32
    %dma_wait3A_490 = tpu.memref_slice %arg8[%dma_wait3A_488, %dma_wait3A_489] : memref<10112x128xf32, #tpu.memory_space<vmem_shared>> -> memref<128x128xf32, #tpu.memory_space<vmem_shared>>
    %dma_wait3A_491 = arith.constant 0 : i32
    %dma_wait3A_492 = arith.constant 0 : i32
    %dma_wait3A_493 = tpu.memref_slice %arg7[%dma_wait3A_477, %dma_wait3A_491, %dma_wait3A_492] : memref<3x128x128xf32, #tpu.memory_space<vmem>> -> memref<1x128x128xf32, #tpu.memory_space<vmem>>
    %dma_wait3A_494 = tpu.memref_squeeze %dma_wait3A_493 : memref<1x128x128xf32, #tpu.memory_space<vmem>> -> memref<128x128xf32, #tpu.memory_space<vmem>>
    tpu.wait_dma2 semaphore(%dma_wait3A_487 : memref<!tpu.dma_semaphore, #tpu.memory_space<semaphore_mem>>) src(%dma_wait3A_494 : memref<128x128xf32, #tpu.memory_space<vmem>>) dst(%dma_wait3A_490 : memref<128x128xf32, #tpu.memory_space<vmem_shared>>)
    %barrier3A_495 = arith.constant 0 : index
    tpu.barrier barrier_id(%barrier3A_495)
    %mul3A_496 = arith.constant 632 : i32
    %mul3A_497 = arith.muli %arg1, %mul3A_496 : i32
    %mul3A_498 = arith.constant 632 : i32
    %mul3A_499 = arith.muli %arg1, %mul3A_498 : i32
    "tpu.region"() ({
      %run_scoped3A = tpu.sem_alloc : memref<!tpu.dma_semaphore, #tpu.memory_space<semaphore_mem>>
      %dma_start3A_500 = arith.constant 0 : i32
      %dma_start3A_501 = arith.constant 0 : i32
      %dma_start3A_502 = tpu.memref_slice %arg5[%arg0, %dma_start3A_500, %dma_start3A_501] : memref<2x10112x128xf32, #tpu.memory_space<hbm>> -> memref<1x10112x128xf32, #tpu.memory_space<hbm>>
      %dma_start3A_503 = tpu.memref_squeeze %dma_start3A_502 : memref<1x10112x128xf32, #tpu.memory_space<hbm>> -> memref<10112x128xf32, #tpu.memory_space<hbm>>
      %dma_start3A_504 = arith.constant 0 : i32
      %dma_start3A_505 = tpu.memref_slice %dma_start3A_503[%mul3A_499, %dma_start3A_504] : memref<10112x128xf32, #tpu.memory_space<hbm>> -> memref<632x128xf32, #tpu.memory_space<hbm>>
      %dma_start3A_506 = arith.constant 0 : i32
      %dma_start3A_507 = tpu.memref_slice %arg8[%mul3A_497, %dma_start3A_506] : memref<10112x128xf32, #tpu.memory_space<vmem_shared>> -> memref<632x128xf32, #tpu.memory_space<vmem_shared>>
      tpu.enqueue_dma source(%dma_start3A_507 : memref<632x128xf32, #tpu.memory_space<vmem_shared>>) target(%dma_start3A_505 : memref<632x128xf32, #tpu.memory_space<hbm>>) target_semaphore(%run_scoped3A : memref<!tpu.dma_semaphore, #tpu.memory_space<semaphore_mem>>)
      %dma_wait3A_508 = arith.constant 0 : i32
      %dma_wait3A_509 = arith.constant 0 : i32
      %dma_wait3A_510 = tpu.memref_slice %arg5[%arg0, %dma_wait3A_508, %dma_wait3A_509] : memref<2x10112x128xf32, #tpu.memory_space<hbm>> -> memref<1x10112x128xf32, #tpu.memory_space<hbm>>
      %dma_wait3A_511 = tpu.memref_squeeze %dma_wait3A_510 : memref<1x10112x128xf32, #tpu.memory_space<hbm>> -> memref<10112x128xf32, #tpu.memory_space<hbm>>
      %dma_wait3A_512 = arith.constant 0 : i32
      %dma_wait3A_513 = tpu.memref_slice %dma_wait3A_511[%mul3A_499, %dma_wait3A_512] : memref<10112x128xf32, #tpu.memory_space<hbm>> -> memref<632x128xf32, #tpu.memory_space<hbm>>
      %dma_wait3A_514 = arith.constant 0 : i32
      %dma_wait3A_515 = tpu.memref_slice %arg8[%mul3A_497, %dma_wait3A_514] : memref<10112x128xf32, #tpu.memory_space<vmem_shared>> -> memref<632x128xf32, #tpu.memory_space<vmem_shared>>
      tpu.wait_dma2 semaphore(%run_scoped3A : memref<!tpu.dma_semaphore, #tpu.memory_space<semaphore_mem>>) src(%dma_wait3A_515 : memref<632x128xf32, #tpu.memory_space<vmem_shared>>) dst(%dma_wait3A_513 : memref<632x128xf32, #tpu.memory_space<hbm>>)
      tpu.yield
    }) : () -> ()
    return
  }
}

module attributes {stable_mosaic.version = 14 : i64} {
  func.func @_mm1_body(%arg0: i32, %arg1: memref<2000x256xf32, #tpu.memory_space<vmem>>, %arg2: memref<256x256xf32, #tpu.memory_space<vmem>>, %arg3: memref<2x2000x128xf32, #tpu.memory_space<vmem>>) attributes {dimension_semantics = [#tpu.dimension_semantics<arbitrary>], iteration_bounds = array<i64: 5>, scalar_prefetch = 0 : i64, scratch_operands = 0 : i64, tpu.core_type = #tpu.core_type<tc>, window_params = [{transform_indices = @transform_0, window_bounds = array<i64: 2000, 256>}, {pipeline_mode = #tpu.pipeline_mode<synchronous>, transform_indices = @transform_1, window_bounds = array<i64: 256, 256>}, {transform_indices = @transform_2, window_bounds = array<i64: 2, 2000, 128>}]} {
    %get3A = arith.constant 0 : index
    %get3A_0 = arith.constant 0 : index
    %get3A_1 = vector.load %arg1[%get3A, %get3A_0] : memref<2000x256xf32, #tpu.memory_space<vmem>>, vector<2000x256xf32>
    %get3A_2 = arith.constant 0 : index
    %get3A_3 = arith.constant 0 : index
    %get3A_4 = vector.load %arg2[%get3A_2, %get3A_3] : memref<256x256xf32, #tpu.memory_space<vmem>>, vector<256x256xf32>
    %dot_general3A = arith.constant dense<0.000000e+00> : vector<2000x256xf32>
    %dot_general3A_5 = tpu.matmul %get3A_1, %get3A_4, %dot_general3A {dimension_numbers = #tpu.dot_dimension_numbers<[1], [0], [0], [1], [0, 0, 1, 1], [], []>, transpose_lhs_hint = false} : vector<2000x256xf32>, vector<256x256xf32>, vector<2000x256xf32> -> vector<2000x256xf32>
    %slice3A = vector.extract_strided_slice %dot_general3A_5 {offsets = [0, 0], sizes = [2000, 128], strides = [1, 1]} : vector<2000x256xf32> to vector<2000x128xf32>
    %swap3A = arith.constant 0 : index
    %swap3A_6 = arith.constant 0 : index
    %swap3A_7 = arith.constant 0 : index
    %swap3A_8 = vector.load %arg3[%swap3A, %swap3A_6, %swap3A_7] : memref<2x2000x128xf32, #tpu.memory_space<vmem>>, vector<1x2000x128xf32>
    %swap3A_9 = vector.shape_cast %swap3A_8 : vector<1x2000x128xf32> to vector<2000x128xf32>
    %swap3A_10 = vector.shape_cast %slice3A : vector<2000x128xf32> to vector<1x2000x128xf32>
    tpu.vector_store %arg3[%swap3A, %swap3A_6, %swap3A_7], %swap3A_10 {strides = array<i32>} : memref<2x2000x128xf32, #tpu.memory_space<vmem>>, vector<1x2000x128xf32>,
    %slice3A_11 = vector.extract_strided_slice %dot_general3A_5 {offsets = [0, 128], sizes = [2000, 128], strides = [1, 1]} : vector<2000x256xf32> to vector<2000x128xf32>
    %swap3A_12 = arith.constant 1 : index
    %swap3A_13 = arith.constant 0 : index
    %swap3A_14 = arith.constant 0 : index
    %swap3A_15 = vector.load %arg3[%swap3A_12, %swap3A_13, %swap3A_14] : memref<2x2000x128xf32, #tpu.memory_space<vmem>>, vector<1x2000x128xf32>
    %swap3A_16 = vector.shape_cast %swap3A_15 : vector<1x2000x128xf32> to vector<2000x128xf32>
    %swap3A_17 = vector.shape_cast %slice3A_11 : vector<2000x128xf32> to vector<1x2000x128xf32>
    tpu.vector_store %arg3[%swap3A_12, %swap3A_13, %swap3A_14], %swap3A_17 {strides = array<i32>} : memref<2x2000x128xf32, #tpu.memory_space<vmem>>, vector<1x2000x128xf32>,
    return
  }
  func.func @transform_0(%arg0: i32) -> (i32, i32) {
    %c0_i32 = arith.constant 0 : i32
    %c0_i32_0 = arith.constant 0 : i32
    return %arg0, %c0_i32 : i32, i32
  }
  func.func @transform_1(%arg0: i32) -> (i32, i32) {
    %c0_i32 = arith.constant 0 : i32
    %c0_i32_0 = arith.constant 0 : i32
    %c0_i32_1 = arith.constant 0 : i32
    return %c0_i32, %c0_i32_0 : i32, i32
  }
  func.func @transform_2(%arg0: i32) -> (i32, i32, i32) {
    %c0_i32 = arith.constant 0 : i32
    %c0_i32_0 = arith.constant 0 : i32
    %c0_i32_1 = arith.constant 0 : i32
    return %c0_i32, %arg0, %c0_i32_0 : i32, i32, i32
  }
}

module attributes {stable_mosaic.version = 14 : i64} {
  func.func @_mid_body(%arg0: i32, %arg1: memref<2x2000x128xf32, #tpu.memory_space<vmem>>, %arg2: memref<1x256xf32, #tpu.memory_space<vmem>>, %arg3: memref<256x256xf32, #tpu.memory_space<vmem>>, %arg4: memref<2x2000x128xf32, #tpu.memory_space<vmem>>) attributes {dimension_semantics = [#tpu.dimension_semantics<arbitrary>], iteration_bounds = array<i64: 5>, scalar_prefetch = 0 : i64, scratch_operands = 0 : i64, tpu.core_type = #tpu.core_type<tc>, window_params = [{transform_indices = @transform_0, window_bounds = array<i64: 2, 2000, 128>}, {pipeline_mode = #tpu.pipeline_mode<synchronous>, transform_indices = @transform_1, window_bounds = array<i64: 1, 256>}, {pipeline_mode = #tpu.pipeline_mode<synchronous>, transform_indices = @transform_2, window_bounds = array<i64: 256, 256>}, {transform_indices = @transform_3, window_bounds = array<i64: 2, 2000, 128>}]} {
    %get3A = arith.constant 0 : index
    %get3A_0 = arith.constant 0 : index
    %get3A_1 = arith.constant 0 : index
    %get3A_2 = vector.load %arg1[%get3A, %get3A_0, %get3A_1] : memref<2x2000x128xf32, #tpu.memory_space<vmem>>, vector<1x2000x128xf32>
    %get3A_3 = vector.shape_cast %get3A_2 : vector<1x2000x128xf32> to vector<2000x128xf32>
    %get3A_4 = arith.constant 1 : index
    %get3A_5 = arith.constant 0 : index
    %get3A_6 = arith.constant 0 : index
    %get3A_7 = vector.load %arg1[%get3A_4, %get3A_5, %get3A_6] : memref<2x2000x128xf32, #tpu.memory_space<vmem>>, vector<1x2000x128xf32>
    %get3A_8 = vector.shape_cast %get3A_7 : vector<1x2000x128xf32> to vector<2000x128xf32>
    %concatenate3A = tpu.concatenate %get3A_3, %get3A_8 in 1 : vector<2000x128xf32>, vector<2000x128xf32> -> vector<2000x256xf32>
    %get3A_9 = arith.constant 0 : index
    %get3A_10 = arith.constant 0 : index
    %get3A_11 = vector.load %arg2[%get3A_9, %get3A_10] : memref<1x256xf32, #tpu.memory_space<vmem>>, vector<1x256xf32>
    %add3A = vector.broadcast %get3A_11 : vector<1x256xf32> to vector<2000x256xf32>
    %add3A_12 = arith.addf %concatenate3A, %add3A : vector<2000x256xf32>
    %max3A = arith.constant 0.000000e+00 : f32
    %max3A_13 = vector.broadcast %max3A : f32 to vector<2000x256xf32>
    %max3A_14 = arith.maximumf %add3A_12, %max3A_13 : vector<2000x256xf32>
    %get3A_15 = arith.constant 0 : index
    %get3A_16 = arith.constant 0 : index
    %get3A_17 = vector.load %arg3[%get3A_15, %get3A_16] : memref<256x256xf32, #tpu.memory_space<vmem>>, vector<256x256xf32>
    %dot_general3A = arith.constant dense<0.000000e+00> : vector<2000x256xf32>
    %dot_general3A_18 = tpu.matmul %max3A_14, %get3A_17, %dot_general3A {dimension_numbers = #tpu.dot_dimension_numbers<[1], [0], [0], [1], [0, 0, 1, 1], [], []>, transpose_lhs_hint = false} : vector<2000x256xf32>, vector<256x256xf32>, vector<2000x256xf32> -> vector<2000x256xf32>
    %slice3A = vector.extract_strided_slice %dot_general3A_18 {offsets = [0, 0], sizes = [2000, 128], strides = [1, 1]} : vector<2000x256xf32> to vector<2000x128xf32>
    %swap3A = arith.constant 0 : index
    %swap3A_19 = arith.constant 0 : index
    %swap3A_20 = arith.constant 0 : index
    %swap3A_21 = vector.load %arg4[%swap3A, %swap3A_19, %swap3A_20] : memref<2x2000x128xf32, #tpu.memory_space<vmem>>, vector<1x2000x128xf32>
    %swap3A_22 = vector.shape_cast %swap3A_21 : vector<1x2000x128xf32> to vector<2000x128xf32>
    %swap3A_23 = vector.shape_cast %slice3A : vector<2000x128xf32> to vector<1x2000x128xf32>
    tpu.vector_store %arg4[%swap3A, %swap3A_19, %swap3A_20], %swap3A_23 {strides = array<i32>} : memref<2x2000x128xf32, #tpu.memory_space<vmem>>, vector<1x2000x128xf32>,
    %slice3A_24 = vector.extract_strided_slice %dot_general3A_18 {offsets = [0, 128], sizes = [2000, 128], strides = [1, 1]} : vector<2000x256xf32> to vector<2000x128xf32>
    %swap3A_25 = arith.constant 1 : index
    %swap3A_26 = arith.constant 0 : index
    %swap3A_27 = arith.constant 0 : index
    %swap3A_28 = vector.load %arg4[%swap3A_25, %swap3A_26, %swap3A_27] : memref<2x2000x128xf32, #tpu.memory_space<vmem>>, vector<1x2000x128xf32>
    %swap3A_29 = vector.shape_cast %swap3A_28 : vector<1x2000x128xf32> to vector<2000x128xf32>
    %swap3A_30 = vector.shape_cast %slice3A_24 : vector<2000x128xf32> to vector<1x2000x128xf32>
    tpu.vector_store %arg4[%swap3A_25, %swap3A_26, %swap3A_27], %swap3A_30 {strides = array<i32>} : memref<2x2000x128xf32, #tpu.memory_space<vmem>>, vector<1x2000x128xf32>,
    return
  }
  func.func @transform_0(%arg0: i32) -> (i32, i32, i32) {
    %c0_i32 = arith.constant 0 : i32
    %c0_i32_0 = arith.constant 0 : i32
    %c0_i32_1 = arith.constant 0 : i32
    return %c0_i32, %arg0, %c0_i32_0 : i32, i32, i32
  }
  func.func @transform_1(%arg0: i32) -> (i32, i32) {
    %c0_i32 = arith.constant 0 : i32
    %c0_i32_0 = arith.constant 0 : i32
    %c0_i32_1 = arith.constant 0 : i32
    return %c0_i32, %c0_i32_0 : i32, i32
  }
  func.func @transform_2(%arg0: i32) -> (i32, i32) {
    %c0_i32 = arith.constant 0 : i32
    %c0_i32_0 = arith.constant 0 : i32
    %c0_i32_1 = arith.constant 0 : i32
    return %c0_i32, %c0_i32_0 : i32, i32
  }
  func.func @transform_3(%arg0: i32) -> (i32, i32, i32) {
    %c0_i32 = arith.constant 0 : i32
    %c0_i32_0 = arith.constant 0 : i32
    %c0_i32_1 = arith.constant 0 : i32
    return %c0_i32, %arg0, %c0_i32_0 : i32, i32, i32
  }
}

module attributes {stable_mosaic.version = 14 : i64} {
  func.func @_ff_body(%arg0: i32, %arg1: memref<2x2000x128xf32, #tpu.memory_space<vmem>>, %arg2: memref<1x256xf32, #tpu.memory_space<vmem>>, %arg3: memref<256x256xf32, #tpu.memory_space<vmem>>, %arg4: memref<1x256xf32, #tpu.memory_space<vmem>>, %arg5: memref<256x256xf32, #tpu.memory_space<vmem>>, %arg6: memref<1x256xf32, #tpu.memory_space<vmem>>, %arg7: memref<256x256xf32, #tpu.memory_space<vmem>>, %arg8: memref<1x256xf32, #tpu.memory_space<vmem>>, %arg9: memref<256x256xf32, #tpu.memory_space<vmem>>, %arg10: memref<1x256xf32, #tpu.memory_space<vmem>>, %arg11: memref<2000x256xf32, #tpu.memory_space<vmem>>) attributes {dimension_semantics = [#tpu.dimension_semantics<arbitrary>], iteration_bounds = array<i64: 5>, scalar_prefetch = 0 : i64, scratch_operands = 0 : i64, tpu.core_type = #tpu.core_type<tc>, window_params = [{transform_indices = @transform_0, window_bounds = array<i64: 2, 2000, 128>}, {pipeline_mode = #tpu.pipeline_mode<synchronous>, transform_indices = @transform_1, window_bounds = array<i64: 1, 256>}, {pipeline_mode = #tpu.pipeline_mode<synchronous>, transform_indices = @transform_2, window_bounds = array<i64: 256, 256>}, {pipeline_mode = #tpu.pipeline_mode<synchronous>, transform_indices = @transform_3, window_bounds = array<i64: 1, 256>}, {pipeline_mode = #tpu.pipeline_mode<synchronous>, transform_indices = @transform_4, window_bounds = array<i64: 256, 256>}, {pipeline_mode = #tpu.pipeline_mode<synchronous>, transform_indices = @transform_5, window_bounds = array<i64: 1, 256>}, {pipeline_mode = #tpu.pipeline_mode<synchronous>, transform_indices = @transform_6, window_bounds = array<i64: 256, 256>}, {pipeline_mode = #tpu.pipeline_mode<synchronous>, transform_indices = @transform_7, window_bounds = array<i64: 1, 256>}, {pipeline_mode = #tpu.pipeline_mode<synchronous>, transform_indices = @transform_8, window_bounds = array<i64: 256, 256>}, {pipeline_mode = #tpu.pipeline_mode<synchronous>, transform_indices = @transform_9, window_bounds = array<i64: 1, 256>}, {transform_indices = @transform_10, window_bounds = array<i64: 2000, 256>}]} {
    %get3A = arith.constant 0 : index
    %get3A_0 = arith.constant 0 : index
    %get3A_1 = arith.constant 0 : index
    %get3A_2 = vector.load %arg1[%get3A, %get3A_0, %get3A_1] : memref<2x2000x128xf32, #tpu.memory_space<vmem>>, vector<1x2000x128xf32>
    %get3A_3 = vector.shape_cast %get3A_2 : vector<1x2000x128xf32> to vector<2000x128xf32>
    %get3A_4 = arith.constant 1 : index
    %get3A_5 = arith.constant 0 : index
    %get3A_6 = arith.constant 0 : index
    %get3A_7 = vector.load %arg1[%get3A_4, %get3A_5, %get3A_6] : memref<2x2000x128xf32, #tpu.memory_space<vmem>>, vector<1x2000x128xf32>
    %get3A_8 = vector.shape_cast %get3A_7 : vector<1x2000x128xf32> to vector<2000x128xf32>
    %concatenate3A = tpu.concatenate %get3A_3, %get3A_8 in 1 : vector<2000x128xf32>, vector<2000x128xf32> -> vector<2000x256xf32>
    %get3A_9 = arith.constant 0 : index
    %get3A_10 = arith.constant 0 : index
    %get3A_11 = vector.load %arg2[%get3A_9, %get3A_10] : memref<1x256xf32, #tpu.memory_space<vmem>>, vector<1x256xf32>
    %add3A = vector.broadcast %get3A_11 : vector<1x256xf32> to vector<2000x256xf32>
    %add3A_12 = arith.addf %concatenate3A, %add3A : vector<2000x256xf32>
    %get3A_13 = arith.constant 0 : index
    %get3A_14 = arith.constant 0 : index
    %get3A_15 = vector.load %arg3[%get3A_13, %get3A_14] : memref<256x256xf32, #tpu.memory_space<vmem>>, vector<256x256xf32>
    %dot_general3A = arith.constant dense<0.000000e+00> : vector<2000x256xf32>
    %dot_general3A_16 = tpu.matmul %add3A_12, %get3A_15, %dot_general3A {dimension_numbers = #tpu.dot_dimension_numbers<[1], [0], [0], [1], [0, 0, 1, 1], [], []>, transpose_lhs_hint = false} : vector<2000x256xf32>, vector<256x256xf32>, vector<2000x256xf32> -> vector<2000x256xf32>
    %get3A_17 = arith.constant 0 : index
    %get3A_18 = arith.constant 0 : index
    %get3A_19 = vector.load %arg4[%get3A_17, %get3A_18] : memref<1x256xf32, #tpu.memory_space<vmem>>, vector<1x256xf32>
    %add3A_20 = vector.broadcast %get3A_19 : vector<1x256xf32> to vector<2000x256xf32>
    %add3A_21 = arith.addf %dot_general3A_16, %add3A_20 : vector<2000x256xf32>
    %max3A = arith.constant 0.000000e+00 : f32
    %max3A_22 = vector.broadcast %max3A : f32 to vector<2000x256xf32>
    %max3A_23 = arith.maximumf %add3A_21, %max3A_22 : vector<2000x256xf32>
    %get3A_24 = arith.constant 0 : index
    %get3A_25 = arith.constant 0 : index
    %get3A_26 = vector.load %arg5[%get3A_24, %get3A_25] : memref<256x256xf32, #tpu.memory_space<vmem>>, vector<256x256xf32>
    %dot_general3A_27 = arith.constant dense<0.000000e+00> : vector<2000x256xf32>
    %dot_general3A_28 = tpu.matmul %max3A_23, %get3A_26, %dot_general3A_27 {dimension_numbers = #tpu.dot_dimension_numbers<[1], [0], [0], [1], [0, 0, 1, 1], [], []>, transpose_lhs_hint = false} : vector<2000x256xf32>, vector<256x256xf32>, vector<2000x256xf32> -> vector<2000x256xf32>
    %get3A_29 = arith.constant 0 : index
    %get3A_30 = arith.constant 0 : index
    %get3A_31 = vector.load %arg6[%get3A_29, %get3A_30] : memref<1x256xf32, #tpu.memory_space<vmem>>, vector<1x256xf32>
    %add3A_32 = vector.broadcast %get3A_31 : vector<1x256xf32> to vector<2000x256xf32>
    %add3A_33 = arith.addf %dot_general3A_28, %add3A_32 : vector<2000x256xf32>
    %max3A_34 = arith.constant 0.000000e+00 : f32
    %max3A_35 = vector.broadcast %max3A_34 : f32 to vector<2000x256xf32>
    %max3A_36 = arith.maximumf %add3A_33, %max3A_35 : vector<2000x256xf32>
    %get3A_37 = arith.constant 0 : index
    %get3A_38 = arith.constant 0 : index
    %get3A_39 = vector.load %arg7[%get3A_37, %get3A_38] : memref<256x256xf32, #tpu.memory_space<vmem>>, vector<256x256xf32>
    %dot_general3A_40 = arith.constant dense<0.000000e+00> : vector<2000x256xf32>
    %dot_general3A_41 = tpu.matmul %max3A_36, %get3A_39, %dot_general3A_40 {dimension_numbers = #tpu.dot_dimension_numbers<[1], [0], [0], [1], [0, 0, 1, 1], [], []>, transpose_lhs_hint = false} : vector<2000x256xf32>, vector<256x256xf32>, vector<2000x256xf32> -> vector<2000x256xf32>
    %get3A_42 = arith.constant 0 : index
    %get3A_43 = arith.constant 0 : index
    %get3A_44 = vector.load %arg8[%get3A_42, %get3A_43] : memref<1x256xf32, #tpu.memory_space<vmem>>, vector<1x256xf32>
    %add3A_45 = vector.broadcast %get3A_44 : vector<1x256xf32> to vector<2000x256xf32>
    %add3A_46 = arith.addf %dot_general3A_41, %add3A_45 : vector<2000x256xf32>
    %max3A_47 = arith.constant 0.000000e+00 : f32
    %max3A_48 = vector.broadcast %max3A_47 : f32 to vector<2000x256xf32>
    %max3A_49 = arith.maximumf %add3A_46, %max3A_48 : vector<2000x256xf32>
    %get3A_50 = arith.constant 0 : index
    %get3A_51 = arith.constant 0 : index
    %get3A_52 = vector.load %arg9[%get3A_50, %get3A_51] : memref<256x256xf32, #tpu.memory_space<vmem>>, vector<256x256xf32>
    %dot_general3A_53 = arith.constant dense<0.000000e+00> : vector<2000x256xf32>
    %dot_general3A_54 = tpu.matmul %add3A_12, %get3A_52, %dot_general3A_53 {dimension_numbers = #tpu.dot_dimension_numbers<[1], [0], [0], [1], [0, 0, 1, 1], [], []>, transpose_lhs_hint = false} : vector<2000x256xf32>, vector<256x256xf32>, vector<2000x256xf32> -> vector<2000x256xf32>
    %add3A_55 = arith.addf %max3A_49, %dot_general3A_54 : vector<2000x256xf32>
    %get3A_56 = arith.constant 0 : index
    %get3A_57 = arith.constant 0 : index
    %get3A_58 = vector.load %arg10[%get3A_56, %get3A_57] : memref<1x256xf32, #tpu.memory_space<vmem>>, vector<1x256xf32>
    %add3A_59 = vector.broadcast %get3A_58 : vector<1x256xf32> to vector<2000x256xf32>
    %add3A_60 = arith.addf %add3A_55, %add3A_59 : vector<2000x256xf32>
    %swap3A = arith.constant 0 : index
    %swap3A_61 = arith.constant 0 : index
    %swap3A_62 = vector.load %arg11[%swap3A, %swap3A_61] : memref<2000x256xf32, #tpu.memory_space<vmem>>, vector<2000x256xf32>
    tpu.vector_store %arg11[%swap3A, %swap3A_61], %add3A_60 {strides = array<i32>} : memref<2000x256xf32, #tpu.memory_space<vmem>>, vector<2000x256xf32>,
    return
  }
  func.func @transform_0(%arg0: i32) -> (i32, i32, i32) {
    %c0_i32 = arith.constant 0 : i32
    %c0_i32_0 = arith.constant 0 : i32
    %c0_i32_1 = arith.constant 0 : i32
    return %c0_i32, %arg0, %c0_i32_0 : i32, i32, i32
  }
  func.func @transform_1(%arg0: i32) -> (i32, i32) {
    %c0_i32 = arith.constant 0 : i32
    %c0_i32_0 = arith.constant 0 : i32
    %c0_i32_1 = arith.constant 0 : i32
    return %c0_i32, %c0_i32_0 : i32, i32
  }
  func.func @transform_2(%arg0: i32) -> (i32, i32) {
    %c0_i32 = arith.constant 0 : i32
    %c0_i32_0 = arith.constant 0 : i32
    %c0_i32_1 = arith.constant 0 : i32
    return %c0_i32, %c0_i32_0 : i32, i32
  }
  func.func @transform_3(%arg0: i32) -> (i32, i32) {
    %c0_i32 = arith.constant 0 : i32
    %c0_i32_0 = arith.constant 0 : i32
    %c0_i32_1 = arith.constant 0 : i32
    return %c0_i32, %c0_i32_0 : i32, i32
  }
  func.func @transform_4(%arg0: i32) -> (i32, i32) {
    %c0_i32 = arith.constant 0 : i32
    %c0_i32_0 = arith.constant 0 : i32
    %c0_i32_1 = arith.constant 0 : i32
    return %c0_i32, %c0_i32_0 : i32, i32
  }
  func.func @transform_5(%arg0: i32) -> (i32, i32) {
    %c0_i32 = arith.constant 0 : i32
    %c0_i32_0 = arith.constant 0 : i32
    %c0_i32_1 = arith.constant 0 : i32
    return %c0_i32, %c0_i32_0 : i32, i32
  }
  func.func @transform_6(%arg0: i32) -> (i32, i32) {
    %c0_i32 = arith.constant 0 : i32
    %c0_i32_0 = arith.constant 0 : i32
    %c0_i32_1 = arith.constant 0 : i32
    return %c0_i32, %c0_i32_0 : i32, i32
  }
  func.func @transform_7(%arg0: i32) -> (i32, i32) {
    %c0_i32 = arith.constant 0 : i32
    %c0_i32_0 = arith.constant 0 : i32
    %c0_i32_1 = arith.constant 0 : i32
    return %c0_i32, %c0_i32_0 : i32, i32
  }
  func.func @transform_8(%arg0: i32) -> (i32, i32) {
    %c0_i32 = arith.constant 0 : i32
    %c0_i32_0 = arith.constant 0 : i32
    %c0_i32_1 = arith.constant 0 : i32
    return %c0_i32, %c0_i32_0 : i32, i32
  }
  func.func @transform_9(%arg0: i32) -> (i32, i32) {
    %c0_i32 = arith.constant 0 : i32
    %c0_i32_0 = arith.constant 0 : i32
    %c0_i32_1 = arith.constant 0 : i32
    return %c0_i32, %c0_i32_0 : i32, i32
  }
  func.func @transform_10(%arg0: i32) -> (i32, i32) {
    %c0_i32 = arith.constant 0 : i32
    %c0_i32_0 = arith.constant 0 : i32
    return %arg0, %c0_i32 : i32, i32
  }
}

</mosaic_0001>

<sc_bundles>
// kernel: kernel.10.cloned.1.call-start
scs
__scs_entry_jumppad:
0x0: {  	(pc) =	sbr.rel $0x88, $3  }
0x1: {  	(tag) =	ssettag $0x0;
	lr =	simm.s32 $0x1  }
0x2: {  	[smem:$0x3F93] =	sst lr;
	_ =	strace $0xD0000000  }
0x3: {  	_ = 	snop  }
0x4: {  	_ = 	snop  }
0x5: {  	_ = 	snop  }
0x6: {  	_ = 	snop  }
0x7: {  	_ = 	snop  }
__scs_overlays_trampoline_lowered:
0x8: {  	[smem:$0x3FA2] =	sst s0  }
0x9: {  	[smem:$0x3FA3] =	sst s1  }
0xa: {  	[smem:$0x3FA4] =	sst s2  }
0xb: {  	[smem:$0x3FA5] =	sst s3  }
0xc: {  	[smem:$0x3FA6] =	sst s4  }
0xd: {  	[smem:$0x3FA7] =	sst s5  }
0xe: {  	[smem:$0x3FA8] =	sst s6  }
0xf: {  	[smem:$0x3FA9] =	sst s7  }
0x10: {  	[smem:$0x3FAA] =	sst s8  }
0x11: {  	[smem:$0x3FAB] =	sst s9;
	s0 =	simm.s32 @!p0 $0x0  }
0x12: {  	s1 =	sld [smem:$0x3F91];
	s0 =	simm.s32 @p0 $0x1  }
0x13: {  	[smem:$0x3FAC] =	sst s0;
	s0 =	simm.s32 @!p1 $0x0  }
0x14: {  	s2 =	sld [smem:$0x3F90];
	s0 =	simm.s32 @p1 $0x1  }
0x15: {  	[smem:$0x3FAD] =	sst s0;
	s0 =	simm.s32 @!p2 $0x0  }
0x16: {  	s3 =	sld [smem:$0x3FDB];
	s0 =	simm.s32 @p2 $0x1  }
0x17: {  	s4 =	simm.s32 $0x1BF5;
	[smem:$0x3FAF] =	sst s0  }
0x18: {  	s0 =	sld [smem:$0x3F92];
	_ =	swait.ge [sflag:s4], $0x0  }
0x19: {  	s7 =	sld [smem:$0x3F93]  }
0x1a: {  	s8 =	sadd.s32 $0xFFFFE003, lr  }
0x1b: {  	s9 =	sadd.s32 $0xFFFFFEF7, lr;
	s5 =	simm.s32 $0xFFFFFFFF;
	p2 =	slt.u32 s8, $0xFFFFF086  }
0x1c: {  	p1 =	slt.u32 s9, $0xF7A;
	s5 =	simm.s32 @!p2 $0x0  }
0x1d: {  	s5 =	simm.s32 @p1 $0x1;
	p0 =	seq.s32 s7, s2  }
0x1e: {  	s7 =	smul.u32 @!p0 $0xF7A, s2;
	p2 =	seq.s32 @!p0 s5, $0x0  }
0x1f: {  	s9 =	smul.u32 $0xF7A, s1;
	s8 =	simm.s32 @!p0 $0x1BF5;
	p2 =	por !p2, p0  }
0x20: {  	[sflag:s8] =	ssyncset.s32 @!p0 $0xFFFFF086;
	s6 =	sadd.s32 @!p0 s3, s7;
	s7 =	simm.s32 @!p0 $0x108  }
0x21: {  	s3 =	sadd.s32 s3, s9;
	s6 =	sadd.s32 @!p0 $0x88, s6;
	s7 =	simm.s32 @p2 $0x1082  }
0x22: {  	[simem:s7], [sflag:s8] =	dma.local @!p0 [hbm:s6], $0xF7A  }
0x23: {  	s9 =	sor.u32 $0xD0000000, s2;
	s6 =	simm.s32 $0x108;
	_ =	swait.ge @!p0 [sflag:s8], $0x0  }
0x24: {  	s3 =	sadd.s32 $0x88, s3;
	s6 =	simm.s32 @!p1 $0x1082;
	[sflag:s4] =	ssyncset.s32 $0xFFFFF086  }
0x25: {  	[simem:s6], [sflag:s4] =	dma.local [hbm:s3], $0xF7A  }
0x26: {  	[smem:$0x3F93] =	sst s1;
	(tag) =	ssettag s2;
	_ =	strace s9  }
0x27: {  	s1 =	sld [smem:$0x3FA3]  }
0x28: {  	s2 =	sld [smem:$0x3FA4]  }
0x29: {  	s4 =	sld [smem:$0x3FA6]  }
0x2a: {  	p0 =	seq.s32 s5, $0x0;
	s5 =	sld [smem:$0x3FA7]  }
0x2b: {  	s6 =	sld [smem:$0x3FA8]  }
0x2c: {  	s7 =	sld [smem:$0x3FA9]  }
0x2d: {  	s3 =	simm.s32 $0x108;
	s8 =	sld [smem:$0x3FAA]  }
0x2e: {  	s3 =	simm.s32 @!p0 $0x1082;
	s9 =	sld [smem:$0x3FAB]  }
0x2f: {  	lr =	sadd.s32 s0, s3;
	s0 =	sld [smem:$0x3FA2]  }
0x30: {  	s3 =	sld [smem:$0x3FA5]  }
0x31: {  	[smem:$0x3FAE] =	sst s10  }
0x32: {  	s10 =	sld [smem:$0x3FAC];
	_ =	sdelay $0x3  }
0x33: {  	p0 =	seq.s32 s10, $0x1;
	s10 =	sld [smem:$0x3FAE];
	_ =	sdelay $0x3  }
0x34: {  	[smem:$0x3FAE] =	sst s10  }
0x35: {  	s10 =	sld [smem:$0x3FAD];
	_ =	sdelay $0x3  }
0x36: {  	p1 =	seq.s32 s10, $0x1;
	s10 =	sld [smem:$0x3FAE];
	_ =	sdelay $0x3  }
0x37: {  	[smem:$0x3FAE] =	sst s10  }
0x38: {  	s10 =	sld [smem:$0x3FAF]  }
0x39: {  	_ = 	snop;
	(pc) =	sbr.ind lr, $3  }
0x3a: {  	_ = 	snop  }
0x3b: {  	_ = 	snop  }
0x3c: {  	p2 =	seq.s32 s10, $0x1;
	s10 =	sld [smem:$0x3FAE]  }
0x3d: {  	_ =	shalt  }
0x3e: {  	_ =	shalt  }
0x3f: {  	_ =	shalt  }
0x40: {  	_ =	shalt  }
0x41: {  	_ =	shalt  }
0x42: {  	_ =	shalt  }
0x43: {  	_ =	shalt  }
0x44: {  	_ =	shalt  }
0x45: {  	_ =	shalt  }
0x46: {  	_ =	shalt  }
0x47: {  	_ =	shalt  }
0x48: {  	_ =	shalt  }
0x49: {  	_ =	shalt  }
0x4a: {  	_ =	shalt  }
0x4b: {  	_ =	shalt  }
0x4c: {  	_ =	shalt  }
0x4d: {  	_ =	shalt  }
0x4e: {  	_ =	shalt  }
0x4f: {  	_ =	shalt  }
0x50: {  	_ =	shalt  }
0x51: {  	_ =	shalt  }
0x52: {  	_ =	shalt  }
0x53: {  	_ =	shalt  }
0x54: {  	_ =	shalt  }
0x55: {  	_ =	shalt  }
0x56: {  	_ =	shalt  }
0x57: {  	_ =	shalt  }
0x58: {  	_ =	shalt  }
0x59: {  	_ =	shalt  }
0x5a: {  	_ =	shalt  }
0x5b: {  	_ =	shalt  }
0x5c: {  	_ =	shalt  }
0x5d: {  	_ =	shalt  }
0x5e: {  	_ =	shalt  }
0x5f: {  	_ =	shalt  }
0x60: {  	_ =	shalt  }
0x61: {  	_ =	shalt  }
0x62: {  	_ =	shalt  }
0x63: {  	_ =	shalt  }
0x64: {  	_ =	shalt  }
0x65: {  	_ =	shalt  }
0x66: {  	_ =	shalt  }
0x67: {  	_ =	shalt  }
0x68: {  	_ =	shalt  }
0x69: {  	_ =	shalt  }
0x6a: {  	_ =	shalt  }
0x6b: {  	_ =	shalt  }
0x6c: {  	_ =	shalt  }
0x6d: {  	_ =	shalt  }
0x6e: {  	_ =	shalt  }
0x6f: {  	_ =	shalt  }
0x70: {  	_ =	shalt  }
0x71: {  	_ =	shalt  }
0x72: {  	_ =	shalt  }
0x73: {  	_ =	shalt  }
0x74: {  	_ =	shalt  }
0x75: {  	_ =	shalt  }
0x76: {  	_ =	shalt  }
0x77: {  	_ =	shalt  }
0x78: {  	_ =	shalt  }
0x79: {  	_ =	shalt  }
0x7a: {  	_ =	shalt  }
0x7b: {  	_ =	shalt  }
0x7c: {  	_ =	shalt  }
0x7d: {  	_ =	shalt  }
0x7e: {  	_ =	shalt  }
0x7f: {  	_ =	shalt  }
0x80: {  	_ =	shalt  }
0x81: {  	_ =	shalt  }
0x82: {  	_ =	shalt  }
0x83: {  	_ =	shalt  }
0x84: {  	_ =	shalt  }
0x85: {  	_ =	shalt  }
0x86: {  	_ =	shalt  }
0x87: {  	_ =	shalt  }
.Lfunc_end0:
.L_simem_size_0:
called_computation.1_lowered:
.L_overlay_start_0:
0x88: {  	s2 =	sld [smem:$0x3FD9]  }
0x89: {  	s3 =	sld [smem:$0x3FFE];
	_ =	sdelay $0x1  }
0x8a: {  	s1 =	srdreg.scid  }
0x8b: {  	s0 =	sand.u32 $0x1, s1  }
0x8c: {  	s17 =	sshll.u32 s0, $0xA;
	s2 =	sadd.s32 s3, s2  }
0x8d: {  	s2 =	sadd.s32 s2, s17  }
0x8e: {  	[smem:$0x3FBA] =	sst s2  }
0x8f: {  	_ = 	snop  }
0x90: {  	s2 =	sld [smem:$0x3FD0];
	(tm) =	ssettm $0x1  }
0x91: {  	s18 =	sld [smem:$0x3FFB];
	_ =	sdelay $0x3  }
0x92: {  	_ =	strace s18  }
0x93: {  	s3 =	sld [smem:$0x3FFC];
	_ =	sdelay $0x3  }
0x94: {  	_ =	strace s3  }
0x95: {  	s3 =	sld [smem:$0x3FFD];
	_ =	sdelay $0x3  }
0x96: {  	_ =	strace s3  }
0x97: {  	_ =	strace $0x8FFFFFFF  }
0x98: {  	s19 =	sld [smem:$0x3FDB];
	_ =	sdelay $0x1  }
0x99: {  	s4 =	simm.s32 $_scs_section_size  }
0x9a: {  	s5 =	simm.s32 $_size__tile_overlayer_lowered;
	s6 =	simm.s32 $_tile_overlayer_lowered  }
0x9b: {  	s22 =	simm.s32 $0x1BFF;
	s21 =	sshll.u32 s6, $0x1;
	s3 =	sadd.s32 s4, s19  }
0x9c: {  	s7 =	simm.s32 $0x0;
	s20 =	sshll.u32 s5, $0x1;
	s5 =	sadd.s32 s21, s3  }
0x9d: {  	[timem:s7], [sflag:s22] =	dma.local [hbm:s5], s20  }
0x9e: {  	_ =	swait.ge [sflag:s22], s20  }
0x9f: {  	s4 =	ssub.s32 $0x0, s20;
	[sflag:s22] =	ssyncset.done $0x0  }
0xa0: {  	[sflag:s22] =	ssyncadd.s32 s4;
	_ =	sdelay $0x1  }
0xa1: {  	s23 =	simm.s32 $0x1B8B  }
0xa2: {  	_ =	swait.ge [sflag:s23], $0x1  }
0xa3: {  	[sflag:s23] =	ssyncset.done $0x0  }
0xa4: {  	s25 =	simm.s32 $0x1B8E;
	s24 =	sld [smem:$0x3FFE];
	[sflag:s23] =	ssyncadd.s32 $0xFFFFFFFF  }
0xa5: {  	s26 =	simm.s32 $execute0_lowered;
	[smem:$0x3FD2] =	sst s25  }
0xa6: {  	s5 =	sshll.u32 s26, $0x1;
	_ =	strace $0x80000049;
	[dreg:$0x1] =	wrdreg $0xFFFFFFFF  }
0xa7: {  	s28 =	simm.s32 $_size_execute0_lowered;
	s3 =	sadd.s32 s3, s5;
	[dreg:$0x0] =	wrdreg $0x0  }
0xa8: {  	s5 =	sshll.u32 s28, $0x1;
	[dreg:$0x2] =	wrdreg s3  }
0xa9: {  	[dreg:$0x3] =	wrdreg s5  }
0xaa: {  	[dreg:$0x4] =	wrdreg $0xC0  }
0xab: {  	_ =	task [dreg:s7], $0x5FFFF  }
0xac: {  	[dreg:$0x1] =	wrdreg $0xFFFFFFFF  }
0xad: {  	[dreg:$0x0] =	wrdreg $0x60  }
0xae: {  	[dreg:$0x2] =	wrdreg s2  }
0xaf: {  	[dreg:$0x3] =	wrdreg s24  }
0xb0: {  	[dreg:$0x4] =	wrdreg $0xC3000  }
0xb1: {  	[dreg:$0x5] =	wrdreg $0x9  }
0xb2: {  	_ =	task.clear_ibuf [dreg:s7], $0x6FFFF;
	_ =	strace $0x90000049  }
0xb3: {  	s29 =	simm.s32 $0x9;
	_ =	strace $0x8000004B  }
0xb4: {  	_ =	swait.ge [sflag:s29], $0x1  }
0xb5: {  	[sflag:s29] =	ssyncadd.s32 $0xFFFFFFFF  }
0xb6: {  	_ =	strace $0x9000004B  }
0xb7: {  	_ =	sfence  }
0xb8: {  	s30 =	sld [smem:$0x0];
	_ =	sdelay $0x2  }
0xb9: {  	s31 =	sshll.u32 s1, $0xD;
	s1 =	sshrl.u32 s1, $0x2  }
0xba: {  	s3 =	sand.u32 $0x4000, s31;
	s1 =	sadd.s32 s1, s30  }
0xbb: {  	s0 =	sor.u32 s3, s0;
	s1 =	sshll.u32 s1, $0x11  }
0xbc: {  	s0 =	sor.u32 s1, s0  }
0xbd: {  	s0 =	sadd.s32 $0x8F2B, s0  }
0xbe: {  	[sflag:s0] =	ssyncadd.remote.s32 $0x1  }
0xbf: {  	_ =	sfence.sel $0xFFFF  }
0xc0: {  	[dreg:$0x0] =	wrdreg $0xFFFFFFFF;
	(pc) =	sbr.abs _section_cstart, $3  }
0xc1: {  	[dreg:$0x1] =	wrdreg $0xFFFFFFFF  }
0xc2: {  	_ =	task.clear_ibuf [dreg:s7], $0x2FFFF;
	_ =	strace $0x9FFFFFFF  }
0xc3: {  	(tm) =	ssettm $0x7FFFFFFF  }
tec
execute0_lowered:
.L_overlay_start_1:
0x0: {  	(tag) =	ssettag $0x1  }
0x1: {  	s1 =	rddreg [dreg:$0x0]  }
0x2: {  	s0 =	rddreg [dreg:$0x1]  }
0x3: {  	s2 =	rddreg [dreg:$0x2];
	s4 =	srdreg.scid;
	s3 =	simm.s32 $0x0  }
0x4: {  	s9 =	stileid.u32;
	s13 =	simm.s32 $0x1;
	s14 =	simm.s32 $0x80  }
0x5: {  	s15 =	simm.s32 $0x300;
	s16 =	simm.s32 $0xA;
	s19 =	simm.s32 $0x2  }
0x6: {  	s21 =	simm.s32 $0x4;
	s29 =	simm.s32 $0x9;
	s30 =	simm.s32 $0x7  }
0x7: {  	s31 =	simm.s32 $0xB;
	s4 =	sand.u32 $0x1, s4;
	s7 =	smul.u32 $0x4F000, s9  }
0x8: {  	[smem:$0x7FF] =	sst s3;
	s8 =	sadd.s32 $0x16200, s0;
	s25 =	smul.u32 $0x9E0, s9  }
0x9: {  	s24 =	sshll.u32 s9, $0x6;
	s5 =	smul.u32 $0x9E00, s4;
	_ =	strace $0x8000004A  }
0xa: {  	s6 =	smul.u32 $0x27800, s4;
	s4 =	ssub.s32 $0x2, s4;
	[dreg:$0x4] =	wrdreg s8  }
0xb: {  	s18 =	smul.u32 $0x2780, s9;
	[dreg:$0x5] =	wrdreg s24;
	s23 =	sshrl.u32 s4, $0x1  }
0xc: {  	s7 =	sshrl.u32 s7, $0x2;
	s5 =	sadd.s32 s5, s0;
	s0 =	sadd.s32 s6, s0  }
0xd: {  	s4 =	ssub.s32 s4, s23;
	s7 =	sadd.s32 s7, s2;
	s6 =	sor.u32 $0x1C0A, s24  }
0xe: {  	[dreg:$0x6] =	wrdreg s6;
	s5 =	sadd.s32 $0x2600, s5;
	s4 =	smax.u32 s4, $0x1  }
0xf: {  	s0 =	sadd.s32 $0x18A00, s0;
	[dreg:$0x7] =	wrdreg s4;
	s26 =	sadd.s32 s25, s5  }
0x10: {  	s23 =	simm.s32 $0x8;
	s0 =	sadd.s32 s18, s0;
	[dreg:$0x8] =	wrdreg s26  }
0x11: {  	s9 =	sshrl.u32 s7, $0x3;
	s5 =	sadd.s32 $0x20, s26;
	[dreg:$0xb] =	wrdreg s0  }
0x12: {  	s25 =	simm.s32 $0x6;
	s28 =	sadd.s32 $0x40, s26;
	[dreg:$0x9] =	wrdreg s5  }
0x13: {  	s22 =	sadd.s32 $0x60, s26;
	s0 =	simm.s32 $0x0;
	[dreg:$0xa] =	wrdreg s28  }
.LBB2_1:
0x14: {  	s4 =	rddreg [dreg:$0x4]  }
0x15: {  	s5 =	rddreg [dreg:$0x6]  }
0x16: {  	[spmem:s9], [sflag:s5] =	dma.local [hbm:s4], $0x2780  }
0x17: {  	s4 =	rddreg [dreg:$0x8]  }
0x18: {  	[tilespmem:s3], [sflag:$0x1] =	stream.linear.gather [hbm4b:s4+s3], $0x100, $0x38;
	[tilespmem:$0x1FF00] =	vst v63  }
0x19: {  	s26 =	simm.s32 $0x100;
	s24 =	rddreg [dreg:$0x9]  }
0x1a: {  	[tilespmem:s26], [sflag:$0x2] =	stream.linear.gather [hbm4b:s24+s3], $0x100, $0x38;
	[tilespmem:$0x1FF00] =	vst v63  }
0x1b: {  	_ =	swait.ge [sflag:s13], $0x100  }
0x1c: {  	s11 =	simm.s32 $0x3;
	[sflag:s13] =	ssyncset.done $0x0  }
0x1d: {  	s5 =	smul.u32 $0xAB, s11;
	[sflag:s13] =	ssyncadd.s32 $0xFFFFFF00  }
0x1e: {  	[tilespmem:s15], [sflag:$0x4] =	stream.indirect.gather [hbm4b:s1+s14], $0x80, s3, s14, $0xb8;
	[tilespmem:$0x1FF00] =	vst v63  }
0x1f: {  	s5 =	sshrl.u32 s5, $0x9;
	_ =	swait.ge [sflag:s16], $0x2780  }
0x20: {  	s6 =	simm.s32 $0x200;
	s5 =	sand.u32 $0x7F, s5;
	[sflag:s16] =	ssyncset.done $0x0  }
0x21: {  	s8 =	simm.s32 $0x4300;
	s5 =	smul.u32 $0x3, s5;
	[sflag:s16] =	ssyncadd.s32 $0xFFFFD880  }
0x22: {  	s10 =	simm.s32 $0x2;
	s12 =	simm.s32 $0x1;
	[bflag:$0x0] =	sbarrier.arrive $0xFFFF  }
0x23: {  	s4 =	smul.u32 $0x56, s10;
	s5 =	ssub.s32 $0x3, s5;
	s7 =	rddreg [dreg:$0xa]  }
0x24: {  	[tilespmem:s6], [sflag:$0x3] =	stream.linear.gather [hbm4b:s7+s3], $0x100, $0x38;
	[tilespmem:$0x1FF00] =	vst v63  }
0x25: {  	s5 =	sand.u32 $0xFF, s5;
	s7 =	sshrl.u32 s4, $0x1F;
	s4 =	sshrl.u32 s4, $0x8  }
0x26: {  	_ =	swait.ge [sflag:s19], $0x100;
	s4 =	sadd.s32 s7, s4;
	s7 =	smul.u32 $0x56, s12  }
0x27: {  	s17 =	sshll.u32 s5, $0x8;
	[sflag:s19] =	ssyncset.done $0x0;
	s4 =	smul.u32 $0x3, s4  }
0x28: {  	[sflag:s19] =	ssyncadd.s32 $0xFFFFFF00;
	s18 =	sshrl.u32 s7, $0x8;
	s7 =	sshrl.u32 s7, $0x1F  }
0x29: {  	[tilespmem:s8], [sflag:$0x5] =	stream.indirect.gather [hbm4b:s1+s14], $0x80, s26, s14, $0xb8;
	[tilespmem:$0x1FF00] =	vst v63  }
0x2a: {  	s4 =	ssub.s32 $0x2, s4;
	s8 =	sadd.s32 $0x7, s5;
	s7 =	sadd.s32 s7, s18  }
0x2b: {  	s5 =	sadd.s32 $0x1, s5;
	s18 =	sadd.s32 $0x20, s22;
	_ =	swait.ge [sflag:s21], $0x4000  }
0x2c: {  	s4 =	sshll.u32 s4, $0x18;
	s7 =	smul.u32 $0x3, s7;
	[sflag:s21] =	ssyncset.done $0x0  }
0x2d: {  	s26 =	sshra.s32 s4, $0x18;
	s4 =	simm.s32 $0x4;
	[sflag:s21] =	ssyncadd.s32 $0xFFFFC000  }
0x2e: {  	[spmem:s2] =	stream.indirect.scatter.add.f32 [tilespmem:s15], [sflag:$0x7], $0x80, s14, s14, $0xb8;
	[tilespmem:$0x1FF00] =	vst v63  }
0x2f: {  	p0 =	slt.s32 s26, $0x0;
	s20 =	sadd.s32 $0x3, s26;
	_ =	swait.ge [sflag:s8], $0x4000  }
0x30: {  	s24 =	ssub.s32 $0x1, s7;
	s26 =	smov.u32 @p0 s20;
	[sflag:s8] =	ssyncset.done $0x0  }
0x31: {  	s28 =	sadd.s32 $0x1, s26;
	s20 =	sshll.u32 s26, $0x10;
	[sflag:s8] =	ssyncadd.s32 $0xFFFFC000  }
0x32: {  	[tilespmem:s17], [sflag:s5] =	stream.linear.gather [hbm4b:s22+s3], $0x100, $0x38;
	[tilespmem:$0x1FF00] =	vst v63  }
0x33: {  	s7 =	sshra.s32 s20, $0x2;
	s8 =	sshll.u32 s24, $0x18;
	s5 =	sadd.s32 $0x4, s26  }
.LBB2_2:
0x34: {  	s26 =	sshll.u32 s26, $0xA;
	_ =	swait.ge [sflag:s28], $0x100  }
0x35: {  	s8 =	sshra.s32 s8, $0x18;
	s12 =	smov.u32 s4;
	s20 =	smov.u32 s18  }
0x36: {  	[sflag:s28] =	ssyncset.done $0x0;
	p1 =	slt.s32 s8, $0x0;
	s6 =	sadd.s32 $0x3, s8  }
0x37: {  	s7 =	sor.u32 $0x300, s7;
	s26 =	sshra.s32 s26, $0x2;
	[sflag:s28] =	ssyncadd.s32 $0xFFFFFF00  }
0x38: {  	[tilespmem:s7], [sflag:s5] =	stream.indirect.gather [hbm4b:s1+s14], $0x80, s26, s14, $0xb8;
	[tilespmem:$0x1FF00] =	vst v63  }
0x39: {  	p0 =	sne.s32 s4, $0x4E;
	s8 =	smov.u32 @p1 s6;
	s5 =	sadd.s32 $0xFFFFFFFF, s4  }
0x3a: {  	s7 =	sshll.u32 s8, $0x10;
	s26 =	sshll.u32 s8, $0xA;
	s6 =	sshll.u32 s5, $0x18  }
0x3b: {  	s28 =	smul.u32 $0xAB, s4;
	s7 =	sshra.s32 s7, $0x2;
	s6 =	sshra.s32 s6, $0x18  }
0x3c: {  	s4 =	sadd.s32 $0x1, s4;
	s11 =	sshra.s32 s26, $0x2;
	s6 =	smul.u32 $0x56, s6  }
0x3d: {  	s26 =	sshrl.u32 s28, $0x9;
	s28 =	sadd.s32 $0x4, s8  }
0x3e: {  	s17 =	sshrl.u32 s6, $0x1F;
	s6 =	sshrl.u32 s6, $0x8;
	_ =	swait.ge [sflag:s28], $0x4000  }
0x3f: {  	s6 =	sadd.s32 s17, s6;
	[sflag:s28] =	ssyncset.done $0x0  }
0x40: {  	s17 =	sadd.s32 $0xFFFFFFFE, s12;
	[sflag:s28] =	ssyncadd.s32 $0xFFFFC000  }
0x41: {  	s26 =	sand.u32 $0x7F, s26;
	s6 =	smul.u32 $0x3, s6  }
0x42: {  	s8 =	sadd.s32 $0x7, s8;
	s26 =	smul.u32 $0x3, s26;
	s28 =	sshll.u32 s17, $0x18  }
0x43: {  	s7 =	sor.u32 $0x300, s7;
	s5 =	ssub.s32 s5, s6;
	s6 =	sshra.s32 s28, $0x18  }
0x44: {  	s12 =	ssub.s32 s12, s26;
	s5 =	sshll.u32 s5, $0x18;
	s6 =	smul.u32 $0x56, s6  }
0x45: {  	s12 =	sand.u32 $0xFF, s12;
	s26 =	sshra.s32 s5, $0x18;
	s5 =	sor.u32 $0x80, s11  }
0x46: {  	s11 =	sadd.s32 $0x7, s12;
	p1 =	slt.s32 s26, $0x0;
	s28 =	sshrl.u32 s6, $0x8  }
0x47: {  	s24 =	sadd.s32 $0x3, s26;
	s6 =	sshrl.u32 s6, $0x1F  }
0x48: {  	[spmem:s2] =	stream.indirect.scatter.add.f32 [tilespmem:s7], [sflag:s8], $0x80, s5, s14, $0xb8;
	[tilespmem:$0x1FF00] =	vst v63  }
0x49: {  	s5 =	sadd.s32 s6, s28  }
0x4a: {  	s10 =	sshll.u32 s12, $0x8;
	s26 =	smov.u32 @p1 s24;
	s6 =	smul.u32 $0x3, s5  }
.Ltmp0:
0x4b: {  	s28 =	sadd.s32 $0x1, s26;
	_ =	swait.ge [sflag:s11], $0x4000;
	(pc) =	sbr.rel @p0 .LBB2_2-.Ltmp0, $4  }
0x4c: {  	s18 =	sadd.s32 $0x20, s18;
	s5 =	sadd.s32 $0x4, s26;
	[sflag:s11] =	ssyncset.done $0x0  }
0x4d: {  	s7 =	sshll.u32 s26, $0x10;
	s6 =	ssub.s32 s17, s6;
	[sflag:s11] =	ssyncadd.s32 $0xFFFFC000  }
0x4e: {  	s7 =	sshra.s32 s7, $0x2;
	s11 =	sadd.s32 $0x1, s12;
	s8 =	sshll.u32 s6, $0x18  }
0x4f: {  	[tilespmem:s10], [sflag:s11] =	stream.linear.gather [hbm4b:s20+s3], $0x100, $0x38;
	[tilespmem:$0x1FF00] =	vst v63  }
0x50: {  	s4 =	sshll.u32 s26, $0xA  }
0x51: {  	_ =	swait.ge [sflag:s28], $0x100;
	s6 =	sshra.s32 s8, $0x18;
	s7 =	sor.u32 $0x300, s7  }
0x52: {  	[sflag:s28] =	ssyncset.done $0x0;
	p0 =	slt.s32 s6, $0x0;
	s8 =	sadd.s32 $0x3, s6  }
0x53: {  	s4 =	sshra.s32 s4, $0x2;
	[sflag:s28] =	ssyncadd.s32 $0xFFFFFF00;
	s6 =	smov.u32 @p0 s8  }
0x54: {  	[tilespmem:s7], [sflag:s5] =	stream.indirect.gather [hbm4b:s1+s14], $0x80, s4, s14, $0xb8;
	[tilespmem:$0x1FF00] =	vst v63  }
0x55: {  	s8 =	sadd.s32 $0x4, s6;
	s10 =	sshll.u32 s6, $0x10  }
0x56: {  	s11 =	sshll.u32 s6, $0xA;
	s12 =	sadd.s32 $0x7, s6;
	_ =	swait.ge [sflag:s8], $0x4000  }
0x57: {  	s5 =	sshra.s32 s10, $0x2;
	s7 =	sshra.s32 s11, $0x2;
	[sflag:s8] =	ssyncset.done $0x0  }
0x58: {  	s5 =	sor.u32 $0x300, s5;
	s17 =	sor.u32 $0x80, s7;
	[sflag:s8] =	ssyncadd.s32 $0xFFFFC000  }
0x59: {  	[spmem:s2] =	stream.indirect.scatter.add.f32 [tilespmem:s5], [sflag:s12], $0x80, s17, s14, $0xb8;
	[tilespmem:$0x1FF00] =	vst v63  }
0x5a: {  	_ =	swait.ge [sflag:s23], $0x4000  }
0x5b: {  	[sflag:s23] =	ssyncset.done $0x0  }
0x5c: {  	[sflag:s23] =	ssyncadd.s32 $0xFFFFC000  }
0x5d: {  	_ =	swait.ge [sflag:s13], $0x100  }
0x5e: {  	[sflag:s13] =	ssyncset.done $0x0  }
0x5f: {  	[sflag:s13] =	ssyncadd.s32 $0xFFFFFF00  }
0x60: {  	[tilespmem:s15], [sflag:$0x4] =	stream.indirect.gather [hbm4b:s1+s14], $0x80, s3, s14, $0xb8;
	[tilespmem:$0x1FF00] =	vst v63  }
0x61: {  	_ =	swait.ge [sflag:s25], $0x4000  }
0x62: {  	[sflag:s25] =	ssyncset.done $0x0  }
0x63: {  	s18 =	simm.s32 $0x280;
	s20 =	simm.s32 $0x8300;
	[sflag:s25] =	ssyncadd.s32 $0xFFFFC000  }
0x64: {  	[spmem:s2] =	stream.indirect.scatter.add.f32 [tilespmem:s20], [sflag:$0x9], $0x80, s18, s14, $0xb8;
	[tilespmem:$0x1FF00] =	vst v63  }
0x65: {  	_ =	swait.ge [sflag:s29], $0x4000  }
0x66: {  	[sflag:s29] =	ssyncset.done $0x0  }
0x67: {  	[sflag:s29] =	ssyncadd.s32 $0xFFFFC000  }
0x68: {  	_ =	swait.ge [sflag:s21], $0x4000  }
0x69: {  	[sflag:s21] =	ssyncset.done $0x0  }
0x6a: {  	[sflag:s21] =	ssyncadd.s32 $0xFFFFC000  }
0x6b: {  	[spmem:s2] =	stream.indirect.scatter.add.f32 [tilespmem:s15], [sflag:$0x7], $0x80, s14, s14, $0xb8;
	[tilespmem:$0x1FF00] =	vst v63  }
0x6c: {  	_ =	swait.ge [sflag:s30], $0x4000  }
0x6d: {  	[sflag:s30] =	ssyncset.done $0x0  }
0x6e: {  	[sflag:s30] =	ssyncadd.s32 $0xFFFFC000  }
0x6f: {  	[bflag:$0x0] =	sbarrier.arrive $0xFFFF  }
0x70: {  	s24 =	rddreg [dreg:$0x5]  }
0x71: {  	s26 =	rddreg [dreg:$0xb];
	s4 =	sor.u32 $0x1C0B, s24  }
0x72: {  	[hbm:s26], [sflag:s4] =	dma.local [spmem:s9], $0x2780  }
0x73: {  	_ =	swait.ge [sflag:s31], $0x2780  }
0x74: {  	s0 =	sadd.s32 $0x1, s0;
	s28 =	rddreg [dreg:$0x7]  }
0x75: {  	p0 =	sne.s32 s0, s28  }
.Ltmp1:
0x76: {  	_ = 	snop;
	(pc) =	sbr.rel @p0 .LBB2_1-.Ltmp1, $3  }
0x77: {  	_ =	sdelay $0x1  }
0x78: {  	[sflag:s31] =	ssyncset.done $0x0  }
0x79: {  	[sflag:s31] =	ssyncadd.s32 $0xFFFFD880  }
0x7a: {  	_ =	sfence.sel $0x180000  }
0x7b: {  	[bflag:$0x0] =	sbarrier.arrive $0xFFFF  }
0x7c: {  	_ =	strace $0x9000004A  }
0x7d: {  	s0 =	stileid.u32;
	[bflag:$0x2] =	sbarrier.arrive $0xFFFF  }
0x7e: {  	p0 =	sne.s32 s0, $0x0;
	s0 =	rddreg [dreg:$0x3]  }
0x7f: {  	s0 =	sadd.s32 @!p0 $0x100000, s0  }
0x80: {  	[sflag:s0] =	ssyncadd.tile.s32 @!p0 $0x1;
	_ =	shalt  }
.Lfunc_end2:
_tile_overlayer_lowered:
.L_overlay_start_2:
0x81: {  	(tag) =	ssettag $0x2  }
0x82: {  	s0 =	rddreg [dreg:$0x0];
	s2 =	stileid.u32  }
0x83: {  	s1 =	rddreg [dreg:$0x1];
	p0 =	sne.s32 s2, $0x0  }
0x84: {  	s3 =	rddreg [dreg:$0x2];
	[bflag:$0x3] =	sbarrier.arrive $0xFFFF;
	s2 =	simm.s32 @!p0 $0x1C0B  }
0x85: {  	[timem:s3], [sflag:s2] =	dma.local @!p0 [hbm:s0], s1  }
0x86: {  	s0 =	simm.s32 @!p0 $0xB  }
0x87: {  	_ =	swait.ge @!p0 [sflag:s0], s1  }
0x88: {  	s1 =	ssub.s32 @!p0 $0x0, s1;
	[sflag:s0] =	ssyncset.done @!p0 $0x0  }
0x89: {  	[sflag:s0] =	ssyncadd.s32 @!p0 s1  }
0x8a: {  	[bflag:$0x3] =	sbarrier.arrive $0xFFFF  }
0x8b: {  	_ =	shalt  }

// kernel: kernel.7.cloned.1.call-start
scs
__scs_entry_jumppad:
0x0: {  	(pc) =	sbr.rel $0x88, $3  }
0x1: {  	(tag) =	ssettag $0x0;
	lr =	simm.s32 $0x1  }
0x2: {  	[smem:$0x3F93] =	sst lr;
	_ =	strace $0xD0000000  }
0x3: {  	_ = 	snop  }
0x4: {  	_ = 	snop  }
0x5: {  	_ = 	snop  }
0x6: {  	_ = 	snop  }
0x7: {  	_ = 	snop  }
__scs_overlays_trampoline_lowered:
0x8: {  	[smem:$0x3FA2] =	sst s0  }
0x9: {  	[smem:$0x3FA3] =	sst s1  }
0xa: {  	[smem:$0x3FA4] =	sst s2  }
0xb: {  	[smem:$0x3FA5] =	sst s3  }
0xc: {  	[smem:$0x3FA6] =	sst s4  }
0xd: {  	[smem:$0x3FA7] =	sst s5  }
0xe: {  	[smem:$0x3FA8] =	sst s6  }
0xf: {  	[smem:$0x3FA9] =	sst s7  }
0x10: {  	[smem:$0x3FAA] =	sst s8  }
0x11: {  	[smem:$0x3FAB] =	sst s9;
	s0 =	simm.s32 @!p0 $0x0  }
0x12: {  	s1 =	sld [smem:$0x3F91];
	s0 =	simm.s32 @p0 $0x1  }
0x13: {  	[smem:$0x3FAC] =	sst s0;
	s0 =	simm.s32 @!p1 $0x0  }
0x14: {  	s2 =	sld [smem:$0x3F90];
	s0 =	simm.s32 @p1 $0x1  }
0x15: {  	[smem:$0x3FAD] =	sst s0;
	s0 =	simm.s32 @!p2 $0x0  }
0x16: {  	s3 =	sld [smem:$0x3FDB];
	s0 =	simm.s32 @p2 $0x1  }
0x17: {  	s4 =	simm.s32 $0x1BF5;
	[smem:$0x3FAF] =	sst s0  }
0x18: {  	s0 =	sld [smem:$0x3F92];
	_ =	swait.ge [sflag:s4], $0x0  }
0x19: {  	s7 =	sld [smem:$0x3F93]  }
0x1a: {  	s8 =	sadd.s32 $0xFFFFE003, lr  }
0x1b: {  	s9 =	sadd.s32 $0xFFFFFEF7, lr;
	s5 =	simm.s32 $0xFFFFFFFF;
	p2 =	slt.u32 s8, $0xFFFFF086  }
0x1c: {  	p1 =	slt.u32 s9, $0xF7A;
	s5 =	simm.s32 @!p2 $0x0  }
0x1d: {  	s5 =	simm.s32 @p1 $0x1;
	p0 =	seq.s32 s7, s2  }
0x1e: {  	s7 =	smul.u32 @!p0 $0xF7A, s2;
	p2 =	seq.s32 @!p0 s5, $0x0  }
0x1f: {  	s9 =	smul.u32 $0xF7A, s1;
	s8 =	simm.s32 @!p0 $0x1BF5;
	p2 =	por !p2, p0  }
0x20: {  	[sflag:s8] =	ssyncset.s32 @!p0 $0xFFFFF086;
	s6 =	sadd.s32 @!p0 s3, s7;
	s7 =	simm.s32 @!p0 $0x108  }
0x21: {  	s3 =	sadd.s32 s3, s9;
	s6 =	sadd.s32 @!p0 $0x88, s6;
	s7 =	simm.s32 @p2 $0x1082  }
0x22: {  	[simem:s7], [sflag:s8] =	dma.local @!p0 [hbm:s6], $0xF7A  }
0x23: {  	s9 =	sor.u32 $0xD0000000, s2;
	s6 =	simm.s32 $0x108;
	_ =	swait.ge @!p0 [sflag:s8], $0x0  }
0x24: {  	s3 =	sadd.s32 $0x88, s3;
	s6 =	simm.s32 @!p1 $0x1082;
	[sflag:s4] =	ssyncset.s32 $0xFFFFF086  }
0x25: {  	[simem:s6], [sflag:s4] =	dma.local [hbm:s3], $0xF7A  }
0x26: {  	[smem:$0x3F93] =	sst s1;
	(tag) =	ssettag s2;
	_ =	strace s9  }
0x27: {  	s1 =	sld [smem:$0x3FA3]  }
0x28: {  	s2 =	sld [smem:$0x3FA4]  }
0x29: {  	s4 =	sld [smem:$0x3FA6]  }
0x2a: {  	p0 =	seq.s32 s5, $0x0;
	s5 =	sld [smem:$0x3FA7]  }
0x2b: {  	s6 =	sld [smem:$0x3FA8]  }
0x2c: {  	s7 =	sld [smem:$0x3FA9]  }
0x2d: {  	s3 =	simm.s32 $0x108;
	s8 =	sld [smem:$0x3FAA]  }
0x2e: {  	s3 =	simm.s32 @!p0 $0x1082;
	s9 =	sld [smem:$0x3FAB]  }
0x2f: {  	lr =	sadd.s32 s0, s3;
	s0 =	sld [smem:$0x3FA2]  }
0x30: {  	s3 =	sld [smem:$0x3FA5]  }
0x31: {  	[smem:$0x3FAE] =	sst s10  }
0x32: {  	s10 =	sld [smem:$0x3FAC];
	_ =	sdelay $0x3  }
0x33: {  	p0 =	seq.s32 s10, $0x1;
	s10 =	sld [smem:$0x3FAE];
	_ =	sdelay $0x3  }
0x34: {  	[smem:$0x3FAE] =	sst s10  }
0x35: {  	s10 =	sld [smem:$0x3FAD];
	_ =	sdelay $0x3  }
0x36: {  	p1 =	seq.s32 s10, $0x1;
	s10 =	sld [smem:$0x3FAE];
	_ =	sdelay $0x3  }
0x37: {  	[smem:$0x3FAE] =	sst s10  }
0x38: {  	s10 =	sld [smem:$0x3FAF]  }
0x39: {  	_ = 	snop;
	(pc) =	sbr.ind lr, $3  }
0x3a: {  	_ = 	snop  }
0x3b: {  	_ = 	snop  }
0x3c: {  	p2 =	seq.s32 s10, $0x1;
	s10 =	sld [smem:$0x3FAE]  }
0x3d: {  	_ =	shalt  }
0x3e: {  	_ =	shalt  }
0x3f: {  	_ =	shalt  }
0x40: {  	_ =	shalt  }
0x41: {  	_ =	shalt  }
0x42: {  	_ =	shalt  }
0x43: {  	_ =	shalt  }
0x44: {  	_ =	shalt  }
0x45: {  	_ =	shalt  }
0x46: {  	_ =	shalt  }
0x47: {  	_ =	shalt  }
0x48: {  	_ =	shalt  }
0x49: {  	_ =	shalt  }
0x4a: {  	_ =	shalt  }
0x4b: {  	_ =	shalt  }
0x4c: {  	_ =	shalt  }
0x4d: {  	_ =	shalt  }
0x4e: {  	_ =	shalt  }
0x4f: {  	_ =	shalt  }
0x50: {  	_ =	shalt  }
0x51: {  	_ =	shalt  }
0x52: {  	_ =	shalt  }
0x53: {  	_ =	shalt  }
0x54: {  	_ =	shalt  }
0x55: {  	_ =	shalt  }
0x56: {  	_ =	shalt  }
0x57: {  	_ =	shalt  }
0x58: {  	_ =	shalt  }
0x59: {  	_ =	shalt  }
0x5a: {  	_ =	shalt  }
0x5b: {  	_ =	shalt  }
0x5c: {  	_ =	shalt  }
0x5d: {  	_ =	shalt  }
0x5e: {  	_ =	shalt  }
0x5f: {  	_ =	shalt  }
0x60: {  	_ =	shalt  }
0x61: {  	_ =	shalt  }
0x62: {  	_ =	shalt  }
0x63: {  	_ =	shalt  }
0x64: {  	_ =	shalt  }
0x65: {  	_ =	shalt  }
0x66: {  	_ =	shalt  }
0x67: {  	_ =	shalt  }
0x68: {  	_ =	shalt  }
0x69: {  	_ =	shalt  }
0x6a: {  	_ =	shalt  }
0x6b: {  	_ =	shalt  }
0x6c: {  	_ =	shalt  }
0x6d: {  	_ =	shalt  }
0x6e: {  	_ =	shalt  }
0x6f: {  	_ =	shalt  }
0x70: {  	_ =	shalt  }
0x71: {  	_ =	shalt  }
0x72: {  	_ =	shalt  }
0x73: {  	_ =	shalt  }
0x74: {  	_ =	shalt  }
0x75: {  	_ =	shalt  }
0x76: {  	_ =	shalt  }
0x77: {  	_ =	shalt  }
0x78: {  	_ =	shalt  }
0x79: {  	_ =	shalt  }
0x7a: {  	_ =	shalt  }
0x7b: {  	_ =	shalt  }
0x7c: {  	_ =	shalt  }
0x7d: {  	_ =	shalt  }
0x7e: {  	_ =	shalt  }
0x7f: {  	_ =	shalt  }
0x80: {  	_ =	shalt  }
0x81: {  	_ =	shalt  }
0x82: {  	_ =	shalt  }
0x83: {  	_ =	shalt  }
0x84: {  	_ =	shalt  }
0x85: {  	_ =	shalt  }
0x86: {  	_ =	shalt  }
0x87: {  	_ =	shalt  }
.Lfunc_end0:
.L_simem_size_0:
called_computation_lowered:
.L_overlay_start_0:
0x88: {  	s2 =	sld [smem:$0x3FD9]  }
0x89: {  	s3 =	sld [smem:$0x3FFE];
	_ =	sdelay $0x1  }
0x8a: {  	s1 =	srdreg.scid  }
0x8b: {  	s0 =	sand.u32 $0x1, s1  }
0x8c: {  	s17 =	sshll.u32 s0, $0xA;
	s2 =	sadd.s32 s3, s2  }
0x8d: {  	s2 =	sadd.s32 s2, s17  }
0x8e: {  	[smem:$0x3FBA] =	sst s2  }
0x8f: {  	_ = 	snop  }
0x90: {  	s2 =	sld [smem:$0x3FD0];
	(tm) =	ssettm $0x1  }
0x91: {  	s18 =	sld [smem:$0x3FFB];
	_ =	sdelay $0x3  }
0x92: {  	_ =	strace s18  }
0x93: {  	s3 =	sld [smem:$0x3FFC];
	_ =	sdelay $0x3  }
0x94: {  	_ =	strace s3  }
0x95: {  	s3 =	sld [smem:$0x3FFD];
	_ =	sdelay $0x3  }
0x96: {  	_ =	strace s3  }
0x97: {  	_ =	strace $0x8FFFFFFF  }
0x98: {  	s19 =	sld [smem:$0x3FDB];
	_ =	sdelay $0x1  }
0x99: {  	s4 =	simm.s32 $_scs_section_size  }
0x9a: {  	s5 =	simm.s32 $_size__tile_overlayer_lowered;
	s6 =	simm.s32 $_tile_overlayer_lowered  }
0x9b: {  	s22 =	simm.s32 $0x1BFF;
	s21 =	sshll.u32 s6, $0x1;
	s3 =	sadd.s32 s4, s19  }
0x9c: {  	s7 =	simm.s32 $0x0;
	s20 =	sshll.u32 s5, $0x1;
	s5 =	sadd.s32 s21, s3  }
0x9d: {  	[timem:s7], [sflag:s22] =	dma.local [hbm:s5], s20  }
0x9e: {  	_ =	swait.ge [sflag:s22], s20  }
0x9f: {  	s4 =	ssub.s32 $0x0, s20;
	[sflag:s22] =	ssyncset.done $0x0  }
0xa0: {  	[sflag:s22] =	ssyncadd.s32 s4;
	_ =	sdelay $0x1  }
0xa1: {  	s23 =	simm.s32 $0x1B8B  }
0xa2: {  	_ =	swait.ge [sflag:s23], $0x1  }
0xa3: {  	[sflag:s23] =	ssyncset.done $0x0  }
0xa4: {  	s25 =	simm.s32 $0x1B8E;
	s24 =	sld [smem:$0x3FFE];
	[sflag:s23] =	ssyncadd.s32 $0xFFFFFFFF  }
0xa5: {  	s26 =	simm.s32 $execute0_lowered;
	[smem:$0x3FD2] =	sst s25  }
0xa6: {  	s5 =	sshll.u32 s26, $0x1;
	_ =	strace $0x80000046;
	[dreg:$0x1] =	wrdreg $0xFFFFFFFF  }
0xa7: {  	s28 =	simm.s32 $_size_execute0_lowered;
	s3 =	sadd.s32 s3, s5;
	[dreg:$0x0] =	wrdreg $0x0  }
0xa8: {  	s5 =	sshll.u32 s28, $0x1;
	[dreg:$0x2] =	wrdreg s3  }
0xa9: {  	[dreg:$0x3] =	wrdreg s5  }
0xaa: {  	[dreg:$0x4] =	wrdreg $0xC0  }
0xab: {  	_ =	task [dreg:s7], $0x5FFFF  }
0xac: {  	[dreg:$0x1] =	wrdreg $0xFFFFFFFF  }
0xad: {  	[dreg:$0x0] =	wrdreg $0x60  }
0xae: {  	[dreg:$0x2] =	wrdreg s2  }
0xaf: {  	[dreg:$0x3] =	wrdreg s24  }
0xb0: {  	[dreg:$0x4] =	wrdreg $0xC3000  }
0xb1: {  	[dreg:$0x5] =	wrdreg $0x9  }
0xb2: {  	_ =	task.clear_ibuf [dreg:s7], $0x6FFFF;
	_ =	strace $0x90000046  }
0xb3: {  	s29 =	simm.s32 $0x9;
	_ =	strace $0x80000048  }
0xb4: {  	_ =	swait.ge [sflag:s29], $0x1  }
0xb5: {  	[sflag:s29] =	ssyncadd.s32 $0xFFFFFFFF  }
0xb6: {  	_ =	strace $0x90000048  }
0xb7: {  	_ =	sfence  }
0xb8: {  	s30 =	sld [smem:$0x0];
	_ =	sdelay $0x2  }
0xb9: {  	s31 =	sshll.u32 s1, $0xD;
	s1 =	sshrl.u32 s1, $0x2  }
0xba: {  	s3 =	sand.u32 $0x4000, s31;
	s1 =	sadd.s32 s1, s30  }
0xbb: {  	s0 =	sor.u32 s3, s0;
	s1 =	sshll.u32 s1, $0x11  }
0xbc: {  	s0 =	sor.u32 s1, s0  }
0xbd: {  	s0 =	sadd.s32 $0x8F2B, s0  }
0xbe: {  	[sflag:s0] =	ssyncadd.remote.s32 $0x1  }
0xbf: {  	_ =	sfence.sel $0xFFFF  }
0xc0: {  	[dreg:$0x0] =	wrdreg $0xFFFFFFFF;
	(pc) =	sbr.abs _section_cstart, $3  }
0xc1: {  	[dreg:$0x1] =	wrdreg $0xFFFFFFFF  }
0xc2: {  	_ =	task.clear_ibuf [dreg:s7], $0x2FFFF;
	_ =	strace $0x9FFFFFFF  }
0xc3: {  	(tm) =	ssettm $0x7FFFFFFF  }
tec
execute0_lowered:
.L_overlay_start_1:
0x0: {  	(tag) =	ssettag $0x1  }
0x1: {  	s1 =	rddreg [dreg:$0x0]  }
0x2: {  	s0 =	rddreg [dreg:$0x1]  }
0x3: {  	s2 =	rddreg [dreg:$0x2];
	s4 =	srdreg.scid;
	s3 =	simm.s32 $0x0  }
0x4: {  	s9 =	stileid.u32;
	s13 =	simm.s32 $0x1;
	s14 =	simm.s32 $0x80  }
0x5: {  	s15 =	simm.s32 $0x300;
	s16 =	simm.s32 $0xA;
	s19 =	simm.s32 $0x2  }
0x6: {  	s21 =	simm.s32 $0x4;
	s29 =	simm.s32 $0x9;
	s30 =	simm.s32 $0x7  }
0x7: {  	s31 =	simm.s32 $0xB;
	s4 =	sand.u32 $0x1, s4;
	s7 =	smul.u32 $0x4F000, s9  }
0x8: {  	[smem:$0x7FF] =	sst s3;
	s8 =	sadd.s32 $0x16200, s0;
	s25 =	smul.u32 $0x9E0, s9  }
0x9: {  	s24 =	sshll.u32 s9, $0x6;
	s5 =	smul.u32 $0x9E00, s4;
	_ =	strace $0x80000047  }
0xa: {  	s6 =	smul.u32 $0x27800, s4;
	s4 =	ssub.s32 $0x2, s4;
	[dreg:$0x4] =	wrdreg s8  }
0xb: {  	s18 =	smul.u32 $0x2780, s9;
	[dreg:$0x5] =	wrdreg s24;
	s23 =	sshrl.u32 s4, $0x1  }
0xc: {  	s7 =	sshrl.u32 s7, $0x2;
	s5 =	sadd.s32 s5, s0;
	s0 =	sadd.s32 s6, s0  }
0xd: {  	s4 =	ssub.s32 s4, s23;
	s7 =	sadd.s32 s7, s2;
	s6 =	sor.u32 $0x1C0A, s24  }
0xe: {  	[dreg:$0x6] =	wrdreg s6;
	s5 =	sadd.s32 $0x2600, s5;
	s4 =	smax.u32 s4, $0x1  }
0xf: {  	s0 =	sadd.s32 $0x18A00, s0;
	[dreg:$0x7] =	wrdreg s4;
	s26 =	sadd.s32 s25, s5  }
0x10: {  	s23 =	simm.s32 $0x8;
	s0 =	sadd.s32 s18, s0;
	[dreg:$0x8] =	wrdreg s26  }
0x11: {  	s9 =	sshrl.u32 s7, $0x3;
	s5 =	sadd.s32 $0x20, s26;
	[dreg:$0xb] =	wrdreg s0  }
0x12: {  	s25 =	simm.s32 $0x6;
	s28 =	sadd.s32 $0x40, s26;
	[dreg:$0x9] =	wrdreg s5  }
0x13: {  	s22 =	sadd.s32 $0x60, s26;
	s0 =	simm.s32 $0x0;
	[dreg:$0xa] =	wrdreg s28  }
.LBB2_1:
0x14: {  	s4 =	rddreg [dreg:$0x4]  }
0x15: {  	s5 =	rddreg [dreg:$0x6]  }
0x16: {  	[spmem:s9], [sflag:s5] =	dma.local [hbm:s4], $0x2780  }
0x17: {  	s4 =	rddreg [dreg:$0x8]  }
0x18: {  	[tilespmem:s3], [sflag:$0x1] =	stream.linear.gather [hbm4b:s4+s3], $0x100, $0x38;
	[tilespmem:$0x1FF00] =	vst v63  }
0x19: {  	s26 =	simm.s32 $0x100;
	s24 =	rddreg [dreg:$0x9]  }
0x1a: {  	[tilespmem:s26], [sflag:$0x2] =	stream.linear.gather [hbm4b:s24+s3], $0x100, $0x38;
	[tilespmem:$0x1FF00] =	vst v63  }
0x1b: {  	_ =	swait.ge [sflag:s13], $0x100  }
0x1c: {  	s11 =	simm.s32 $0x3;
	[sflag:s13] =	ssyncset.done $0x0  }
0x1d: {  	s5 =	smul.u32 $0xAB, s11;
	[sflag:s13] =	ssyncadd.s32 $0xFFFFFF00  }
0x1e: {  	[tilespmem:s15], [sflag:$0x4] =	stream.indirect.gather [hbm4b:s1+s14], $0x80, s3, s14, $0xb8;
	[tilespmem:$0x1FF00] =	vst v63  }
0x1f: {  	s5 =	sshrl.u32 s5, $0x9;
	_ =	swait.ge [sflag:s16], $0x2780  }
0x20: {  	s6 =	simm.s32 $0x200;
	s5 =	sand.u32 $0x7F, s5;
	[sflag:s16] =	ssyncset.done $0x0  }
0x21: {  	s8 =	simm.s32 $0x4300;
	s5 =	smul.u32 $0x3, s5;
	[sflag:s16] =	ssyncadd.s32 $0xFFFFD880  }
0x22: {  	s10 =	simm.s32 $0x2;
	s12 =	simm.s32 $0x1;
	[bflag:$0x0] =	sbarrier.arrive $0xFFFF  }
0x23: {  	s4 =	smul.u32 $0x56, s10;
	s5 =	ssub.s32 $0x3, s5;
	s7 =	rddreg [dreg:$0xa]  }
0x24: {  	[tilespmem:s6], [sflag:$0x3] =	stream.linear.gather [hbm4b:s7+s3], $0x100, $0x38;
	[tilespmem:$0x1FF00] =	vst v63  }
0x25: {  	s5 =	sand.u32 $0xFF, s5;
	s7 =	sshrl.u32 s4, $0x1F;
	s4 =	sshrl.u32 s4, $0x8  }
0x26: {  	_ =	swait.ge [sflag:s19], $0x100;
	s4 =	sadd.s32 s7, s4;
	s7 =	smul.u32 $0x56, s12  }
0x27: {  	s17 =	sshll.u32 s5, $0x8;
	[sflag:s19] =	ssyncset.done $0x0;
	s4 =	smul.u32 $0x3, s4  }
0x28: {  	[sflag:s19] =	ssyncadd.s32 $0xFFFFFF00;
	s18 =	sshrl.u32 s7, $0x8;
	s7 =	sshrl.u32 s7, $0x1F  }
0x29: {  	[tilespmem:s8], [sflag:$0x5] =	stream.indirect.gather [hbm4b:s1+s14], $0x80, s26, s14, $0xb8;
	[tilespmem:$0x1FF00] =	vst v63  }
0x2a: {  	s4 =	ssub.s32 $0x2, s4;
	s8 =	sadd.s32 $0x7, s5;
	s7 =	sadd.s32 s7, s18  }
0x2b: {  	s5 =	sadd.s32 $0x1, s5;
	s18 =	sadd.s32 $0x20, s22;
	_ =	swait.ge [sflag:s21], $0x4000  }
0x2c: {  	s4 =	sshll.u32 s4, $0x18;
	s7 =	smul.u32 $0x3, s7;
	[sflag:s21] =	ssyncset.done $0x0  }
0x2d: {  	s26 =	sshra.s32 s4, $0x18;
	s4 =	simm.s32 $0x4;
	[sflag:s21] =	ssyncadd.s32 $0xFFFFC000  }
0x2e: {  	[spmem:s2] =	stream.indirect.scatter.add.f32 [tilespmem:s15], [sflag:$0x7], $0x80, s14, s14, $0xb8;
	[tilespmem:$0x1FF00] =	vst v63  }
0x2f: {  	p0 =	slt.s32 s26, $0x0;
	s20 =	sadd.s32 $0x3, s26;
	_ =	swait.ge [sflag:s8], $0x4000  }
0x30: {  	s24 =	ssub.s32 $0x1, s7;
	s26 =	smov.u32 @p0 s20;
	[sflag:s8] =	ssyncset.done $0x0  }
0x31: {  	s28 =	sadd.s32 $0x1, s26;
	s20 =	sshll.u32 s26, $0x10;
	[sflag:s8] =	ssyncadd.s32 $0xFFFFC000  }
0x32: {  	[tilespmem:s17], [sflag:s5] =	stream.linear.gather [hbm4b:s22+s3], $0x100, $0x38;
	[tilespmem:$0x1FF00] =	vst v63  }
0x33: {  	s7 =	sshra.s32 s20, $0x2;
	s8 =	sshll.u32 s24, $0x18;
	s5 =	sadd.s32 $0x4, s26  }
.LBB2_2:
0x34: {  	s26 =	sshll.u32 s26, $0xA;
	_ =	swait.ge [sflag:s28], $0x100  }
0x35: {  	s8 =	sshra.s32 s8, $0x18;
	s12 =	smov.u32 s4;
	s20 =	smov.u32 s18  }
0x36: {  	[sflag:s28] =	ssyncset.done $0x0;
	p1 =	slt.s32 s8, $0x0;
	s6 =	sadd.s32 $0x3, s8  }
0x37: {  	s7 =	sor.u32 $0x300, s7;
	s26 =	sshra.s32 s26, $0x2;
	[sflag:s28] =	ssyncadd.s32 $0xFFFFFF00  }
0x38: {  	[tilespmem:s7], [sflag:s5] =	stream.indirect.gather [hbm4b:s1+s14], $0x80, s26, s14, $0xb8;
	[tilespmem:$0x1FF00] =	vst v63  }
0x39: {  	p0 =	sne.s32 s4, $0x4E;
	s8 =	smov.u32 @p1 s6;
	s5 =	sadd.s32 $0xFFFFFFFF, s4  }
0x3a: {  	s7 =	sshll.u32 s8, $0x10;
	s26 =	sshll.u32 s8, $0xA;
	s6 =	sshll.u32 s5, $0x18  }
0x3b: {  	s28 =	smul.u32 $0xAB, s4;
	s7 =	sshra.s32 s7, $0x2;
	s6 =	sshra.s32 s6, $0x18  }
0x3c: {  	s4 =	sadd.s32 $0x1, s4;
	s11 =	sshra.s32 s26, $0x2;
	s6 =	smul.u32 $0x56, s6  }
0x3d: {  	s26 =	sshrl.u32 s28, $0x9;
	s28 =	sadd.s32 $0x4, s8  }
0x3e: {  	s17 =	sshrl.u32 s6, $0x1F;
	s6 =	sshrl.u32 s6, $0x8;
	_ =	swait.ge [sflag:s28], $0x4000  }
0x3f: {  	s6 =	sadd.s32 s17, s6;
	[sflag:s28] =	ssyncset.done $0x0  }
0x40: {  	s17 =	sadd.s32 $0xFFFFFFFE, s12;
	[sflag:s28] =	ssyncadd.s32 $0xFFFFC000  }
0x41: {  	s26 =	sand.u32 $0x7F, s26;
	s6 =	smul.u32 $0x3, s6  }
0x42: {  	s8 =	sadd.s32 $0x7, s8;
	s26 =	smul.u32 $0x3, s26;
	s28 =	sshll.u32 s17, $0x18  }
0x43: {  	s7 =	sor.u32 $0x300, s7;
	s5 =	ssub.s32 s5, s6;
	s6 =	sshra.s32 s28, $0x18  }
0x44: {  	s12 =	ssub.s32 s12, s26;
	s5 =	sshll.u32 s5, $0x18;
	s6 =	smul.u32 $0x56, s6  }
0x45: {  	s12 =	sand.u32 $0xFF, s12;
	s26 =	sshra.s32 s5, $0x18;
	s5 =	sor.u32 $0x80, s11  }
0x46: {  	s11 =	sadd.s32 $0x7, s12;
	p1 =	slt.s32 s26, $0x0;
	s28 =	sshrl.u32 s6, $0x8  }
0x47: {  	s24 =	sadd.s32 $0x3, s26;
	s6 =	sshrl.u32 s6, $0x1F  }
0x48: {  	[spmem:s2] =	stream.indirect.scatter.add.f32 [tilespmem:s7], [sflag:s8], $0x80, s5, s14, $0xb8;
	[tilespmem:$0x1FF00] =	vst v63  }
0x49: {  	s5 =	sadd.s32 s6, s28  }
0x4a: {  	s10 =	sshll.u32 s12, $0x8;
	s26 =	smov.u32 @p1 s24;
	s6 =	smul.u32 $0x3, s5  }
.Ltmp0:
0x4b: {  	s28 =	sadd.s32 $0x1, s26;
	_ =	swait.ge [sflag:s11], $0x4000;
	(pc) =	sbr.rel @p0 .LBB2_2-.Ltmp0, $4  }
0x4c: {  	s18 =	sadd.s32 $0x20, s18;
	s5 =	sadd.s32 $0x4, s26;
	[sflag:s11] =	ssyncset.done $0x0  }
0x4d: {  	s7 =	sshll.u32 s26, $0x10;
	s6 =	ssub.s32 s17, s6;
	[sflag:s11] =	ssyncadd.s32 $0xFFFFC000  }
0x4e: {  	s7 =	sshra.s32 s7, $0x2;
	s11 =	sadd.s32 $0x1, s12;
	s8 =	sshll.u32 s6, $0x18  }
0x4f: {  	[tilespmem:s10], [sflag:s11] =	stream.linear.gather [hbm4b:s20+s3], $0x100, $0x38;
	[tilespmem:$0x1FF00] =	vst v63  }
0x50: {  	s4 =	sshll.u32 s26, $0xA  }
0x51: {  	_ =	swait.ge [sflag:s28], $0x100;
	s6 =	sshra.s32 s8, $0x18;
	s7 =	sor.u32 $0x300, s7  }
0x52: {  	[sflag:s28] =	ssyncset.done $0x0;
	p0 =	slt.s32 s6, $0x0;
	s8 =	sadd.s32 $0x3, s6  }
0x53: {  	s4 =	sshra.s32 s4, $0x2;
	[sflag:s28] =	ssyncadd.s32 $0xFFFFFF00;
	s6 =	smov.u32 @p0 s8  }
0x54: {  	[tilespmem:s7], [sflag:s5] =	stream.indirect.gather [hbm4b:s1+s14], $0x80, s4, s14, $0xb8;
	[tilespmem:$0x1FF00] =	vst v63  }
0x55: {  	s8 =	sadd.s32 $0x4, s6;
	s10 =	sshll.u32 s6, $0x10  }
0x56: {  	s11 =	sshll.u32 s6, $0xA;
	s12 =	sadd.s32 $0x7, s6;
	_ =	swait.ge [sflag:s8], $0x4000  }
0x57: {  	s5 =	sshra.s32 s10, $0x2;
	s7 =	sshra.s32 s11, $0x2;
	[sflag:s8] =	ssyncset.done $0x0  }
0x58: {  	s5 =	sor.u32 $0x300, s5;
	s17 =	sor.u32 $0x80, s7;
	[sflag:s8] =	ssyncadd.s32 $0xFFFFC000  }
0x59: {  	[spmem:s2] =	stream.indirect.scatter.add.f32 [tilespmem:s5], [sflag:s12], $0x80, s17, s14, $0xb8;
	[tilespmem:$0x1FF00] =	vst v63  }
0x5a: {  	_ =	swait.ge [sflag:s23], $0x4000  }
0x5b: {  	[sflag:s23] =	ssyncset.done $0x0  }
0x5c: {  	[sflag:s23] =	ssyncadd.s32 $0xFFFFC000  }
0x5d: {  	_ =	swait.ge [sflag:s13], $0x100  }
0x5e: {  	[sflag:s13] =	ssyncset.done $0x0  }
0x5f: {  	[sflag:s13] =	ssyncadd.s32 $0xFFFFFF00  }
0x60: {  	[tilespmem:s15], [sflag:$0x4] =	stream.indirect.gather [hbm4b:s1+s14], $0x80, s3, s14, $0xb8;
	[tilespmem:$0x1FF00] =	vst v63  }
0x61: {  	_ =	swait.ge [sflag:s25], $0x4000  }
0x62: {  	[sflag:s25] =	ssyncset.done $0x0  }
0x63: {  	s18 =	simm.s32 $0x280;
	s20 =	simm.s32 $0x8300;
	[sflag:s25] =	ssyncadd.s32 $0xFFFFC000  }
0x64: {  	[spmem:s2] =	stream.indirect.scatter.add.f32 [tilespmem:s20], [sflag:$0x9], $0x80, s18, s14, $0xb8;
	[tilespmem:$0x1FF00] =	vst v63  }
0x65: {  	_ =	swait.ge [sflag:s29], $0x4000  }
0x66: {  	[sflag:s29] =	ssyncset.done $0x0  }
0x67: {  	[sflag:s29] =	ssyncadd.s32 $0xFFFFC000  }
0x68: {  	_ =	swait.ge [sflag:s21], $0x4000  }
0x69: {  	[sflag:s21] =	ssyncset.done $0x0  }
0x6a: {  	[sflag:s21] =	ssyncadd.s32 $0xFFFFC000  }
0x6b: {  	[spmem:s2] =	stream.indirect.scatter.add.f32 [tilespmem:s15], [sflag:$0x7], $0x80, s14, s14, $0xb8;
	[tilespmem:$0x1FF00] =	vst v63  }
0x6c: {  	_ =	swait.ge [sflag:s30], $0x4000  }
0x6d: {  	[sflag:s30] =	ssyncset.done $0x0  }
0x6e: {  	[sflag:s30] =	ssyncadd.s32 $0xFFFFC000  }
0x6f: {  	[bflag:$0x0] =	sbarrier.arrive $0xFFFF  }
0x70: {  	s24 =	rddreg [dreg:$0x5]  }
0x71: {  	s26 =	rddreg [dreg:$0xb];
	s4 =	sor.u32 $0x1C0B, s24  }
0x72: {  	[hbm:s26], [sflag:s4] =	dma.local [spmem:s9], $0x2780  }
0x73: {  	_ =	swait.ge [sflag:s31], $0x2780  }
0x74: {  	s0 =	sadd.s32 $0x1, s0;
	s28 =	rddreg [dreg:$0x7]  }
0x75: {  	p0 =	sne.s32 s0, s28  }
.Ltmp1:
0x76: {  	_ = 	snop;
	(pc) =	sbr.rel @p0 .LBB2_1-.Ltmp1, $3  }
0x77: {  	_ =	sdelay $0x1  }
0x78: {  	[sflag:s31] =	ssyncset.done $0x0  }
0x79: {  	[sflag:s31] =	ssyncadd.s32 $0xFFFFD880  }
0x7a: {  	_ =	sfence.sel $0x180000  }
0x7b: {  	[bflag:$0x0] =	sbarrier.arrive $0xFFFF  }
0x7c: {  	_ =	strace $0x90000047  }
0x7d: {  	s0 =	stileid.u32;
	[bflag:$0x2] =	sbarrier.arrive $0xFFFF  }
0x7e: {  	p0 =	sne.s32 s0, $0x0;
	s0 =	rddreg [dreg:$0x3]  }
0x7f: {  	s0 =	sadd.s32 @!p0 $0x100000, s0  }
0x80: {  	[sflag:s0] =	ssyncadd.tile.s32 @!p0 $0x1;
	_ =	shalt  }
.Lfunc_end2:
_tile_overlayer_lowered:
.L_overlay_start_2:
0x81: {  	(tag) =	ssettag $0x2  }
0x82: {  	s0 =	rddreg [dreg:$0x0];
	s2 =	stileid.u32  }
0x83: {  	s1 =	rddreg [dreg:$0x1];
	p0 =	sne.s32 s2, $0x0  }
0x84: {  	s3 =	rddreg [dreg:$0x2];
	[bflag:$0x3] =	sbarrier.arrive $0xFFFF;
	s2 =	simm.s32 @!p0 $0x1C0B  }
0x85: {  	[timem:s3], [sflag:s2] =	dma.local @!p0 [hbm:s0], s1  }
0x86: {  	s0 =	simm.s32 @!p0 $0xB  }
0x87: {  	_ =	swait.ge @!p0 [sflag:s0], s1  }
0x88: {  	s1 =	ssub.s32 @!p0 $0x0, s1;
	[sflag:s0] =	ssyncset.done @!p0 $0x0  }
0x89: {  	[sflag:s0] =	ssyncadd.s32 @!p0 s1  }
0x8a: {  	[bflag:$0x3] =	sbarrier.arrive $0xFFFF  }
0x8b: {  	_ =	shalt  }

</sc_bundles>
